<compile_context>
chip_gen: v7x
topology: tpu7x:2x2x1
jax: 0.10.2.dev20260603
libtpu: 0.0.44.dev20260713+nightly
codegen_flags: <defaults>
</compile_context>

<pallas_src>
import jax
import jax.numpy as jnp
from jax.experimental import pallas as pl
from jax.experimental.pallas import tpu as pltpu
from jax.experimental.pallas import tpu_sc as plsc

_SHIFTS = (0, 1, 3)
_RB = 80
_HALF = 256
_V = 16


def _sc_kernel(x_hbm, o_hbm, buf_a, buf_b, st1a, st3a, st1b, st3b, sems):
    n, b = x_hbm.shape
    core = jax.lax.axis_index("core")
    sub = jax.lax.axis_index("subcore")
    base = (core * 16 + sub) * (2 * _HALF)
    n_pair = n // (2 * _RB)

    def do_block(a, cols, buf, st1, st3, sem0):
        cp_main = pltpu.make_async_copy(
            x_hbm.at[pl.ds(a, _RB), cols], buf.at[pl.ds(0, _RB)], sems.at[0])
        cp_head = pltpu.make_async_copy(
            x_hbm.at[pl.ds((a + _RB) % n, 8), cols], buf.at[pl.ds(_RB, 8)],
            sems.at[1])
        cp_main.start()
        cp_head.start()
        cp_main.wait()
        cp_head.wait()
        cps = [pltpu.make_async_copy(
            buf.at[pl.ds(0, _RB)], o_hbm.at[0, pl.ds(a, _RB), cols],
            sems.at[sem0])]
        cps[0].start()
        for j, (k, s, stage) in enumerate(((1, 1, st1), (2, 3, st3))):
            @pl.loop(0, _RB)
            def _(r, s=s, stage=stage):
                for c in range(0, _HALF, _V):
                    stage[r, pl.ds(c, _V)] = buf[r + s, pl.ds(c, _V)]

            cpk = pltpu.make_async_copy(
                stage.at[pl.ds(0, _RB)], o_hbm.at[k, pl.ds(a, _RB), cols],
                sems.at[sem0 + 1 + j])
            cpk.start()
            cps.append(cpk)
        return cps

    for half in range(2):
        cols = pl.ds(base + half * _HALF, _HALF)

        @pl.loop(0, n_pair)
        def _(t, cols=cols):
            a = pl.multiple_of(t * (2 * _RB), 8)
            cps_a = do_block(a, cols, buf_a, st1a, st3a, 2)
            cps_b = do_block(a + _RB, cols, buf_b, st1b, st3b, 5)
            for cp in cps_a + cps_b:
                cp.wait()


def kernel(x_all):
    b, n = x_all.shape
    g = len(_SHIFTS)
    xt = x_all.T
    mesh = plsc.VectorSubcoreMesh(core_axis_name="core",
                                  subcore_axis_name="subcore")
    yt = pl.kernel(
        _sc_kernel,
        out_type=jax.ShapeDtypeStruct((g, n, b), x_all.dtype),
        mesh=mesh,
        scratch_types=[
            pltpu.VMEM((_RB + 8, _HALF), jnp.float32),
            pltpu.VMEM((_RB + 8, _HALF), jnp.float32),
            pltpu.VMEM((_RB, _HALF), jnp.float32),
            pltpu.VMEM((_RB, _HALF), jnp.float32),
            pltpu.VMEM((_RB, _HALF), jnp.float32),
            pltpu.VMEM((_RB, _HALF), jnp.float32),
            pltpu.SemaphoreType.DMA((8,)),
        ],
    )(xt)
    return yt.transpose(2, 1, 0)

# --- scband reference (transcript-rebuilt; emitter-appended) ---
"""Pipeline reference for scband-shifted-grouped-tokenizer-57019985822026 (READ-ONLY COPY).

The authoritative reference and input builder live on the scoring server;
editing this copy changes nothing except your own understanding.
"""

import jax, jax.numpy as jnp
import numpy as np

GROUP_SHIFTS = (0, 1, 3)


def setup_inputs(seed: int = 0) -> dict:
    key = jax.random.key(seed)
    x_all = jax.random.normal(key, (16384, 1600), dtype=jnp.float32)
    return {"x_all": x_all}


def reference(x_all):
    # Faithful translation of ShiftedGroupedTokenizer.forward.
    # torch.roll(arange(n), -shift)[i] == (i + shift) % n, same as jnp.roll.
    n_features = x_all.shape[-1]
    base_idx = jnp.arange(n_features)
    shifted = [jnp.take(x_all, jnp.roll(base_idx, -shift), axis=-1) for shift in GROUP_SHIFTS]
    # Original returns (stacked, None); the None carries no data, so return the array.
    return jnp.stack(shifted, axis=-1)

if __name__ == "__main__":
    import jax
    _d = setup_inputs()
    print(jax.jit(kernel)(*tuple(_d.values())))

</pallas_src>

<mosaic_0001>
#map = affine_map<(d0, d1) -> (0, 0)>
#map1 = affine_map<(d0, d1) -> (0, 0, 0)>
module attributes {stable_mosaic.version = 14 : i64} {
  func.func @_sc_kernel(%arg0: i32, %arg1: i32, %arg2: memref<1600x16384xf32, #tpu.memory_space<hbm>>, %arg3: memref<3x1600x16384xf32, #tpu.memory_space<hbm>>, %arg4: memref<88x256xf32, #tpu.memory_space<vmem>>, %arg5: memref<88x256xf32, #tpu.memory_space<vmem>>, %arg6: memref<80x256xf32, #tpu.memory_space<vmem>>, %arg7: memref<80x256xf32, #tpu.memory_space<vmem>>, %arg8: memref<80x256xf32, #tpu.memory_space<vmem>>, %arg9: memref<80x256xf32, #tpu.memory_space<vmem>>, %arg10: memref<8x!tpu.dma_semaphore, #tpu.memory_space<semaphore_mem>>) attributes {dimension_semantics = [#tpu.dimension_semantics<core_parallel>, #tpu.dimension_semantics<subcore_parallel>], iteration_bounds = array<i64: 2, 16>, scalar_prefetch = 0 : i64, scratch_operands = 7 : i64, tpu.core_type = #tpu.core_type<sc_vector_subcore>, window_params = [{transform_indices = #map}, {transform_indices = #map1}]} {
    %mul3A = arith.constant 16 : i32
    %mul3A_0 = arith.muli %arg0, %mul3A : i32
    %add3A = arith.addi %mul3A_0, %arg1 : i32
    %mul3A_1 = arith.constant 512 : i32
    %mul3A_2 = arith.muli %add3A, %mul3A_1 : i32
    %add3A_3 = arith.constant 0 : i32
    %add3A_4 = arith.addi %mul3A_2, %add3A_3 : i32
    %scan3A = arith.constant 0 : i32
    %scan3A_5 = arith.constant 10 : i32
    %scan3A_6 = arith.addi %scan3A, %scan3A_5 : i32
    %scan3A_7 = arith.constant 1 : i32
    scf.for %scan3A_16 = %scan3A to %scan3A_6 step %scan3A_7  : i32 {
      %mul3A_17 = arith.constant 1 : i32
      %mul3A_18 = arith.muli %scan3A_16, %mul3A_17 : i32
      %add3A_19 = arith.constant 0 : i32
      %add3A_20 = arith.addi %add3A_19, %mul3A_18 : i32
      %mul3A_21 = arith.constant 160 : i32
      %mul3A_22 = arith.muli %add3A_20, %mul3A_21 : i32
      %multiple_of3A = tpu.assume_multiple %mul3A_22, 8 : i32
      %add3A_23 = arith.constant 80 : i32
      %add3A_24 = arith.addi %multiple_of3A, %add3A_23 : i32
      %jit3A = arith.constant 1600 : i32
      %eq3A = arith.constant 0 : i32
      %eq3A_25 = arith.cmpi eq, %jit3A, %eq3A : i32
      %jit3A_26 = arith.constant 1 : i32
      %select_n3A = arith.select %eq3A_25, %jit3A_26, %jit3A : i32
      %rem3A = arith.remsi %add3A_24, %select_n3A : i32
      %ne3A = arith.constant 0 : i32
      %ne3A_27 = arith.cmpi ne, %rem3A, %ne3A : i32
      %lt3A = arith.constant 0 : i32
      %lt3A_28 = arith.cmpi slt, %rem3A, %lt3A : i32
      %lt3A_29 = arith.constant 0 : i32
      %lt3A_30 = arith.cmpi slt, %select_n3A, %lt3A_29 : i32
      %ne3A_31 = arith.xori %lt3A_28, %lt3A_30 : i1
      %and3A = arith.andi %ne3A_31, %ne3A_27 : i1
      %add3A_32 = arith.addi %rem3A, %select_n3A : i32
      %select_n3A_33 = arith.select %and3A, %add3A_32, %rem3A : i32
      %dma_start3A = arith.constant 0 : i32
      %dma_start3A_34 = arith.constant 0 : i32
      %dma_start3A_35 = arith.constant 0 : i32
      %dma_start3A_36 = tpu.memref_slice %arg4[%dma_start3A_34, %dma_start3A_35] : memref<88x256xf32, #tpu.memory_space<vmem>> -> memref<80x256xf32, #tpu.memory_space<vmem>>
      %dma_start3A_37 = tpu.memref_slice %arg2[%multiple_of3A, %add3A_4] : memref<1600x16384xf32, #tpu.memory_space<hbm>> -> memref<80x256xf32, #tpu.memory_space<hbm>>
      %dma_start3A_38 = tpu.memref_slice %arg10[%dma_start3A] : memref<8x!tpu.dma_semaphore, #tpu.memory_space<semaphore_mem>> -> memref<1x!tpu.dma_semaphore, #tpu.memory_space<semaphore_mem>>
      %dma_start3A_39 = tpu.memref_squeeze %dma_start3A_38 : memref<1x!tpu.dma_semaphore, #tpu.memory_space<semaphore_mem>> -> memref<!tpu.dma_semaphore, #tpu.memory_space<semaphore_mem>>
      %dma_start3A_40 = arith.constant 0 : i32
      %dma_start3A_41 = arith.constant 0 : i32
      %dma_start3A_42 = tpu.memref_slice %arg4[%dma_start3A_40, %dma_start3A_41] : memref<88x256xf32, #tpu.memory_space<vmem>> -> memref<80x256xf32, #tpu.memory_space<vmem>>
      %dma_start3A_43 = tpu.memref_slice %arg2[%multiple_of3A, %add3A_4] : memref<1600x16384xf32, #tpu.memory_space<hbm>> -> memref<80x256xf32, #tpu.memory_space<hbm>>
      tpu.enqueue_dma source(%dma_start3A_43 : memref<80x256xf32, #tpu.memory_space<hbm>>) target(%dma_start3A_42 : memref<80x256xf32, #tpu.memory_space<vmem>>) target_semaphore(%dma_start3A_39 : memref<!tpu.dma_semaphore, #tpu.memory_space<semaphore_mem>>)
      %dma_start3A_44 = arith.constant 1 : i32
      %dma_start3A_45 = arith.constant 80 : i32
      %dma_start3A_46 = arith.constant 0 : i32
      %dma_start3A_47 = tpu.memref_slice %arg4[%dma_start3A_45, %dma_start3A_46] : memref<88x256xf32, #tpu.memory_space<vmem>> -> memref<8x256xf32, #tpu.memory_space<vmem>>
      %dma_start3A_48 = tpu.memref_slice %arg2[%select_n3A_33, %add3A_4] : memref<1600x16384xf32, #tpu.memory_space<hbm>> -> memref<8x256xf32, #tpu.memory_space<hbm>>
      %dma_start3A_49 = tpu.memref_slice %arg10[%dma_start3A_44] : memref<8x!tpu.dma_semaphore, #tpu.memory_space<semaphore_mem>> -> memref<1x!tpu.dma_semaphore, #tpu.memory_space<semaphore_mem>>
      %dma_start3A_50 = tpu.memref_squeeze %dma_start3A_49 : memref<1x!tpu.dma_semaphore, #tpu.memory_space<semaphore_mem>> -> memref<!tpu.dma_semaphore, #tpu.memory_space<semaphore_mem>>
      %dma_start3A_51 = arith.constant 80 : i32
      %dma_start3A_52 = arith.constant 0 : i32
      %dma_start3A_53 = tpu.memref_slice %arg4[%dma_start3A_51, %dma_start3A_52] : memref<88x256xf32, #tpu.memory_space<vmem>> -> memref<8x256xf32, #tpu.memory_space<vmem>>
      %dma_start3A_54 = tpu.memref_slice %arg2[%select_n3A_33, %add3A_4] : memref<1600x16384xf32, #tpu.memory_space<hbm>> -> memref<8x256xf32, #tpu.memory_space<hbm>>
      tpu.enqueue_dma source(%dma_start3A_54 : memref<8x256xf32, #tpu.memory_space<hbm>>) target(%dma_start3A_53 : memref<8x256xf32, #tpu.memory_space<vmem>>) target_semaphore(%dma_start3A_50 : memref<!tpu.dma_semaphore, #tpu.memory_space<semaphore_mem>>)
      %dma_wait3A = arith.constant 0 : i32
      %dma_wait3A_55 = arith.constant 0 : i32
      %dma_wait3A_56 = arith.constant 0 : i32
      %dma_wait3A_57 = tpu.memref_slice %arg4[%dma_wait3A_55, %dma_wait3A_56] : memref<88x256xf32, #tpu.memory_space<vmem>> -> memref<80x256xf32, #tpu.memory_space<vmem>>
      %dma_wait3A_58 = tpu.memref_slice %arg2[%multiple_of3A, %add3A_4] : memref<1600x16384xf32, #tpu.memory_space<hbm>> -> memref<80x256xf32, #tpu.memory_space<hbm>>
      %dma_wait3A_59 = tpu.memref_slice %arg10[%dma_wait3A] : memref<8x!tpu.dma_semaphore, #tpu.memory_space<semaphore_mem>> -> memref<1x!tpu.dma_semaphore, #tpu.memory_space<semaphore_mem>>
      %dma_wait3A_60 = tpu.memref_squeeze %dma_wait3A_59 : memref<1x!tpu.dma_semaphore, #tpu.memory_space<semaphore_mem>> -> memref<!tpu.dma_semaphore, #tpu.memory_space<semaphore_mem>>
      %dma_wait3A_61 = arith.constant 0 : i32
      %dma_wait3A_62 = arith.constant 0 : i32
      %dma_wait3A_63 = tpu.memref_slice %arg4[%dma_wait3A_61, %dma_wait3A_62] : memref<88x256xf32, #tpu.memory_space<vmem>> -> memref<80x256xf32, #tpu.memory_space<vmem>>
      %dma_wait3A_64 = tpu.memref_slice %arg2[%multiple_of3A, %add3A_4] : memref<1600x16384xf32, #tpu.memory_space<hbm>> -> memref<80x256xf32, #tpu.memory_space<hbm>>
      tpu.wait_dma2 semaphore(%dma_wait3A_60 : memref<!tpu.dma_semaphore, #tpu.memory_space<semaphore_mem>>) src(%dma_wait3A_64 : memref<80x256xf32, #tpu.memory_space<hbm>>) dst(%dma_wait3A_63 : memref<80x256xf32, #tpu.memory_space<vmem>>)
      %dma_wait3A_65 = arith.constant 1 : i32
      %dma_wait3A_66 = arith.constant 80 : i32
      %dma_wait3A_67 = arith.constant 0 : i32
      %dma_wait3A_68 = tpu.memref_slice %arg4[%dma_wait3A_66, %dma_wait3A_67] : memref<88x256xf32, #tpu.memory_space<vmem>> -> memref<8x256xf32, #tpu.memory_space<vmem>>
      %dma_wait3A_69 = tpu.memref_slice %arg2[%select_n3A_33, %add3A_4] : memref<1600x16384xf32, #tpu.memory_space<hbm>> -> memref<8x256xf32, #tpu.memory_space<hbm>>
      %dma_wait3A_70 = tpu.memref_slice %arg10[%dma_wait3A_65] : memref<8x!tpu.dma_semaphore, #tpu.memory_space<semaphore_mem>> -> memref<1x!tpu.dma_semaphore, #tpu.memory_space<semaphore_mem>>
      %dma_wait3A_71 = tpu.memref_squeeze %dma_wait3A_70 : memref<1x!tpu.dma_semaphore, #tpu.memory_space<semaphore_mem>> -> memref<!tpu.dma_semaphore, #tpu.memory_space<semaphore_mem>>
      %dma_wait3A_72 = arith.constant 80 : i32
      %dma_wait3A_73 = arith.constant 0 : i32
      %dma_wait3A_74 = tpu.memref_slice %arg4[%dma_wait3A_72, %dma_wait3A_73] : memref<88x256xf32, #tpu.memory_space<vmem>> -> memref<8x256xf32, #tpu.memory_space<vmem>>
      %dma_wait3A_75 = tpu.memref_slice %arg2[%select_n3A_33, %add3A_4] : memref<1600x16384xf32, #tpu.memory_space<hbm>> -> memref<8x256xf32, #tpu.memory_space<hbm>>
      tpu.wait_dma2 semaphore(%dma_wait3A_71 : memref<!tpu.dma_semaphore, #tpu.memory_space<semaphore_mem>>) src(%dma_wait3A_75 : memref<8x256xf32, #tpu.memory_space<hbm>>) dst(%dma_wait3A_74 : memref<8x256xf32, #tpu.memory_space<vmem>>)
      %dma_start3A_76 = arith.constant 0 : i32
      %dma_start3A_77 = arith.constant 2 : i32
      %dma_start3A_78 = arith.constant 0 : i32
      %dma_start3A_79 = arith.constant 0 : i32
      %dma_start3A_80 = tpu.memref_slice %arg4[%dma_start3A_78, %dma_start3A_79] : memref<88x256xf32, #tpu.memory_space<vmem>> -> memref<80x256xf32, #tpu.memory_space<vmem>>
      %dma_start3A_81 = tpu.memref_slice %arg3[%dma_start3A_76, %multiple_of3A, %add3A_4] : memref<3x1600x16384xf32, #tpu.memory_space<hbm>> -> memref<1x80x256xf32, #tpu.memory_space<hbm>>
      %dma_start3A_82 = tpu.memref_squeeze %dma_start3A_81 : memref<1x80x256xf32, #tpu.memory_space<hbm>> -> memref<80x256xf32, #tpu.memory_space<hbm>>
      %dma_start3A_83 = tpu.memref_slice %arg10[%dma_start3A_77] : memref<8x!tpu.dma_semaphore, #tpu.memory_space<semaphore_mem>> -> memref<1x!tpu.dma_semaphore, #tpu.memory_space<semaphore_mem>>
      %dma_start3A_84 = tpu.memref_squeeze %dma_start3A_83 : memref<1x!tpu.dma_semaphore, #tpu.memory_space<semaphore_mem>> -> memref<!tpu.dma_semaphore, #tpu.memory_space<semaphore_mem>>
      %dma_start3A_85 = tpu.memref_slice %arg3[%dma_start3A_76, %multiple_of3A, %add3A_4] : memref<3x1600x16384xf32, #tpu.memory_space<hbm>> -> memref<1x80x256xf32, #tpu.memory_space<hbm>>
      %dma_start3A_86 = tpu.memref_squeeze %dma_start3A_85 : memref<1x80x256xf32, #tpu.memory_space<hbm>> -> memref<80x256xf32, #tpu.memory_space<hbm>>
      %dma_start3A_87 = arith.constant 0 : i32
      %dma_start3A_88 = arith.constant 0 : i32
      %dma_start3A_89 = tpu.memref_slice %arg4[%dma_start3A_87, %dma_start3A_88] : memref<88x256xf32, #tpu.memory_space<vmem>> -> memref<80x256xf32, #tpu.memory_space<vmem>>
      tpu.enqueue_dma source(%dma_start3A_89 : memref<80x256xf32, #tpu.memory_space<vmem>>) target(%dma_start3A_86 : memref<80x256xf32, #tpu.memory_space<hbm>>) target_semaphore(%dma_start3A_84 : memref<!tpu.dma_semaphore, #tpu.memory_space<semaphore_mem>>)
      %scan3A_90 = arith.constant 0 : i32
      %scan3A_91 = arith.constant 80 : i32
      %scan3A_92 = arith.addi %scan3A_90, %scan3A_91 : i32
      %scan3A_93 = arith.constant 1 : i32
      scf.for %scan3A_328 = %scan3A_90 to %scan3A_92 step %scan3A_93  : i32 {
        %mul3A_329 = arith.constant 1 : i32
        %mul3A_330 = arith.muli %scan3A_328, %mul3A_329 : i32
        %add3A_331 = arith.constant 0 : i32
        %add3A_332 = arith.addi %add3A_331, %mul3A_330 : i32
        %add3A_333 = arith.constant 1 : i32
        %add3A_334 = arith.addi %add3A_332, %add3A_333 : i32
        %get3A = arith.index_cast %add3A_334 : i32 to index
        %get3A_335 = arith.constant 0 : index
        %get3A_336 = tpu.vector_load %arg4[%get3A, %get3A_335] {strides = array<i32>} : memref<88x256xf32, #tpu.memory_space<vmem>>, vector<1x16xf32>,
        %get3A_337 = vector.shape_cast %get3A_336 : vector<1x16xf32> to vector<16xf32>
        %swap3A = arith.index_cast %add3A_332 : i32 to index
        %swap3A_338 = arith.constant 0 : index
        %swap3A_339 = tpu.vector_load %arg6[%swap3A, %swap3A_338] {strides = array<i32>} : memref<80x256xf32, #tpu.memory_space<vmem>>, vector<1x16xf32>,
        %swap3A_340 = vector.shape_cast %swap3A_339 : vector<1x16xf32> to vector<16xf32>
        %swap3A_341 = vector.shape_cast %get3A_337 : vector<16xf32> to vector<1x16xf32>
        tpu.vector_store %arg6[%swap3A, %swap3A_338], %swap3A_341 {strides = array<i32>} : memref<80x256xf32, #tpu.memory_space<vmem>>, vector<1x16xf32>,
        %add3A_342 = arith.constant 1 : i32
        %add3A_343 = arith.addi %add3A_332, %add3A_342 : i32
        %get3A_344 = arith.index_cast %add3A_343 : i32 to index
        %get3A_345 = arith.constant 16 : index
        %get3A_346 = tpu.vector_load %arg4[%get3A_344, %get3A_345] {strides = array<i32>} : memref<88x256xf32, #tpu.memory_space<vmem>>, vector<1x16xf32>,
        %get3A_347 = vector.shape_cast %get3A_346 : vector<1x16xf32> to vector<16xf32>
        %swap3A_348 = arith.index_cast %add3A_332 : i32 to index
        %swap3A_349 = arith.constant 16 : index
        %swap3A_350 = tpu.vector_load %arg6[%swap3A_348, %swap3A_349] {strides = array<i32>} : memref<80x256xf32, #tpu.memory_space<vmem>>, vector<1x16xf32>,
        %swap3A_351 = vector.shape_cast %swap3A_350 : vector<1x16xf32> to vector<16xf32>
        %swap3A_352 = vector.shape_cast %get3A_347 : vector<16xf32> to vector<1x16xf32>
        tpu.vector_store %arg6[%swap3A_348, %swap3A_349], %swap3A_352 {strides = array<i32>} : memref<80x256xf32, #tpu.memory_space<vmem>>, vector<1x16xf32>,
        %add3A_353 = arith.constant 1 : i32
        %add3A_354 = arith.addi %add3A_332, %add3A_353 : i32
        %get3A_355 = arith.index_cast %add3A_354 : i32 to index
        %get3A_356 = arith.constant 32 : index
        %get3A_357 = tpu.vector_load %arg4[%get3A_355, %get3A_356] {strides = array<i32>} : memref<88x256xf32, #tpu.memory_space<vmem>>, vector<1x16xf32>,
        %get3A_358 = vector.shape_cast %get3A_357 : vector<1x16xf32> to vector<16xf32>
        %swap3A_359 = arith.index_cast %add3A_332 : i32 to index
        %swap3A_360 = arith.constant 32 : index
        %swap3A_361 = tpu.vector_load %arg6[%swap3A_359, %swap3A_360] {strides = array<i32>} : memref<80x256xf32, #tpu.memory_space<vmem>>, vector<1x16xf32>,
        %swap3A_362 = vector.shape_cast %swap3A_361 : vector<1x16xf32> to vector<16xf32>
        %swap3A_363 = vector.shape_cast %get3A_358 : vector<16xf32> to vector<1x16xf32>
        tpu.vector_store %arg6[%swap3A_359, %swap3A_360], %swap3A_363 {strides = array<i32>} : memref<80x256xf32, #tpu.memory_space<vmem>>, vector<1x16xf32>,
        %add3A_364 = arith.constant 1 : i32
        %add3A_365 = arith.addi %add3A_332, %add3A_364 : i32
        %get3A_366 = arith.index_cast %add3A_365 : i32 to index
        %get3A_367 = arith.constant 48 : index
        %get3A_368 = tpu.vector_load %arg4[%get3A_366, %get3A_367] {strides = array<i32>} : memref<88x256xf32, #tpu.memory_space<vmem>>, vector<1x16xf32>,
        %get3A_369 = vector.shape_cast %get3A_368 : vector<1x16xf32> to vector<16xf32>
        %swap3A_370 = arith.index_cast %add3A_332 : i32 to index
        %swap3A_371 = arith.constant 48 : index
        %swap3A_372 = tpu.vector_load %arg6[%swap3A_370, %swap3A_371] {strides = array<i32>} : memref<80x256xf32, #tpu.memory_space<vmem>>, vector<1x16xf32>,
        %swap3A_373 = vector.shape_cast %swap3A_372 : vector<1x16xf32> to vector<16xf32>
        %swap3A_374 = vector.shape_cast %get3A_369 : vector<16xf32> to vector<1x16xf32>
        tpu.vector_store %arg6[%swap3A_370, %swap3A_371], %swap3A_374 {strides = array<i32>} : memref<80x256xf32, #tpu.memory_space<vmem>>, vector<1x16xf32>,
        %add3A_375 = arith.constant 1 : i32
        %add3A_376 = arith.addi %add3A_332, %add3A_375 : i32
        %get3A_377 = arith.index_cast %add3A_376 : i32 to index
        %get3A_378 = arith.constant 64 : index
        %get3A_379 = tpu.vector_load %arg4[%get3A_377, %get3A_378] {strides = array<i32>} : memref<88x256xf32, #tpu.memory_space<vmem>>, vector<1x16xf32>,
        %get3A_380 = vector.shape_cast %get3A_379 : vector<1x16xf32> to vector<16xf32>
        %swap3A_381 = arith.index_cast %add3A_332 : i32 to index
        %swap3A_382 = arith.constant 64 : index
        %swap3A_383 = tpu.vector_load %arg6[%swap3A_381, %swap3A_382] {strides = array<i32>} : memref<80x256xf32, #tpu.memory_space<vmem>>, vector<1x16xf32>,
        %swap3A_384 = vector.shape_cast %swap3A_383 : vector<1x16xf32> to vector<16xf32>
        %swap3A_385 = vector.shape_cast %get3A_380 : vector<16xf32> to vector<1x16xf32>
        tpu.vector_store %arg6[%swap3A_381, %swap3A_382], %swap3A_385 {strides = array<i32>} : memref<80x256xf32, #tpu.memory_space<vmem>>, vector<1x16xf32>,
        %add3A_386 = arith.constant 1 : i32
        %add3A_387 = arith.addi %add3A_332, %add3A_386 : i32
        %get3A_388 = arith.index_cast %add3A_387 : i32 to index
        %get3A_389 = arith.constant 80 : index
        %get3A_390 = tpu.vector_load %arg4[%get3A_388, %get3A_389] {strides = array<i32>} : memref<88x256xf32, #tpu.memory_space<vmem>>, vector<1x16xf32>,
        %get3A_391 = vector.shape_cast %get3A_390 : vector<1x16xf32> to vector<16xf32>
        %swap3A_392 = arith.index_cast %add3A_332 : i32 to index
        %swap3A_393 = arith.constant 80 : index
        %swap3A_394 = tpu.vector_load %arg6[%swap3A_392, %swap3A_393] {strides = array<i32>} : memref<80x256xf32, #tpu.memory_space<vmem>>, vector<1x16xf32>,
        %swap3A_395 = vector.shape_cast %swap3A_394 : vector<1x16xf32> to vector<16xf32>
        %swap3A_396 = vector.shape_cast %get3A_391 : vector<16xf32> to vector<1x16xf32>
        tpu.vector_store %arg6[%swap3A_392, %swap3A_393], %swap3A_396 {strides = array<i32>} : memref<80x256xf32, #tpu.memory_space<vmem>>, vector<1x16xf32>,
        %add3A_397 = arith.constant 1 : i32
        %add3A_398 = arith.addi %add3A_332, %add3A_397 : i32
        %get3A_399 = arith.index_cast %add3A_398 : i32 to index
        %get3A_400 = arith.constant 96 : index
        %get3A_401 = tpu.vector_load %arg4[%get3A_399, %get3A_400] {strides = array<i32>} : memref<88x256xf32, #tpu.memory_space<vmem>>, vector<1x16xf32>,
        %get3A_402 = vector.shape_cast %get3A_401 : vector<1x16xf32> to vector<16xf32>
        %swap3A_403 = arith.index_cast %add3A_332 : i32 to index
        %swap3A_404 = arith.constant 96 : index
        %swap3A_405 = tpu.vector_load %arg6[%swap3A_403, %swap3A_404] {strides = array<i32>} : memref<80x256xf32, #tpu.memory_space<vmem>>, vector<1x16xf32>,
        %swap3A_406 = vector.shape_cast %swap3A_405 : vector<1x16xf32> to vector<16xf32>
        %swap3A_407 = vector.shape_cast %get3A_402 : vector<16xf32> to vector<1x16xf32>
        tpu.vector_store %arg6[%swap3A_403, %swap3A_404], %swap3A_407 {strides = array<i32>} : memref<80x256xf32, #tpu.memory_space<vmem>>, vector<1x16xf32>,
        %add3A_408 = arith.constant 1 : i32
        %add3A_409 = arith.addi %add3A_332, %add3A_408 : i32
        %get3A_410 = arith.index_cast %add3A_409 : i32 to index
        %get3A_411 = arith.constant 112 : index
        %get3A_412 = tpu.vector_load %arg4[%get3A_410, %get3A_411] {strides = array<i32>} : memref<88x256xf32, #tpu.memory_space<vmem>>, vector<1x16xf32>,
        %get3A_413 = vector.shape_cast %get3A_412 : vector<1x16xf32> to vector<16xf32>
        %swap3A_414 = arith.index_cast %add3A_332 : i32 to index
        %swap3A_415 = arith.constant 112 : index
        %swap3A_416 = tpu.vector_load %arg6[%swap3A_414, %swap3A_415] {strides = array<i32>} : memref<80x256xf32, #tpu.memory_space<vmem>>, vector<1x16xf32>,
        %swap3A_417 = vector.shape_cast %swap3A_416 : vector<1x16xf32> to vector<16xf32>
        %swap3A_418 = vector.shape_cast %get3A_413 : vector<16xf32> to vector<1x16xf32>
        tpu.vector_store %arg6[%swap3A_414, %swap3A_415], %swap3A_418 {strides = array<i32>} : memref<80x256xf32, #tpu.memory_space<vmem>>, vector<1x16xf32>,
        %add3A_419 = arith.constant 1 : i32
        %add3A_420 = arith.addi %add3A_332, %add3A_419 : i32
        %get3A_421 = arith.index_cast %add3A_420 : i32 to index
        %get3A_422 = arith.constant 128 : index
        %get3A_423 = tpu.vector_load %arg4[%get3A_421, %get3A_422] {strides = array<i32>} : memref<88x256xf32, #tpu.memory_space<vmem>>, vector<1x16xf32>,
        %get3A_424 = vector.shape_cast %get3A_423 : vector<1x16xf32> to vector<16xf32>
        %swap3A_425 = arith.index_cast %add3A_332 : i32 to index
        %swap3A_426 = arith.constant 128 : index
        %swap3A_427 = tpu.vector_load %arg6[%swap3A_425, %swap3A_426] {strides = array<i32>} : memref<80x256xf32, #tpu.memory_space<vmem>>, vector<1x16xf32>,
        %swap3A_428 = vector.shape_cast %swap3A_427 : vector<1x16xf32> to vector<16xf32>
        %swap3A_429 = vector.shape_cast %get3A_424 : vector<16xf32> to vector<1x16xf32>
        tpu.vector_store %arg6[%swap3A_425, %swap3A_426], %swap3A_429 {strides = array<i32>} : memref<80x256xf32, #tpu.memory_space<vmem>>, vector<1x16xf32>,
        %add3A_430 = arith.constant 1 : i32
        %add3A_431 = arith.addi %add3A_332, %add3A_430 : i32
        %get3A_432 = arith.index_cast %add3A_431 : i32 to index
        %get3A_433 = arith.constant 144 : index
        %get3A_434 = tpu.vector_load %arg4[%get3A_432, %get3A_433] {strides = array<i32>} : memref<88x256xf32, #tpu.memory_space<vmem>>, vector<1x16xf32>,
        %get3A_435 = vector.shape_cast %get3A_434 : vector<1x16xf32> to vector<16xf32>
        %swap3A_436 = arith.index_cast %add3A_332 : i32 to index
        %swap3A_437 = arith.constant 144 : index
        %swap3A_438 = tpu.vector_load %arg6[%swap3A_436, %swap3A_437] {strides = array<i32>} : memref<80x256xf32, #tpu.memory_space<vmem>>, vector<1x16xf32>,
        %swap3A_439 = vector.shape_cast %swap3A_438 : vector<1x16xf32> to vector<16xf32>
        %swap3A_440 = vector.shape_cast %get3A_435 : vector<16xf32> to vector<1x16xf32>
        tpu.vector_store %arg6[%swap3A_436, %swap3A_437], %swap3A_440 {strides = array<i32>} : memref<80x256xf32, #tpu.memory_space<vmem>>, vector<1x16xf32>,
        %add3A_441 = arith.constant 1 : i32
        %add3A_442 = arith.addi %add3A_332, %add3A_441 : i32
        %get3A_443 = arith.index_cast %add3A_442 : i32 to index
        %get3A_444 = arith.constant 160 : index
        %get3A_445 = tpu.vector_load %arg4[%get3A_443, %get3A_444] {strides = array<i32>} : memref<88x256xf32, #tpu.memory_space<vmem>>, vector<1x16xf32>,
        %get3A_446 = vector.shape_cast %get3A_445 : vector<1x16xf32> to vector<16xf32>
        %swap3A_447 = arith.index_cast %add3A_332 : i32 to index
        %swap3A_448 = arith.constant 160 : index
        %swap3A_449 = tpu.vector_load %arg6[%swap3A_447, %swap3A_448] {strides = array<i32>} : memref<80x256xf32, #tpu.memory_space<vmem>>, vector<1x16xf32>,
        %swap3A_450 = vector.shape_cast %swap3A_449 : vector<1x16xf32> to vector<16xf32>
        %swap3A_451 = vector.shape_cast %get3A_446 : vector<16xf32> to vector<1x16xf32>
        tpu.vector_store %arg6[%swap3A_447, %swap3A_448], %swap3A_451 {strides = array<i32>} : memref<80x256xf32, #tpu.memory_space<vmem>>, vector<1x16xf32>,
        %add3A_452 = arith.constant 1 : i32
        %add3A_453 = arith.addi %add3A_332, %add3A_452 : i32
        %get3A_454 = arith.index_cast %add3A_453 : i32 to index
        %get3A_455 = arith.constant 176 : index
        %get3A_456 = tpu.vector_load %arg4[%get3A_454, %get3A_455] {strides = array<i32>} : memref<88x256xf32, #tpu.memory_space<vmem>>, vector<1x16xf32>,
        %get3A_457 = vector.shape_cast %get3A_456 : vector<1x16xf32> to vector<16xf32>
        %swap3A_458 = arith.index_cast %add3A_332 : i32 to index
        %swap3A_459 = arith.constant 176 : index
        %swap3A_460 = tpu.vector_load %arg6[%swap3A_458, %swap3A_459] {strides = array<i32>} : memref<80x256xf32, #tpu.memory_space<vmem>>, vector<1x16xf32>,
        %swap3A_461 = vector.shape_cast %swap3A_460 : vector<1x16xf32> to vector<16xf32>
        %swap3A_462 = vector.shape_cast %get3A_457 : vector<16xf32> to vector<1x16xf32>
        tpu.vector_store %arg6[%swap3A_458, %swap3A_459], %swap3A_462 {strides = array<i32>} : memref<80x256xf32, #tpu.memory_space<vmem>>, vector<1x16xf32>,
        %add3A_463 = arith.constant 1 : i32
        %add3A_464 = arith.addi %add3A_332, %add3A_463 : i32
        %get3A_465 = arith.index_cast %add3A_464 : i32 to index
        %get3A_466 = arith.constant 192 : index
        %get3A_467 = tpu.vector_load %arg4[%get3A_465, %get3A_466] {strides = array<i32>} : memref<88x256xf32, #tpu.memory_space<vmem>>, vector<1x16xf32>,
        %get3A_468 = vector.shape_cast %get3A_467 : vector<1x16xf32> to vector<16xf32>
        %swap3A_469 = arith.index_cast %add3A_332 : i32 to index
        %swap3A_470 = arith.constant 192 : index
        %swap3A_471 = tpu.vector_load %arg6[%swap3A_469, %swap3A_470] {strides = array<i32>} : memref<80x256xf32, #tpu.memory_space<vmem>>, vector<1x16xf32>,
        %swap3A_472 = vector.shape_cast %swap3A_471 : vector<1x16xf32> to vector<16xf32>
        %swap3A_473 = vector.shape_cast %get3A_468 : vector<16xf32> to vector<1x16xf32>
        tpu.vector_store %arg6[%swap3A_469, %swap3A_470], %swap3A_473 {strides = array<i32>} : memref<80x256xf32, #tpu.memory_space<vmem>>, vector<1x16xf32>,
        %add3A_474 = arith.constant 1 : i32
        %add3A_475 = arith.addi %add3A_332, %add3A_474 : i32
        %get3A_476 = arith.index_cast %add3A_475 : i32 to index
        %get3A_477 = arith.constant 208 : index
        %get3A_478 = tpu.vector_load %arg4[%get3A_476, %get3A_477] {strides = array<i32>} : memref<88x256xf32, #tpu.memory_space<vmem>>, vector<1x16xf32>,
        %get3A_479 = vector.shape_cast %get3A_478 : vector<1x16xf32> to vector<16xf32>
        %swap3A_480 = arith.index_cast %add3A_332 : i32 to index
        %swap3A_481 = arith.constant 208 : index
        %swap3A_482 = tpu.vector_load %arg6[%swap3A_480, %swap3A_481] {strides = array<i32>} : memref<80x256xf32, #tpu.memory_space<vmem>>, vector<1x16xf32>,
        %swap3A_483 = vector.shape_cast %swap3A_482 : vector<1x16xf32> to vector<16xf32>
        %swap3A_484 = vector.shape_cast %get3A_479 : vector<16xf32> to vector<1x16xf32>
        tpu.vector_store %arg6[%swap3A_480, %swap3A_481], %swap3A_484 {strides = array<i32>} : memref<80x256xf32, #tpu.memory_space<vmem>>, vector<1x16xf32>,
        %add3A_485 = arith.constant 1 : i32
        %add3A_486 = arith.addi %add3A_332, %add3A_485 : i32
        %get3A_487 = arith.index_cast %add3A_486 : i32 to index
        %get3A_488 = arith.constant 224 : index
        %get3A_489 = tpu.vector_load %arg4[%get3A_487, %get3A_488] {strides = array<i32>} : memref<88x256xf32, #tpu.memory_space<vmem>>, vector<1x16xf32>,
        %get3A_490 = vector.shape_cast %get3A_489 : vector<1x16xf32> to vector<16xf32>
        %swap3A_491 = arith.index_cast %add3A_332 : i32 to index
        %swap3A_492 = arith.constant 224 : index
        %swap3A_493 = tpu.vector_load %arg6[%swap3A_491, %swap3A_492] {strides = array<i32>} : memref<80x256xf32, #tpu.memory_space<vmem>>, vector<1x16xf32>,
        %swap3A_494 = vector.shape_cast %swap3A_493 : vector<1x16xf32> to vector<16xf32>
        %swap3A_495 = vector.shape_cast %get3A_490 : vector<16xf32> to vector<1x16xf32>
        tpu.vector_store %arg6[%swap3A_491, %swap3A_492], %swap3A_495 {strides = array<i32>} : memref<80x256xf32, #tpu.memory_space<vmem>>, vector<1x16xf32>,
        %add3A_496 = arith.constant 1 : i32
        %add3A_497 = arith.addi %add3A_332, %add3A_496 : i32
        %get3A_498 = arith.index_cast %add3A_497 : i32 to index
        %get3A_499 = arith.constant 240 : index
        %get3A_500 = tpu.vector_load %arg4[%get3A_498, %get3A_499] {strides = array<i32>} : memref<88x256xf32, #tpu.memory_space<vmem>>, vector<1x16xf32>,
        %get3A_501 = vector.shape_cast %get3A_500 : vector<1x16xf32> to vector<16xf32>
        %swap3A_502 = arith.index_cast %add3A_332 : i32 to index
        %swap3A_503 = arith.constant 240 : index
        %swap3A_504 = tpu.vector_load %arg6[%swap3A_502, %swap3A_503] {strides = array<i32>} : memref<80x256xf32, #tpu.memory_space<vmem>>, vector<1x16xf32>,
        %swap3A_505 = vector.shape_cast %swap3A_504 : vector<1x16xf32> to vector<16xf32>
        %swap3A_506 = vector.shape_cast %get3A_501 : vector<16xf32> to vector<1x16xf32>
        tpu.vector_store %arg6[%swap3A_502, %swap3A_503], %swap3A_506 {strides = array<i32>} : memref<80x256xf32, #tpu.memory_space<vmem>>, vector<1x16xf32>,
      }
      %scan3A_94 = arith.constant 80 : i32
      %dma_start3A_95 = arith.constant 1 : i32
      %dma_start3A_96 = arith.constant 3 : i32
      %dma_start3A_97 = arith.constant 0 : i32
      %dma_start3A_98 = arith.constant 0 : i32
      %dma_start3A_99 = tpu.memref_slice %arg6[%dma_start3A_97, %dma_start3A_98] : memref<80x256xf32, #tpu.memory_space<vmem>> -> memref<80x256xf32, #tpu.memory_space<vmem>>
      %dma_start3A_100 = tpu.memref_slice %arg3[%dma_start3A_95, %multiple_of3A, %add3A_4] : memref<3x1600x16384xf32, #tpu.memory_space<hbm>> -> memref<1x80x256xf32, #tpu.memory_space<hbm>>
      %dma_start3A_101 = tpu.memref_squeeze %dma_start3A_100 : memref<1x80x256xf32, #tpu.memory_space<hbm>> -> memref<80x256xf32, #tpu.memory_space<hbm>>
      %dma_start3A_102 = tpu.memref_slice %arg10[%dma_start3A_96] : memref<8x!tpu.dma_semaphore, #tpu.memory_space<semaphore_mem>> -> memref<1x!tpu.dma_semaphore, #tpu.memory_space<semaphore_mem>>
      %dma_start3A_103 = tpu.memref_squeeze %dma_start3A_102 : memref<1x!tpu.dma_semaphore, #tpu.memory_space<semaphore_mem>> -> memref<!tpu.dma_semaphore, #tpu.memory_space<semaphore_mem>>
      %dma_start3A_104 = tpu.memref_slice %arg3[%dma_start3A_95, %multiple_of3A, %add3A_4] : memref<3x1600x16384xf32, #tpu.memory_space<hbm>> -> memref<1x80x256xf32, #tpu.memory_space<hbm>>
      %dma_start3A_105 = tpu.memref_squeeze %dma_start3A_104 : memref<1x80x256xf32, #tpu.memory_space<hbm>> -> memref<80x256xf32, #tpu.memory_space<hbm>>
      %dma_start3A_106 = arith.constant 0 : i32
      %dma_start3A_107 = arith.constant 0 : i32
      %dma_start3A_108 = tpu.memref_slice %arg6[%dma_start3A_106, %dma_start3A_107] : memref<80x256xf32, #tpu.memory_space<vmem>> -> memref<80x256xf32, #tpu.memory_space<vmem>>
      tpu.enqueue_dma source(%dma_start3A_108 : memref<80x256xf32, #tpu.memory_space<vmem>>) target(%dma_start3A_105 : memref<80x256xf32, #tpu.memory_space<hbm>>) target_semaphore(%dma_start3A_103 : memref<!tpu.dma_semaphore, #tpu.memory_space<semaphore_mem>>)
      %scan3A_109 = arith.constant 0 : i32
      %scan3A_110 = arith.constant 80 : i32
      %scan3A_111 = arith.addi %scan3A_109, %scan3A_110 : i32
      %scan3A_112 = arith.constant 1 : i32
      scf.for %scan3A_328 = %scan3A_109 to %scan3A_111 step %scan3A_112  : i32 {
        %mul3A_329 = arith.constant 1 : i32
        %mul3A_330 = arith.muli %scan3A_328, %mul3A_329 : i32
        %add3A_331 = arith.constant 0 : i32
        %add3A_332 = arith.addi %add3A_331, %mul3A_330 : i32
        %add3A_333 = arith.constant 3 : i32
        %add3A_334 = arith.addi %add3A_332, %add3A_333 : i32
        %get3A = arith.index_cast %add3A_334 : i32 to index
        %get3A_335 = arith.constant 0 : index
        %get3A_336 = tpu.vector_load %arg4[%get3A, %get3A_335] {strides = array<i32>} : memref<88x256xf32, #tpu.memory_space<vmem>>, vector<1x16xf32>,
        %get3A_337 = vector.shape_cast %get3A_336 : vector<1x16xf32> to vector<16xf32>
        %swap3A = arith.index_cast %add3A_332 : i32 to index
        %swap3A_338 = arith.constant 0 : index
        %swap3A_339 = tpu.vector_load %arg7[%swap3A, %swap3A_338] {strides = array<i32>} : memref<80x256xf32, #tpu.memory_space<vmem>>, vector<1x16xf32>,
        %swap3A_340 = vector.shape_cast %swap3A_339 : vector<1x16xf32> to vector<16xf32>
        %swap3A_341 = vector.shape_cast %get3A_337 : vector<16xf32> to vector<1x16xf32>
        tpu.vector_store %arg7[%swap3A, %swap3A_338], %swap3A_341 {strides = array<i32>} : memref<80x256xf32, #tpu.memory_space<vmem>>, vector<1x16xf32>,
        %add3A_342 = arith.constant 3 : i32
        %add3A_343 = arith.addi %add3A_332, %add3A_342 : i32
        %get3A_344 = arith.index_cast %add3A_343 : i32 to index
        %get3A_345 = arith.constant 16 : index
        %get3A_346 = tpu.vector_load %arg4[%get3A_344, %get3A_345] {strides = array<i32>} : memref<88x256xf32, #tpu.memory_space<vmem>>, vector<1x16xf32>,
        %get3A_347 = vector.shape_cast %get3A_346 : vector<1x16xf32> to vector<16xf32>
        %swap3A_348 = arith.index_cast %add3A_332 : i32 to index
        %swap3A_349 = arith.constant 16 : index
        %swap3A_350 = tpu.vector_load %arg7[%swap3A_348, %swap3A_349] {strides = array<i32>} : memref<80x256xf32, #tpu.memory_space<vmem>>, vector<1x16xf32>,
        %swap3A_351 = vector.shape_cast %swap3A_350 : vector<1x16xf32> to vector<16xf32>
        %swap3A_352 = vector.shape_cast %get3A_347 : vector<16xf32> to vector<1x16xf32>
        tpu.vector_store %arg7[%swap3A_348, %swap3A_349], %swap3A_352 {strides = array<i32>} : memref<80x256xf32, #tpu.memory_space<vmem>>, vector<1x16xf32>,
        %add3A_353 = arith.constant 3 : i32
        %add3A_354 = arith.addi %add3A_332, %add3A_353 : i32
        %get3A_355 = arith.index_cast %add3A_354 : i32 to index
        %get3A_356 = arith.constant 32 : index
        %get3A_357 = tpu.vector_load %arg4[%get3A_355, %get3A_356] {strides = array<i32>} : memref<88x256xf32, #tpu.memory_space<vmem>>, vector<1x16xf32>,
        %get3A_358 = vector.shape_cast %get3A_357 : vector<1x16xf32> to vector<16xf32>
        %swap3A_359 = arith.index_cast %add3A_332 : i32 to index
        %swap3A_360 = arith.constant 32 : index
        %swap3A_361 = tpu.vector_load %arg7[%swap3A_359, %swap3A_360] {strides = array<i32>} : memref<80x256xf32, #tpu.memory_space<vmem>>, vector<1x16xf32>,
        %swap3A_362 = vector.shape_cast %swap3A_361 : vector<1x16xf32> to vector<16xf32>
        %swap3A_363 = vector.shape_cast %get3A_358 : vector<16xf32> to vector<1x16xf32>
        tpu.vector_store %arg7[%swap3A_359, %swap3A_360], %swap3A_363 {strides = array<i32>} : memref<80x256xf32, #tpu.memory_space<vmem>>, vector<1x16xf32>,
        %add3A_364 = arith.constant 3 : i32
        %add3A_365 = arith.addi %add3A_332, %add3A_364 : i32
        %get3A_366 = arith.index_cast %add3A_365 : i32 to index
        %get3A_367 = arith.constant 48 : index
        %get3A_368 = tpu.vector_load %arg4[%get3A_366, %get3A_367] {strides = array<i32>} : memref<88x256xf32, #tpu.memory_space<vmem>>, vector<1x16xf32>,
        %get3A_369 = vector.shape_cast %get3A_368 : vector<1x16xf32> to vector<16xf32>
        %swap3A_370 = arith.index_cast %add3A_332 : i32 to index
        %swap3A_371 = arith.constant 48 : index
        %swap3A_372 = tpu.vector_load %arg7[%swap3A_370, %swap3A_371] {strides = array<i32>} : memref<80x256xf32, #tpu.memory_space<vmem>>, vector<1x16xf32>,
        %swap3A_373 = vector.shape_cast %swap3A_372 : vector<1x16xf32> to vector<16xf32>
        %swap3A_374 = vector.shape_cast %get3A_369 : vector<16xf32> to vector<1x16xf32>
        tpu.vector_store %arg7[%swap3A_370, %swap3A_371], %swap3A_374 {strides = array<i32>} : memref<80x256xf32, #tpu.memory_space<vmem>>, vector<1x16xf32>,
        %add3A_375 = arith.constant 3 : i32
        %add3A_376 = arith.addi %add3A_332, %add3A_375 : i32
        %get3A_377 = arith.index_cast %add3A_376 : i32 to index
        %get3A_378 = arith.constant 64 : index
        %get3A_379 = tpu.vector_load %arg4[%get3A_377, %get3A_378] {strides = array<i32>} : memref<88x256xf32, #tpu.memory_space<vmem>>, vector<1x16xf32>,
        %get3A_380 = vector.shape_cast %get3A_379 : vector<1x16xf32> to vector<16xf32>
        %swap3A_381 = arith.index_cast %add3A_332 : i32 to index
        %swap3A_382 = arith.constant 64 : index
        %swap3A_383 = tpu.vector_load %arg7[%swap3A_381, %swap3A_382] {strides = array<i32>} : memref<80x256xf32, #tpu.memory_space<vmem>>, vector<1x16xf32>,
        %swap3A_384 = vector.shape_cast %swap3A_383 : vector<1x16xf32> to vector<16xf32>
        %swap3A_385 = vector.shape_cast %get3A_380 : vector<16xf32> to vector<1x16xf32>
        tpu.vector_store %arg7[%swap3A_381, %swap3A_382], %swap3A_385 {strides = array<i32>} : memref<80x256xf32, #tpu.memory_space<vmem>>, vector<1x16xf32>,
        %add3A_386 = arith.constant 3 : i32
        %add3A_387 = arith.addi %add3A_332, %add3A_386 : i32
        %get3A_388 = arith.index_cast %add3A_387 : i32 to index
        %get3A_389 = arith.constant 80 : index
        %get3A_390 = tpu.vector_load %arg4[%get3A_388, %get3A_389] {strides = array<i32>} : memref<88x256xf32, #tpu.memory_space<vmem>>, vector<1x16xf32>,
        %get3A_391 = vector.shape_cast %get3A_390 : vector<1x16xf32> to vector<16xf32>
        %swap3A_392 = arith.index_cast %add3A_332 : i32 to index
        %swap3A_393 = arith.constant 80 : index
        %swap3A_394 = tpu.vector_load %arg7[%swap3A_392, %swap3A_393] {strides = array<i32>} : memref<80x256xf32, #tpu.memory_space<vmem>>, vector<1x16xf32>,
        %swap3A_395 = vector.shape_cast %swap3A_394 : vector<1x16xf32> to vector<16xf32>
        %swap3A_396 = vector.shape_cast %get3A_391 : vector<16xf32> to vector<1x16xf32>
        tpu.vector_store %arg7[%swap3A_392, %swap3A_393], %swap3A_396 {strides = array<i32>} : memref<80x256xf32, #tpu.memory_space<vmem>>, vector<1x16xf32>,
        %add3A_397 = arith.constant 3 : i32
        %add3A_398 = arith.addi %add3A_332, %add3A_397 : i32
        %get3A_399 = arith.index_cast %add3A_398 : i32 to index
        %get3A_400 = arith.constant 96 : index
        %get3A_401 = tpu.vector_load %arg4[%get3A_399, %get3A_400] {strides = array<i32>} : memref<88x256xf32, #tpu.memory_space<vmem>>, vector<1x16xf32>,
        %get3A_402 = vector.shape_cast %get3A_401 : vector<1x16xf32> to vector<16xf32>
        %swap3A_403 = arith.index_cast %add3A_332 : i32 to index
        %swap3A_404 = arith.constant 96 : index
        %swap3A_405 = tpu.vector_load %arg7[%swap3A_403, %swap3A_404] {strides = array<i32>} : memref<80x256xf32, #tpu.memory_space<vmem>>, vector<1x16xf32>,
        %swap3A_406 = vector.shape_cast %swap3A_405 : vector<1x16xf32> to vector<16xf32>
        %swap3A_407 = vector.shape_cast %get3A_402 : vector<16xf32> to vector<1x16xf32>
        tpu.vector_store %arg7[%swap3A_403, %swap3A_404], %swap3A_407 {strides = array<i32>} : memref<80x256xf32, #tpu.memory_space<vmem>>, vector<1x16xf32>,
        %add3A_408 = arith.constant 3 : i32
        %add3A_409 = arith.addi %add3A_332, %add3A_408 : i32
        %get3A_410 = arith.index_cast %add3A_409 : i32 to index
        %get3A_411 = arith.constant 112 : index
        %get3A_412 = tpu.vector_load %arg4[%get3A_410, %get3A_411] {strides = array<i32>} : memref<88x256xf32, #tpu.memory_space<vmem>>, vector<1x16xf32>,
        %get3A_413 = vector.shape_cast %get3A_412 : vector<1x16xf32> to vector<16xf32>
        %swap3A_414 = arith.index_cast %add3A_332 : i32 to index
        %swap3A_415 = arith.constant 112 : index
        %swap3A_416 = tpu.vector_load %arg7[%swap3A_414, %swap3A_415] {strides = array<i32>} : memref<80x256xf32, #tpu.memory_space<vmem>>, vector<1x16xf32>,
        %swap3A_417 = vector.shape_cast %swap3A_416 : vector<1x16xf32> to vector<16xf32>
        %swap3A_418 = vector.shape_cast %get3A_413 : vector<16xf32> to vector<1x16xf32>
        tpu.vector_store %arg7[%swap3A_414, %swap3A_415], %swap3A_418 {strides = array<i32>} : memref<80x256xf32, #tpu.memory_space<vmem>>, vector<1x16xf32>,
        %add3A_419 = arith.constant 3 : i32
        %add3A_420 = arith.addi %add3A_332, %add3A_419 : i32
        %get3A_421 = arith.index_cast %add3A_420 : i32 to index
        %get3A_422 = arith.constant 128 : index
        %get3A_423 = tpu.vector_load %arg4[%get3A_421, %get3A_422] {strides = array<i32>} : memref<88x256xf32, #tpu.memory_space<vmem>>, vector<1x16xf32>,
        %get3A_424 = vector.shape_cast %get3A_423 : vector<1x16xf32> to vector<16xf32>
        %swap3A_425 = arith.index_cast %add3A_332 : i32 to index
        %swap3A_426 = arith.constant 128 : index
        %swap3A_427 = tpu.vector_load %arg7[%swap3A_425, %swap3A_426] {strides = array<i32>} : memref<80x256xf32, #tpu.memory_space<vmem>>, vector<1x16xf32>,
        %swap3A_428 = vector.shape_cast %swap3A_427 : vector<1x16xf32> to vector<16xf32>
        %swap3A_429 = vector.shape_cast %get3A_424 : vector<16xf32> to vector<1x16xf32>
        tpu.vector_store %arg7[%swap3A_425, %swap3A_426], %swap3A_429 {strides = array<i32>} : memref<80x256xf32, #tpu.memory_space<vmem>>, vector<1x16xf32>,
        %add3A_430 = arith.constant 3 : i32
        %add3A_431 = arith.addi %add3A_332, %add3A_430 : i32
        %get3A_432 = arith.index_cast %add3A_431 : i32 to index
        %get3A_433 = arith.constant 144 : index
        %get3A_434 = tpu.vector_load %arg4[%get3A_432, %get3A_433] {strides = array<i32>} : memref<88x256xf32, #tpu.memory_space<vmem>>, vector<1x16xf32>,
        %get3A_435 = vector.shape_cast %get3A_434 : vector<1x16xf32> to vector<16xf32>
        %swap3A_436 = arith.index_cast %add3A_332 : i32 to index
        %swap3A_437 = arith.constant 144 : index
        %swap3A_438 = tpu.vector_load %arg7[%swap3A_436, %swap3A_437] {strides = array<i32>} : memref<80x256xf32, #tpu.memory_space<vmem>>, vector<1x16xf32>,
        %swap3A_439 = vector.shape_cast %swap3A_438 : vector<1x16xf32> to vector<16xf32>
        %swap3A_440 = vector.shape_cast %get3A_435 : vector<16xf32> to vector<1x16xf32>
        tpu.vector_store %arg7[%swap3A_436, %swap3A_437], %swap3A_440 {strides = array<i32>} : memref<80x256xf32, #tpu.memory_space<vmem>>, vector<1x16xf32>,
        %add3A_441 = arith.constant 3 : i32
        %add3A_442 = arith.addi %add3A_332, %add3A_441 : i32
        %get3A_443 = arith.index_cast %add3A_442 : i32 to index
        %get3A_444 = arith.constant 160 : index
        %get3A_445 = tpu.vector_load %arg4[%get3A_443, %get3A_444] {strides = array<i32>} : memref<88x256xf32, #tpu.memory_space<vmem>>, vector<1x16xf32>,
        %get3A_446 = vector.shape_cast %get3A_445 : vector<1x16xf32> to vector<16xf32>
        %swap3A_447 = arith.index_cast %add3A_332 : i32 to index
        %swap3A_448 = arith.constant 160 : index
        %swap3A_449 = tpu.vector_load %arg7[%swap3A_447, %swap3A_448] {strides = array<i32>} : memref<80x256xf32, #tpu.memory_space<vmem>>, vector<1x16xf32>,
        %swap3A_450 = vector.shape_cast %swap3A_449 : vector<1x16xf32> to vector<16xf32>
        %swap3A_451 = vector.shape_cast %get3A_446 : vector<16xf32> to vector<1x16xf32>
        tpu.vector_store %arg7[%swap3A_447, %swap3A_448], %swap3A_451 {strides = array<i32>} : memref<80x256xf32, #tpu.memory_space<vmem>>, vector<1x16xf32>,
        %add3A_452 = arith.constant 3 : i32
        %add3A_453 = arith.addi %add3A_332, %add3A_452 : i32
        %get3A_454 = arith.index_cast %add3A_453 : i32 to index
        %get3A_455 = arith.constant 176 : index
        %get3A_456 = tpu.vector_load %arg4[%get3A_454, %get3A_455] {strides = array<i32>} : memref<88x256xf32, #tpu.memory_space<vmem>>, vector<1x16xf32>,
        %get3A_457 = vector.shape_cast %get3A_456 : vector<1x16xf32> to vector<16xf32>
        %swap3A_458 = arith.index_cast %add3A_332 : i32 to index
        %swap3A_459 = arith.constant 176 : index
        %swap3A_460 = tpu.vector_load %arg7[%swap3A_458, %swap3A_459] {strides = array<i32>} : memref<80x256xf32, #tpu.memory_space<vmem>>, vector<1x16xf32>,
        %swap3A_461 = vector.shape_cast %swap3A_460 : vector<1x16xf32> to vector<16xf32>
        %swap3A_462 = vector.shape_cast %get3A_457 : vector<16xf32> to vector<1x16xf32>
        tpu.vector_store %arg7[%swap3A_458, %swap3A_459], %swap3A_462 {strides = array<i32>} : memref<80x256xf32, #tpu.memory_space<vmem>>, vector<1x16xf32>,
        %add3A_463 = arith.constant 3 : i32
        %add3A_464 = arith.addi %add3A_332, %add3A_463 : i32
        %get3A_465 = arith.index_cast %add3A_464 : i32 to index
        %get3A_466 = arith.constant 192 : index
        %get3A_467 = tpu.vector_load %arg4[%get3A_465, %get3A_466] {strides = array<i32>} : memref<88x256xf32, #tpu.memory_space<vmem>>, vector<1x16xf32>,
        %get3A_468 = vector.shape_cast %get3A_467 : vector<1x16xf32> to vector<16xf32>
        %swap3A_469 = arith.index_cast %add3A_332 : i32 to index
        %swap3A_470 = arith.constant 192 : index
        %swap3A_471 = tpu.vector_load %arg7[%swap3A_469, %swap3A_470] {strides = array<i32>} : memref<80x256xf32, #tpu.memory_space<vmem>>, vector<1x16xf32>,
        %swap3A_472 = vector.shape_cast %swap3A_471 : vector<1x16xf32> to vector<16xf32>
        %swap3A_473 = vector.shape_cast %get3A_468 : vector<16xf32> to vector<1x16xf32>
        tpu.vector_store %arg7[%swap3A_469, %swap3A_470], %swap3A_473 {strides = array<i32>} : memref<80x256xf32, #tpu.memory_space<vmem>>, vector<1x16xf32>,
        %add3A_474 = arith.constant 3 : i32
        %add3A_475 = arith.addi %add3A_332, %add3A_474 : i32
        %get3A_476 = arith.index_cast %add3A_475 : i32 to index
        %get3A_477 = arith.constant 208 : index
        %get3A_478 = tpu.vector_load %arg4[%get3A_476, %get3A_477] {strides = array<i32>} : memref<88x256xf32, #tpu.memory_space<vmem>>, vector<1x16xf32>,
        %get3A_479 = vector.shape_cast %get3A_478 : vector<1x16xf32> to vector<16xf32>
        %swap3A_480 = arith.index_cast %add3A_332 : i32 to index
        %swap3A_481 = arith.constant 208 : index
        %swap3A_482 = tpu.vector_load %arg7[%swap3A_480, %swap3A_481] {strides = array<i32>} : memref<80x256xf32, #tpu.memory_space<vmem>>, vector<1x16xf32>,
        %swap3A_483 = vector.shape_cast %swap3A_482 : vector<1x16xf32> to vector<16xf32>
        %swap3A_484 = vector.shape_cast %get3A_479 : vector<16xf32> to vector<1x16xf32>
        tpu.vector_store %arg7[%swap3A_480, %swap3A_481], %swap3A_484 {strides = array<i32>} : memref<80x256xf32, #tpu.memory_space<vmem>>, vector<1x16xf32>,
        %add3A_485 = arith.constant 3 : i32
        %add3A_486 = arith.addi %add3A_332, %add3A_485 : i32
        %get3A_487 = arith.index_cast %add3A_486 : i32 to index
        %get3A_488 = arith.constant 224 : index
        %get3A_489 = tpu.vector_load %arg4[%get3A_487, %get3A_488] {strides = array<i32>} : memref<88x256xf32, #tpu.memory_space<vmem>>, vector<1x16xf32>,
        %get3A_490 = vector.shape_cast %get3A_489 : vector<1x16xf32> to vector<16xf32>
        %swap3A_491 = arith.index_cast %add3A_332 : i32 to index
        %swap3A_492 = arith.constant 224 : index
        %swap3A_493 = tpu.vector_load %arg7[%swap3A_491, %swap3A_492] {strides = array<i32>} : memref<80x256xf32, #tpu.memory_space<vmem>>, vector<1x16xf32>,
        %swap3A_494 = vector.shape_cast %swap3A_493 : vector<1x16xf32> to vector<16xf32>
        %swap3A_495 = vector.shape_cast %get3A_490 : vector<16xf32> to vector<1x16xf32>
        tpu.vector_store %arg7[%swap3A_491, %swap3A_492], %swap3A_495 {strides = array<i32>} : memref<80x256xf32, #tpu.memory_space<vmem>>, vector<1x16xf32>,
        %add3A_496 = arith.constant 3 : i32
        %add3A_497 = arith.addi %add3A_332, %add3A_496 : i32
        %get3A_498 = arith.index_cast %add3A_497 : i32 to index
        %get3A_499 = arith.constant 240 : index
        %get3A_500 = tpu.vector_load %arg4[%get3A_498, %get3A_499] {strides = array<i32>} : memref<88x256xf32, #tpu.memory_space<vmem>>, vector<1x16xf32>,
        %get3A_501 = vector.shape_cast %get3A_500 : vector<1x16xf32> to vector<16xf32>
        %swap3A_502 = arith.index_cast %add3A_332 : i32 to index
        %swap3A_503 = arith.constant 240 : index
        %swap3A_504 = tpu.vector_load %arg7[%swap3A_502, %swap3A_503] {strides = array<i32>} : memref<80x256xf32, #tpu.memory_space<vmem>>, vector<1x16xf32>,
        %swap3A_505 = vector.shape_cast %swap3A_504 : vector<1x16xf32> to vector<16xf32>
        %swap3A_506 = vector.shape_cast %get3A_501 : vector<16xf32> to vector<1x16xf32>
        tpu.vector_store %arg7[%swap3A_502, %swap3A_503], %swap3A_506 {strides = array<i32>} : memref<80x256xf32, #tpu.memory_space<vmem>>, vector<1x16xf32>,
      }
      %scan3A_113 = arith.constant 80 : i32
      %dma_start3A_114 = arith.constant 2 : i32
      %dma_start3A_115 = arith.constant 4 : i32
      %dma_start3A_116 = arith.constant 0 : i32
      %dma_start3A_117 = arith.constant 0 : i32
      %dma_start3A_118 = tpu.memref_slice %arg7[%dma_start3A_116, %dma_start3A_117] : memref<80x256xf32, #tpu.memory_space<vmem>> -> memref<80x256xf32, #tpu.memory_space<vmem>>
      %dma_start3A_119 = tpu.memref_slice %arg3[%dma_start3A_114, %multiple_of3A, %add3A_4] : memref<3x1600x16384xf32, #tpu.memory_space<hbm>> -> memref<1x80x256xf32, #tpu.memory_space<hbm>>
      %dma_start3A_120 = tpu.memref_squeeze %dma_start3A_119 : memref<1x80x256xf32, #tpu.memory_space<hbm>> -> memref<80x256xf32, #tpu.memory_space<hbm>>
      %dma_start3A_121 = tpu.memref_slice %arg10[%dma_start3A_115] : memref<8x!tpu.dma_semaphore, #tpu.memory_space<semaphore_mem>> -> memref<1x!tpu.dma_semaphore, #tpu.memory_space<semaphore_mem>>
      %dma_start3A_122 = tpu.memref_squeeze %dma_start3A_121 : memref<1x!tpu.dma_semaphore, #tpu.memory_space<semaphore_mem>> -> memref<!tpu.dma_semaphore, #tpu.memory_space<semaphore_mem>>
      %dma_start3A_123 = tpu.memref_slice %arg3[%dma_start3A_114, %multiple_of3A, %add3A_4] : memref<3x1600x16384xf32, #tpu.memory_space<hbm>> -> memref<1x80x256xf32, #tpu.memory_space<hbm>>
      %dma_start3A_124 = tpu.memref_squeeze %dma_start3A_123 : memref<1x80x256xf32, #tpu.memory_space<hbm>> -> memref<80x256xf32, #tpu.memory_space<hbm>>
      %dma_start3A_125 = arith.constant 0 : i32
      %dma_start3A_126 = arith.constant 0 : i32
      %dma_start3A_127 = tpu.memref_slice %arg7[%dma_start3A_125, %dma_start3A_126] : memref<80x256xf32, #tpu.memory_space<vmem>> -> memref<80x256xf32, #tpu.memory_space<vmem>>
      tpu.enqueue_dma source(%dma_start3A_127 : memref<80x256xf32, #tpu.memory_space<vmem>>) target(%dma_start3A_124 : memref<80x256xf32, #tpu.memory_space<hbm>>) target_semaphore(%dma_start3A_122 : memref<!tpu.dma_semaphore, #tpu.memory_space<semaphore_mem>>)
      %add3A_128 = arith.constant 80 : i32
      %add3A_129 = arith.addi %multiple_of3A, %add3A_128 : i32
      %add3A_130 = arith.constant 80 : i32
      %add3A_131 = arith.addi %add3A_129, %add3A_130 : i32
      %jit3A_132 = arith.constant 1600 : i32
      %eq3A_133 = arith.constant 0 : i32
      %eq3A_134 = arith.cmpi eq, %jit3A_132, %eq3A_133 : i32
      %jit3A_135 = arith.constant 1 : i32
      %select_n3A_136 = arith.select %eq3A_134, %jit3A_135, %jit3A_132 : i32
      %rem3A_137 = arith.remsi %add3A_131, %select_n3A_136 : i32
      %ne3A_138 = arith.constant 0 : i32
      %ne3A_139 = arith.cmpi ne, %rem3A_137, %ne3A_138 : i32
      %lt3A_140 = arith.constant 0 : i32
      %lt3A_141 = arith.cmpi slt, %rem3A_137, %lt3A_140 : i32
      %lt3A_142 = arith.constant 0 : i32
      %lt3A_143 = arith.cmpi slt, %select_n3A_136, %lt3A_142 : i32
      %ne3A_144 = arith.xori %lt3A_141, %lt3A_143 : i1
      %and3A_145 = arith.andi %ne3A_144, %ne3A_139 : i1
      %add3A_146 = arith.addi %rem3A_137, %select_n3A_136 : i32
      %select_n3A_147 = arith.select %and3A_145, %add3A_146, %rem3A_137 : i32
      %dma_start3A_148 = arith.constant 0 : i32
      %dma_start3A_149 = arith.constant 0 : i32
      %dma_start3A_150 = arith.constant 0 : i32
      %dma_start3A_151 = tpu.memref_slice %arg5[%dma_start3A_149, %dma_start3A_150] : memref<88x256xf32, #tpu.memory_space<vmem>> -> memref<80x256xf32, #tpu.memory_space<vmem>>
      %dma_start3A_152 = tpu.memref_slice %arg2[%add3A_129, %add3A_4] : memref<1600x16384xf32, #tpu.memory_space<hbm>> -> memref<80x256xf32, #tpu.memory_space<hbm>>
      %dma_start3A_153 = tpu.memref_slice %arg10[%dma_start3A_148] : memref<8x!tpu.dma_semaphore, #tpu.memory_space<semaphore_mem>> -> memref<1x!tpu.dma_semaphore, #tpu.memory_space<semaphore_mem>>
      %dma_start3A_154 = tpu.memref_squeeze %dma_start3A_153 : memref<1x!tpu.dma_semaphore, #tpu.memory_space<semaphore_mem>> -> memref<!tpu.dma_semaphore, #tpu.memory_space<semaphore_mem>>
      %dma_start3A_155 = arith.constant 0 : i32
      %dma_start3A_156 = arith.constant 0 : i32
      %dma_start3A_157 = tpu.memref_slice %arg5[%dma_start3A_155, %dma_start3A_156] : memref<88x256xf32, #tpu.memory_space<vmem>> -> memref<80x256xf32, #tpu.memory_space<vmem>>
      %dma_start3A_158 = tpu.memref_slice %arg2[%add3A_129, %add3A_4] : memref<1600x16384xf32, #tpu.memory_space<hbm>> -> memref<80x256xf32, #tpu.memory_space<hbm>>
      tpu.enqueue_dma source(%dma_start3A_158 : memref<80x256xf32, #tpu.memory_space<hbm>>) target(%dma_start3A_157 : memref<80x256xf32, #tpu.memory_space<vmem>>) target_semaphore(%dma_start3A_154 : memref<!tpu.dma_semaphore, #tpu.memory_space<semaphore_mem>>)
      %dma_start3A_159 = arith.constant 1 : i32
      %dma_start3A_160 = arith.constant 80 : i32
      %dma_start3A_161 = arith.constant 0 : i32
      %dma_start3A_162 = tpu.memref_slice %arg5[%dma_start3A_160, %dma_start3A_161] : memref<88x256xf32, #tpu.memory_space<vmem>> -> memref<8x256xf32, #tpu.memory_space<vmem>>
      %dma_start3A_163 = tpu.memref_slice %arg2[%select_n3A_147, %add3A_4] : memref<1600x16384xf32, #tpu.memory_space<hbm>> -> memref<8x256xf32, #tpu.memory_space<hbm>>
      %dma_start3A_164 = tpu.memref_slice %arg10[%dma_start3A_159] : memref<8x!tpu.dma_semaphore, #tpu.memory_space<semaphore_mem>> -> memref<1x!tpu.dma_semaphore, #tpu.memory_space<semaphore_mem>>
      %dma_start3A_165 = tpu.memref_squeeze %dma_start3A_164 : memref<1x!tpu.dma_semaphore, #tpu.memory_space<semaphore_mem>> -> memref<!tpu.dma_semaphore, #tpu.memory_space<semaphore_mem>>
      %dma_start3A_166 = arith.constant 80 : i32
      %dma_start3A_167 = arith.constant 0 : i32
      %dma_start3A_168 = tpu.memref_slice %arg5[%dma_start3A_166, %dma_start3A_167] : memref<88x256xf32, #tpu.memory_space<vmem>> -> memref<8x256xf32, #tpu.memory_space<vmem>>
      %dma_start3A_169 = tpu.memref_slice %arg2[%select_n3A_147, %add3A_4] : memref<1600x16384xf32, #tpu.memory_space<hbm>> -> memref<8x256xf32, #tpu.memory_space<hbm>>
      tpu.enqueue_dma source(%dma_start3A_169 : memref<8x256xf32, #tpu.memory_space<hbm>>) target(%dma_start3A_168 : memref<8x256xf32, #tpu.memory_space<vmem>>) target_semaphore(%dma_start3A_165 : memref<!tpu.dma_semaphore, #tpu.memory_space<semaphore_mem>>)
      %dma_wait3A_170 = arith.constant 0 : i32
      %dma_wait3A_171 = arith.constant 0 : i32
      %dma_wait3A_172 = arith.constant 0 : i32
      %dma_wait3A_173 = tpu.memref_slice %arg5[%dma_wait3A_171, %dma_wait3A_172] : memref<88x256xf32, #tpu.memory_space<vmem>> -> memref<80x256xf32, #tpu.memory_space<vmem>>
      %dma_wait3A_174 = tpu.memref_slice %arg2[%add3A_129, %add3A_4] : memref<1600x16384xf32, #tpu.memory_space<hbm>> -> memref<80x256xf32, #tpu.memory_space<hbm>>
      %dma_wait3A_175 = tpu.memref_slice %arg10[%dma_wait3A_170] : memref<8x!tpu.dma_semaphore, #tpu.memory_space<semaphore_mem>> -> memref<1x!tpu.dma_semaphore, #tpu.memory_space<semaphore_mem>>
      %dma_wait3A_176 = tpu.memref_squeeze %dma_wait3A_175 : memref<1x!tpu.dma_semaphore, #tpu.memory_space<semaphore_mem>> -> memref<!tpu.dma_semaphore, #tpu.memory_space<semaphore_mem>>
      %dma_wait3A_177 = arith.constant 0 : i32
      %dma_wait3A_178 = arith.constant 0 : i32
      %dma_wait3A_179 = tpu.memref_slice %arg5[%dma_wait3A_177, %dma_wait3A_178] : memref<88x256xf32, #tpu.memory_space<vmem>> -> memref<80x256xf32, #tpu.memory_space<vmem>>
      %dma_wait3A_180 = tpu.memref_slice %arg2[%add3A_129, %add3A_4] : memref<1600x16384xf32, #tpu.memory_space<hbm>> -> memref<80x256xf32, #tpu.memory_space<hbm>>
      tpu.wait_dma2 semaphore(%dma_wait3A_176 : memref<!tpu.dma_semaphore, #tpu.memory_space<semaphore_mem>>) src(%dma_wait3A_180 : memref<80x256xf32, #tpu.memory_space<hbm>>) dst(%dma_wait3A_179 : memref<80x256xf32, #tpu.memory_space<vmem>>)
      %dma_wait3A_181 = arith.constant 1 : i32
      %dma_wait3A_182 = arith.constant 80 : i32
      %dma_wait3A_183 = arith.constant 0 : i32
      %dma_wait3A_184 = tpu.memref_slice %arg5[%dma_wait3A_182, %dma_wait3A_183] : memref<88x256xf32, #tpu.memory_space<vmem>> -> memref<8x256xf32, #tpu.memory_space<vmem>>
      %dma_wait3A_185 = tpu.memref_slice %arg2[%select_n3A_147, %add3A_4] : memref<1600x16384xf32, #tpu.memory_space<hbm>> -> memref<8x256xf32, #tpu.memory_space<hbm>>
      %dma_wait3A_186 = tpu.memref_slice %arg10[%dma_wait3A_181] : memref<8x!tpu.dma_semaphore, #tpu.memory_space<semaphore_mem>> -> memref<1x!tpu.dma_semaphore, #tpu.memory_space<semaphore_mem>>
      %dma_wait3A_187 = tpu.memref_squeeze %dma_wait3A_186 : memref<1x!tpu.dma_semaphore, #tpu.memory_space<semaphore_mem>> -> memref<!tpu.dma_semaphore, #tpu.memory_space<semaphore_mem>>
      %dma_wait3A_188 = arith.constant 80 : i32
      %dma_wait3A_189 = arith.constant 0 : i32
      %dma_wait3A_190 = tpu.memref_slice %arg5[%dma_wait3A_188, %dma_wait3A_189] : memref<88x256xf32, #tpu.memory_space<vmem>> -> memref<8x256xf32, #tpu.memory_space<vmem>>
      %dma_wait3A_191 = tpu.memref_slice %arg2[%select_n3A_147, %add3A_4] : memref<1600x16384xf32, #tpu.memory_space<hbm>> -> memref<8x256xf32, #tpu.memory_space<hbm>>
      tpu.wait_dma2 semaphore(%dma_wait3A_187 : memref<!tpu.dma_semaphore, #tpu.memory_space<semaphore_mem>>) src(%dma_wait3A_191 : memref<8x256xf32, #tpu.memory_space<hbm>>) dst(%dma_wait3A_190 : memref<8x256xf32, #tpu.memory_space<vmem>>)
      %dma_start3A_192 = arith.constant 0 : i32
      %dma_start3A_193 = arith.constant 5 : i32
      %dma_start3A_194 = arith.constant 0 : i32
      %dma_start3A_195 = arith.constant 0 : i32
      %dma_start3A_196 = tpu.memref_slice %arg5[%dma_start3A_194, %dma_start3A_195] : memref<88x256xf32, #tpu.memory_space<vmem>> -> memref<80x256xf32, #tpu.memory_space<vmem>>
      %dma_start3A_197 = tpu.memref_slice %arg3[%dma_start3A_192, %add3A_129, %add3A_4] : memref<3x1600x16384xf32, #tpu.memory_space<hbm>> -> memref<1x80x256xf32, #tpu.memory_space<hbm>>
      %dma_start3A_198 = tpu.memref_squeeze %dma_start3A_197 : memref<1x80x256xf32, #tpu.memory_space<hbm>> -> memref<80x256xf32, #tpu.memory_space<hbm>>
      %dma_start3A_199 = tpu.memref_slice %arg10[%dma_start3A_193] : memref<8x!tpu.dma_semaphore, #tpu.memory_space<semaphore_mem>> -> memref<1x!tpu.dma_semaphore, #tpu.memory_space<semaphore_mem>>
      %dma_start3A_200 = tpu.memref_squeeze %dma_start3A_199 : memref<1x!tpu.dma_semaphore, #tpu.memory_space<semaphore_mem>> -> memref<!tpu.dma_semaphore, #tpu.memory_space<semaphore_mem>>
      %dma_start3A_201 = tpu.memref_slice %arg3[%dma_start3A_192, %add3A_129, %add3A_4] : memref<3x1600x16384xf32, #tpu.memory_space<hbm>> -> memref<1x80x256xf32, #tpu.memory_space<hbm>>
      %dma_start3A_202 = tpu.memref_squeeze %dma_start3A_201 : memref<1x80x256xf32, #tpu.memory_space<hbm>> -> memref<80x256xf32, #tpu.memory_space<hbm>>
      %dma_start3A_203 = arith.constant 0 : i32
      %dma_start3A_204 = arith.constant 0 : i32
      %dma_start3A_205 = tpu.memref_slice %arg5[%dma_start3A_203, %dma_start3A_204] : memref<88x256xf32, #tpu.memory_space<vmem>> -> memref<80x256xf32, #tpu.memory_space<vmem>>
      tpu.enqueue_dma source(%dma_start3A_205 : memref<80x256xf32, #tpu.memory_space<vmem>>) target(%dma_start3A_202 : memref<80x256xf32, #tpu.memory_space<hbm>>) target_semaphore(%dma_start3A_200 : memref<!tpu.dma_semaphore, #tpu.memory_space<semaphore_mem>>)
      %scan3A_206 = arith.constant 0 : i32
      %scan3A_207 = arith.constant 80 : i32
      %scan3A_208 = arith.addi %scan3A_206, %scan3A_207 : i32
      %scan3A_209 = arith.constant 1 : i32
      scf.for %scan3A_328 = %scan3A_206 to %scan3A_208 step %scan3A_209  : i32 {
        %mul3A_329 = arith.constant 1 : i32
        %mul3A_330 = arith.muli %scan3A_328, %mul3A_329 : i32
        %add3A_331 = arith.constant 0 : i32
        %add3A_332 = arith.addi %add3A_331, %mul3A_330 : i32
        %add3A_333 = arith.constant 1 : i32
        %add3A_334 = arith.addi %add3A_332, %add3A_333 : i32
        %get3A = arith.index_cast %add3A_334 : i32 to index
        %get3A_335 = arith.constant 0 : index
        %get3A_336 = tpu.vector_load %arg5[%get3A, %get3A_335] {strides = array<i32>} : memref<88x256xf32, #tpu.memory_space<vmem>>, vector<1x16xf32>,
        %get3A_337 = vector.shape_cast %get3A_336 : vector<1x16xf32> to vector<16xf32>
        %swap3A = arith.index_cast %add3A_332 : i32 to index
        %swap3A_338 = arith.constant 0 : index
        %swap3A_339 = tpu.vector_load %arg8[%swap3A, %swap3A_338] {strides = array<i32>} : memref<80x256xf32, #tpu.memory_space<vmem>>, vector<1x16xf32>,
        %swap3A_340 = vector.shape_cast %swap3A_339 : vector<1x16xf32> to vector<16xf32>
        %swap3A_341 = vector.shape_cast %get3A_337 : vector<16xf32> to vector<1x16xf32>
        tpu.vector_store %arg8[%swap3A, %swap3A_338], %swap3A_341 {strides = array<i32>} : memref<80x256xf32, #tpu.memory_space<vmem>>, vector<1x16xf32>,
        %add3A_342 = arith.constant 1 : i32
        %add3A_343 = arith.addi %add3A_332, %add3A_342 : i32
        %get3A_344 = arith.index_cast %add3A_343 : i32 to index
        %get3A_345 = arith.constant 16 : index
        %get3A_346 = tpu.vector_load %arg5[%get3A_344, %get3A_345] {strides = array<i32>} : memref<88x256xf32, #tpu.memory_space<vmem>>, vector<1x16xf32>,
        %get3A_347 = vector.shape_cast %get3A_346 : vector<1x16xf32> to vector<16xf32>
        %swap3A_348 = arith.index_cast %add3A_332 : i32 to index
        %swap3A_349 = arith.constant 16 : index
        %swap3A_350 = tpu.vector_load %arg8[%swap3A_348, %swap3A_349] {strides = array<i32>} : memref<80x256xf32, #tpu.memory_space<vmem>>, vector<1x16xf32>,
        %swap3A_351 = vector.shape_cast %swap3A_350 : vector<1x16xf32> to vector<16xf32>
        %swap3A_352 = vector.shape_cast %get3A_347 : vector<16xf32> to vector<1x16xf32>
        tpu.vector_store %arg8[%swap3A_348, %swap3A_349], %swap3A_352 {strides = array<i32>} : memref<80x256xf32, #tpu.memory_space<vmem>>, vector<1x16xf32>,
        %add3A_353 = arith.constant 1 : i32
        %add3A_354 = arith.addi %add3A_332, %add3A_353 : i32
        %get3A_355 = arith.index_cast %add3A_354 : i32 to index
        %get3A_356 = arith.constant 32 : index
        %get3A_357 = tpu.vector_load %arg5[%get3A_355, %get3A_356] {strides = array<i32>} : memref<88x256xf32, #tpu.memory_space<vmem>>, vector<1x16xf32>,
        %get3A_358 = vector.shape_cast %get3A_357 : vector<1x16xf32> to vector<16xf32>
        %swap3A_359 = arith.index_cast %add3A_332 : i32 to index
        %swap3A_360 = arith.constant 32 : index
        %swap3A_361 = tpu.vector_load %arg8[%swap3A_359, %swap3A_360] {strides = array<i32>} : memref<80x256xf32, #tpu.memory_space<vmem>>, vector<1x16xf32>,
        %swap3A_362 = vector.shape_cast %swap3A_361 : vector<1x16xf32> to vector<16xf32>
        %swap3A_363 = vector.shape_cast %get3A_358 : vector<16xf32> to vector<1x16xf32>
        tpu.vector_store %arg8[%swap3A_359, %swap3A_360], %swap3A_363 {strides = array<i32>} : memref<80x256xf32, #tpu.memory_space<vmem>>, vector<1x16xf32>,
        %add3A_364 = arith.constant 1 : i32
        %add3A_365 = arith.addi %add3A_332, %add3A_364 : i32
        %get3A_366 = arith.index_cast %add3A_365 : i32 to index
        %get3A_367 = arith.constant 48 : index
        %get3A_368 = tpu.vector_load %arg5[%get3A_366, %get3A_367] {strides = array<i32>} : memref<88x256xf32, #tpu.memory_space<vmem>>, vector<1x16xf32>,
        %get3A_369 = vector.shape_cast %get3A_368 : vector<1x16xf32> to vector<16xf32>
        %swap3A_370 = arith.index_cast %add3A_332 : i32 to index
        %swap3A_371 = arith.constant 48 : index
        %swap3A_372 = tpu.vector_load %arg8[%swap3A_370, %swap3A_371] {strides = array<i32>} : memref<80x256xf32, #tpu.memory_space<vmem>>, vector<1x16xf32>,
        %swap3A_373 = vector.shape_cast %swap3A_372 : vector<1x16xf32> to vector<16xf32>
        %swap3A_374 = vector.shape_cast %get3A_369 : vector<16xf32> to vector<1x16xf32>
        tpu.vector_store %arg8[%swap3A_370, %swap3A_371], %swap3A_374 {strides = array<i32>} : memref<80x256xf32, #tpu.memory_space<vmem>>, vector<1x16xf32>,
        %add3A_375 = arith.constant 1 : i32
        %add3A_376 = arith.addi %add3A_332, %add3A_375 : i32
        %get3A_377 = arith.index_cast %add3A_376 : i32 to index
        %get3A_378 = arith.constant 64 : index
        %get3A_379 = tpu.vector_load %arg5[%get3A_377, %get3A_378] {strides = array<i32>} : memref<88x256xf32, #tpu.memory_space<vmem>>, vector<1x16xf32>,
        %get3A_380 = vector.shape_cast %get3A_379 : vector<1x16xf32> to vector<16xf32>
        %swap3A_381 = arith.index_cast %add3A_332 : i32 to index
        %swap3A_382 = arith.constant 64 : index
        %swap3A_383 = tpu.vector_load %arg8[%swap3A_381, %swap3A_382] {strides = array<i32>} : memref<80x256xf32, #tpu.memory_space<vmem>>, vector<1x16xf32>,
        %swap3A_384 = vector.shape_cast %swap3A_383 : vector<1x16xf32> to vector<16xf32>
        %swap3A_385 = vector.shape_cast %get3A_380 : vector<16xf32> to vector<1x16xf32>
        tpu.vector_store %arg8[%swap3A_381, %swap3A_382], %swap3A_385 {strides = array<i32>} : memref<80x256xf32, #tpu.memory_space<vmem>>, vector<1x16xf32>,
        %add3A_386 = arith.constant 1 : i32
        %add3A_387 = arith.addi %add3A_332, %add3A_386 : i32
        %get3A_388 = arith.index_cast %add3A_387 : i32 to index
        %get3A_389 = arith.constant 80 : index
        %get3A_390 = tpu.vector_load %arg5[%get3A_388, %get3A_389] {strides = array<i32>} : memref<88x256xf32, #tpu.memory_space<vmem>>, vector<1x16xf32>,
        %get3A_391 = vector.shape_cast %get3A_390 : vector<1x16xf32> to vector<16xf32>
        %swap3A_392 = arith.index_cast %add3A_332 : i32 to index
        %swap3A_393 = arith.constant 80 : index
        %swap3A_394 = tpu.vector_load %arg8[%swap3A_392, %swap3A_393] {strides = array<i32>} : memref<80x256xf32, #tpu.memory_space<vmem>>, vector<1x16xf32>,
        %swap3A_395 = vector.shape_cast %swap3A_394 : vector<1x16xf32> to vector<16xf32>
        %swap3A_396 = vector.shape_cast %get3A_391 : vector<16xf32> to vector<1x16xf32>
        tpu.vector_store %arg8[%swap3A_392, %swap3A_393], %swap3A_396 {strides = array<i32>} : memref<80x256xf32, #tpu.memory_space<vmem>>, vector<1x16xf32>,
        %add3A_397 = arith.constant 1 : i32
        %add3A_398 = arith.addi %add3A_332, %add3A_397 : i32
        %get3A_399 = arith.index_cast %add3A_398 : i32 to index
        %get3A_400 = arith.constant 96 : index
        %get3A_401 = tpu.vector_load %arg5[%get3A_399, %get3A_400] {strides = array<i32>} : memref<88x256xf32, #tpu.memory_space<vmem>>, vector<1x16xf32>,
        %get3A_402 = vector.shape_cast %get3A_401 : vector<1x16xf32> to vector<16xf32>
        %swap3A_403 = arith.index_cast %add3A_332 : i32 to index
        %swap3A_404 = arith.constant 96 : index
        %swap3A_405 = tpu.vector_load %arg8[%swap3A_403, %swap3A_404] {strides = array<i32>} : memref<80x256xf32, #tpu.memory_space<vmem>>, vector<1x16xf32>,
        %swap3A_406 = vector.shape_cast %swap3A_405 : vector<1x16xf32> to vector<16xf32>
        %swap3A_407 = vector.shape_cast %get3A_402 : vector<16xf32> to vector<1x16xf32>
        tpu.vector_store %arg8[%swap3A_403, %swap3A_404], %swap3A_407 {strides = array<i32>} : memref<80x256xf32, #tpu.memory_space<vmem>>, vector<1x16xf32>,
        %add3A_408 = arith.constant 1 : i32
        %add3A_409 = arith.addi %add3A_332, %add3A_408 : i32
        %get3A_410 = arith.index_cast %add3A_409 : i32 to index
        %get3A_411 = arith.constant 112 : index
        %get3A_412 = tpu.vector_load %arg5[%get3A_410, %get3A_411] {strides = array<i32>} : memref<88x256xf32, #tpu.memory_space<vmem>>, vector<1x16xf32>,
        %get3A_413 = vector.shape_cast %get3A_412 : vector<1x16xf32> to vector<16xf32>
        %swap3A_414 = arith.index_cast %add3A_332 : i32 to index
        %swap3A_415 = arith.constant 112 : index
        %swap3A_416 = tpu.vector_load %arg8[%swap3A_414, %swap3A_415] {strides = array<i32>} : memref<80x256xf32, #tpu.memory_space<vmem>>, vector<1x16xf32>,
        %swap3A_417 = vector.shape_cast %swap3A_416 : vector<1x16xf32> to vector<16xf32>
        %swap3A_418 = vector.shape_cast %get3A_413 : vector<16xf32> to vector<1x16xf32>
        tpu.vector_store %arg8[%swap3A_414, %swap3A_415], %swap3A_418 {strides = array<i32>} : memref<80x256xf32, #tpu.memory_space<vmem>>, vector<1x16xf32>,
        %add3A_419 = arith.constant 1 : i32
        %add3A_420 = arith.addi %add3A_332, %add3A_419 : i32
        %get3A_421 = arith.index_cast %add3A_420 : i32 to index
        %get3A_422 = arith.constant 128 : index
        %get3A_423 = tpu.vector_load %arg5[%get3A_421, %get3A_422] {strides = array<i32>} : memref<88x256xf32, #tpu.memory_space<vmem>>, vector<1x16xf32>,
        %get3A_424 = vector.shape_cast %get3A_423 : vector<1x16xf32> to vector<16xf32>
        %swap3A_425 = arith.index_cast %add3A_332 : i32 to index
        %swap3A_426 = arith.constant 128 : index
        %swap3A_427 = tpu.vector_load %arg8[%swap3A_425, %swap3A_426] {strides = array<i32>} : memref<80x256xf32, #tpu.memory_space<vmem>>, vector<1x16xf32>,
        %swap3A_428 = vector.shape_cast %swap3A_427 : vector<1x16xf32> to vector<16xf32>
        %swap3A_429 = vector.shape_cast %get3A_424 : vector<16xf32> to vector<1x16xf32>
        tpu.vector_store %arg8[%swap3A_425, %swap3A_426], %swap3A_429 {strides = array<i32>} : memref<80x256xf32, #tpu.memory_space<vmem>>, vector<1x16xf32>,
        %add3A_430 = arith.constant 1 : i32
        %add3A_431 = arith.addi %add3A_332, %add3A_430 : i32
        %get3A_432 = arith.index_cast %add3A_431 : i32 to index
        %get3A_433 = arith.constant 144 : index
        %get3A_434 = tpu.vector_load %arg5[%get3A_432, %get3A_433] {strides = array<i32>} : memref<88x256xf32, #tpu.memory_space<vmem>>, vector<1x16xf32>,
        %get3A_435 = vector.shape_cast %get3A_434 : vector<1x16xf32> to vector<16xf32>
        %swap3A_436 = arith.index_cast %add3A_332 : i32 to index
        %swap3A_437 = arith.constant 144 : index
        %swap3A_438 = tpu.vector_load %arg8[%swap3A_436, %swap3A_437] {strides = array<i32>} : memref<80x256xf32, #tpu.memory_space<vmem>>, vector<1x16xf32>,
        %swap3A_439 = vector.shape_cast %swap3A_438 : vector<1x16xf32> to vector<16xf32>
        %swap3A_440 = vector.shape_cast %get3A_435 : vector<16xf32> to vector<1x16xf32>
        tpu.vector_store %arg8[%swap3A_436, %swap3A_437], %swap3A_440 {strides = array<i32>} : memref<80x256xf32, #tpu.memory_space<vmem>>, vector<1x16xf32>,
        %add3A_441 = arith.constant 1 : i32
        %add3A_442 = arith.addi %add3A_332, %add3A_441 : i32
        %get3A_443 = arith.index_cast %add3A_442 : i32 to index
        %get3A_444 = arith.constant 160 : index
        %get3A_445 = tpu.vector_load %arg5[%get3A_443, %get3A_444] {strides = array<i32>} : memref<88x256xf32, #tpu.memory_space<vmem>>, vector<1x16xf32>,
        %get3A_446 = vector.shape_cast %get3A_445 : vector<1x16xf32> to vector<16xf32>
        %swap3A_447 = arith.index_cast %add3A_332 : i32 to index
        %swap3A_448 = arith.constant 160 : index
        %swap3A_449 = tpu.vector_load %arg8[%swap3A_447, %swap3A_448] {strides = array<i32>} : memref<80x256xf32, #tpu.memory_space<vmem>>, vector<1x16xf32>,
        %swap3A_450 = vector.shape_cast %swap3A_449 : vector<1x16xf32> to vector<16xf32>
        %swap3A_451 = vector.shape_cast %get3A_446 : vector<16xf32> to vector<1x16xf32>
        tpu.vector_store %arg8[%swap3A_447, %swap3A_448], %swap3A_451 {strides = array<i32>} : memref<80x256xf32, #tpu.memory_space<vmem>>, vector<1x16xf32>,
        %add3A_452 = arith.constant 1 : i32
        %add3A_453 = arith.addi %add3A_332, %add3A_452 : i32
        %get3A_454 = arith.index_cast %add3A_453 : i32 to index
        %get3A_455 = arith.constant 176 : index
        %get3A_456 = tpu.vector_load %arg5[%get3A_454, %get3A_455] {strides = array<i32>} : memref<88x256xf32, #tpu.memory_space<vmem>>, vector<1x16xf32>,
        %get3A_457 = vector.shape_cast %get3A_456 : vector<1x16xf32> to vector<16xf32>
        %swap3A_458 = arith.index_cast %add3A_332 : i32 to index
        %swap3A_459 = arith.constant 176 : index
        %swap3A_460 = tpu.vector_load %arg8[%swap3A_458, %swap3A_459] {strides = array<i32>} : memref<80x256xf32, #tpu.memory_space<vmem>>, vector<1x16xf32>,
        %swap3A_461 = vector.shape_cast %swap3A_460 : vector<1x16xf32> to vector<16xf32>
        %swap3A_462 = vector.shape_cast %get3A_457 : vector<16xf32> to vector<1x16xf32>
        tpu.vector_store %arg8[%swap3A_458, %swap3A_459], %swap3A_462 {strides = array<i32>} : memref<80x256xf32, #tpu.memory_space<vmem>>, vector<1x16xf32>,
        %add3A_463 = arith.constant 1 : i32
        %add3A_464 = arith.addi %add3A_332, %add3A_463 : i32
        %get3A_465 = arith.index_cast %add3A_464 : i32 to index
        %get3A_466 = arith.constant 192 : index
        %get3A_467 = tpu.vector_load %arg5[%get3A_465, %get3A_466] {strides = array<i32>} : memref<88x256xf32, #tpu.memory_space<vmem>>, vector<1x16xf32>,
        %get3A_468 = vector.shape_cast %get3A_467 : vector<1x16xf32> to vector<16xf32>
        %swap3A_469 = arith.index_cast %add3A_332 : i32 to index
        %swap3A_470 = arith.constant 192 : index
        %swap3A_471 = tpu.vector_load %arg8[%swap3A_469, %swap3A_470] {strides = array<i32>} : memref<80x256xf32, #tpu.memory_space<vmem>>, vector<1x16xf32>,
        %swap3A_472 = vector.shape_cast %swap3A_471 : vector<1x16xf32> to vector<16xf32>
        %swap3A_473 = vector.shape_cast %get3A_468 : vector<16xf32> to vector<1x16xf32>
        tpu.vector_store %arg8[%swap3A_469, %swap3A_470], %swap3A_473 {strides = array<i32>} : memref<80x256xf32, #tpu.memory_space<vmem>>, vector<1x16xf32>,
        %add3A_474 = arith.constant 1 : i32
        %add3A_475 = arith.addi %add3A_332, %add3A_474 : i32
        %get3A_476 = arith.index_cast %add3A_475 : i32 to index
        %get3A_477 = arith.constant 208 : index
        %get3A_478 = tpu.vector_load %arg5[%get3A_476, %get3A_477] {strides = array<i32>} : memref<88x256xf32, #tpu.memory_space<vmem>>, vector<1x16xf32>,
        %get3A_479 = vector.shape_cast %get3A_478 : vector<1x16xf32> to vector<16xf32>
        %swap3A_480 = arith.index_cast %add3A_332 : i32 to index
        %swap3A_481 = arith.constant 208 : index
        %swap3A_482 = tpu.vector_load %arg8[%swap3A_480, %swap3A_481] {strides = array<i32>} : memref<80x256xf32, #tpu.memory_space<vmem>>, vector<1x16xf32>,
        %swap3A_483 = vector.shape_cast %swap3A_482 : vector<1x16xf32> to vector<16xf32>
        %swap3A_484 = vector.shape_cast %get3A_479 : vector<16xf32> to vector<1x16xf32>
        tpu.vector_store %arg8[%swap3A_480, %swap3A_481], %swap3A_484 {strides = array<i32>} : memref<80x256xf32, #tpu.memory_space<vmem>>, vector<1x16xf32>,
        %add3A_485 = arith.constant 1 : i32
        %add3A_486 = arith.addi %add3A_332, %add3A_485 : i32
        %get3A_487 = arith.index_cast %add3A_486 : i32 to index
        %get3A_488 = arith.constant 224 : index
        %get3A_489 = tpu.vector_load %arg5[%get3A_487, %get3A_488] {strides = array<i32>} : memref<88x256xf32, #tpu.memory_space<vmem>>, vector<1x16xf32>,
        %get3A_490 = vector.shape_cast %get3A_489 : vector<1x16xf32> to vector<16xf32>
        %swap3A_491 = arith.index_cast %add3A_332 : i32 to index
        %swap3A_492 = arith.constant 224 : index
        %swap3A_493 = tpu.vector_load %arg8[%swap3A_491, %swap3A_492] {strides = array<i32>} : memref<80x256xf32, #tpu.memory_space<vmem>>, vector<1x16xf32>,
        %swap3A_494 = vector.shape_cast %swap3A_493 : vector<1x16xf32> to vector<16xf32>
        %swap3A_495 = vector.shape_cast %get3A_490 : vector<16xf32> to vector<1x16xf32>
        tpu.vector_store %arg8[%swap3A_491, %swap3A_492], %swap3A_495 {strides = array<i32>} : memref<80x256xf32, #tpu.memory_space<vmem>>, vector<1x16xf32>,
        %add3A_496 = arith.constant 1 : i32
        %add3A_497 = arith.addi %add3A_332, %add3A_496 : i32
        %get3A_498 = arith.index_cast %add3A_497 : i32 to index
        %get3A_499 = arith.constant 240 : index
        %get3A_500 = tpu.vector_load %arg5[%get3A_498, %get3A_499] {strides = array<i32>} : memref<88x256xf32, #tpu.memory_space<vmem>>, vector<1x16xf32>,
        %get3A_501 = vector.shape_cast %get3A_500 : vector<1x16xf32> to vector<16xf32>
        %swap3A_502 = arith.index_cast %add3A_332 : i32 to index
        %swap3A_503 = arith.constant 240 : index
        %swap3A_504 = tpu.vector_load %arg8[%swap3A_502, %swap3A_503] {strides = array<i32>} : memref<80x256xf32, #tpu.memory_space<vmem>>, vector<1x16xf32>,
        %swap3A_505 = vector.shape_cast %swap3A_504 : vector<1x16xf32> to vector<16xf32>
        %swap3A_506 = vector.shape_cast %get3A_501 : vector<16xf32> to vector<1x16xf32>
        tpu.vector_store %arg8[%swap3A_502, %swap3A_503], %swap3A_506 {strides = array<i32>} : memref<80x256xf32, #tpu.memory_space<vmem>>, vector<1x16xf32>,
      }
      %scan3A_210 = arith.constant 80 : i32
      %dma_start3A_211 = arith.constant 1 : i32
      %dma_start3A_212 = arith.constant 6 : i32
      %dma_start3A_213 = arith.constant 0 : i32
      %dma_start3A_214 = arith.constant 0 : i32
      %dma_start3A_215 = tpu.memref_slice %arg8[%dma_start3A_213, %dma_start3A_214] : memref<80x256xf32, #tpu.memory_space<vmem>> -> memref<80x256xf32, #tpu.memory_space<vmem>>
      %dma_start3A_216 = tpu.memref_slice %arg3[%dma_start3A_211, %add3A_129, %add3A_4] : memref<3x1600x16384xf32, #tpu.memory_space<hbm>> -> memref<1x80x256xf32, #tpu.memory_space<hbm>>
      %dma_start3A_217 = tpu.memref_squeeze %dma_start3A_216 : memref<1x80x256xf32, #tpu.memory_space<hbm>> -> memref<80x256xf32, #tpu.memory_space<hbm>>
      %dma_start3A_218 = tpu.memref_slice %arg10[%dma_start3A_212] : memref<8x!tpu.dma_semaphore, #tpu.memory_space<semaphore_mem>> -> memref<1x!tpu.dma_semaphore, #tpu.memory_space<semaphore_mem>>
      %dma_start3A_219 = tpu.memref_squeeze %dma_start3A_218 : memref<1x!tpu.dma_semaphore, #tpu.memory_space<semaphore_mem>> -> memref<!tpu.dma_semaphore, #tpu.memory_space<semaphore_mem>>
      %dma_start3A_220 = tpu.memref_slice %arg3[%dma_start3A_211, %add3A_129, %add3A_4] : memref<3x1600x16384xf32, #tpu.memory_space<hbm>> -> memref<1x80x256xf32, #tpu.memory_space<hbm>>
      %dma_start3A_221 = tpu.memref_squeeze %dma_start3A_220 : memref<1x80x256xf32, #tpu.memory_space<hbm>> -> memref<80x256xf32, #tpu.memory_space<hbm>>
      %dma_start3A_222 = arith.constant 0 : i32
      %dma_start3A_223 = arith.constant 0 : i32
      %dma_start3A_224 = tpu.memref_slice %arg8[%dma_start3A_222, %dma_start3A_223] : memref<80x256xf32, #tpu.memory_space<vmem>> -> memref<80x256xf32, #tpu.memory_space<vmem>>
      tpu.enqueue_dma source(%dma_start3A_224 : memref<80x256xf32, #tpu.memory_space<vmem>>) target(%dma_start3A_221 : memref<80x256xf32, #tpu.memory_space<hbm>>) target_semaphore(%dma_start3A_219 : memref<!tpu.dma_semaphore, #tpu.memory_space<semaphore_mem>>)
      %scan3A_225 = arith.constant 0 : i32
      %scan3A_226 = arith.constant 80 : i32
      %scan3A_227 = arith.addi %scan3A_225, %scan3A_226 : i32
      %scan3A_228 = arith.constant 1 : i32
      scf.for %scan3A_328 = %scan3A_225 to %scan3A_227 step %scan3A_228  : i32 {
        %mul3A_329 = arith.constant 1 : i32
        %mul3A_330 = arith.muli %scan3A_328, %mul3A_329 : i32
        %add3A_331 = arith.constant 0 : i32
        %add3A_332 = arith.addi %add3A_331, %mul3A_330 : i32
        %add3A_333 = arith.constant 3 : i32
        %add3A_334 = arith.addi %add3A_332, %add3A_333 : i32
        %get3A = arith.index_cast %add3A_334 : i32 to index
        %get3A_335 = arith.constant 0 : index
        %get3A_336 = tpu.vector_load %arg5[%get3A, %get3A_335] {strides = array<i32>} : memref<88x256xf32, #tpu.memory_space<vmem>>, vector<1x16xf32>,
        %get3A_337 = vector.shape_cast %get3A_336 : vector<1x16xf32> to vector<16xf32>
        %swap3A = arith.index_cast %add3A_332 : i32 to index
        %swap3A_338 = arith.constant 0 : index
        %swap3A_339 = tpu.vector_load %arg9[%swap3A, %swap3A_338] {strides = array<i32>} : memref<80x256xf32, #tpu.memory_space<vmem>>, vector<1x16xf32>,
        %swap3A_340 = vector.shape_cast %swap3A_339 : vector<1x16xf32> to vector<16xf32>
        %swap3A_341 = vector.shape_cast %get3A_337 : vector<16xf32> to vector<1x16xf32>
        tpu.vector_store %arg9[%swap3A, %swap3A_338], %swap3A_341 {strides = array<i32>} : memref<80x256xf32, #tpu.memory_space<vmem>>, vector<1x16xf32>,
        %add3A_342 = arith.constant 3 : i32
        %add3A_343 = arith.addi %add3A_332, %add3A_342 : i32
        %get3A_344 = arith.index_cast %add3A_343 : i32 to index
        %get3A_345 = arith.constant 16 : index
        %get3A_346 = tpu.vector_load %arg5[%get3A_344, %get3A_345] {strides = array<i32>} : memref<88x256xf32, #tpu.memory_space<vmem>>, vector<1x16xf32>,
        %get3A_347 = vector.shape_cast %get3A_346 : vector<1x16xf32> to vector<16xf32>
        %swap3A_348 = arith.index_cast %add3A_332 : i32 to index
        %swap3A_349 = arith.constant 16 : index
        %swap3A_350 = tpu.vector_load %arg9[%swap3A_348, %swap3A_349] {strides = array<i32>} : memref<80x256xf32, #tpu.memory_space<vmem>>, vector<1x16xf32>,
        %swap3A_351 = vector.shape_cast %swap3A_350 : vector<1x16xf32> to vector<16xf32>
        %swap3A_352 = vector.shape_cast %get3A_347 : vector<16xf32> to vector<1x16xf32>
        tpu.vector_store %arg9[%swap3A_348, %swap3A_349], %swap3A_352 {strides = array<i32>} : memref<80x256xf32, #tpu.memory_space<vmem>>, vector<1x16xf32>,
        %add3A_353 = arith.constant 3 : i32
        %add3A_354 = arith.addi %add3A_332, %add3A_353 : i32
        %get3A_355 = arith.index_cast %add3A_354 : i32 to index
        %get3A_356 = arith.constant 32 : index
        %get3A_357 = tpu.vector_load %arg5[%get3A_355, %get3A_356] {strides = array<i32>} : memref<88x256xf32, #tpu.memory_space<vmem>>, vector<1x16xf32>,
        %get3A_358 = vector.shape_cast %get3A_357 : vector<1x16xf32> to vector<16xf32>
        %swap3A_359 = arith.index_cast %add3A_332 : i32 to index
        %swap3A_360 = arith.constant 32 : index
        %swap3A_361 = tpu.vector_load %arg9[%swap3A_359, %swap3A_360] {strides = array<i32>} : memref<80x256xf32, #tpu.memory_space<vmem>>, vector<1x16xf32>,
        %swap3A_362 = vector.shape_cast %swap3A_361 : vector<1x16xf32> to vector<16xf32>
        %swap3A_363 = vector.shape_cast %get3A_358 : vector<16xf32> to vector<1x16xf32>
        tpu.vector_store %arg9[%swap3A_359, %swap3A_360], %swap3A_363 {strides = array<i32>} : memref<80x256xf32, #tpu.memory_space<vmem>>, vector<1x16xf32>,
        %add3A_364 = arith.constant 3 : i32
        %add3A_365 = arith.addi %add3A_332, %add3A_364 : i32
        %get3A_366 = arith.index_cast %add3A_365 : i32 to index
        %get3A_367 = arith.constant 48 : index
        %get3A_368 = tpu.vector_load %arg5[%get3A_366, %get3A_367] {strides = array<i32>} : memref<88x256xf32, #tpu.memory_space<vmem>>, vector<1x16xf32>,
        %get3A_369 = vector.shape_cast %get3A_368 : vector<1x16xf32> to vector<16xf32>
        %swap3A_370 = arith.index_cast %add3A_332 : i32 to index
        %swap3A_371 = arith.constant 48 : index
        %swap3A_372 = tpu.vector_load %arg9[%swap3A_370, %swap3A_371] {strides = array<i32>} : memref<80x256xf32, #tpu.memory_space<vmem>>, vector<1x16xf32>,
        %swap3A_373 = vector.shape_cast %swap3A_372 : vector<1x16xf32> to vector<16xf32>
        %swap3A_374 = vector.shape_cast %get3A_369 : vector<16xf32> to vector<1x16xf32>
        tpu.vector_store %arg9[%swap3A_370, %swap3A_371], %swap3A_374 {strides = array<i32>} : memref<80x256xf32, #tpu.memory_space<vmem>>, vector<1x16xf32>,
        %add3A_375 = arith.constant 3 : i32
        %add3A_376 = arith.addi %add3A_332, %add3A_375 : i32
        %get3A_377 = arith.index_cast %add3A_376 : i32 to index
        %get3A_378 = arith.constant 64 : index
        %get3A_379 = tpu.vector_load %arg5[%get3A_377, %get3A_378] {strides = array<i32>} : memref<88x256xf32, #tpu.memory_space<vmem>>, vector<1x16xf32>,
        %get3A_380 = vector.shape_cast %get3A_379 : vector<1x16xf32> to vector<16xf32>
        %swap3A_381 = arith.index_cast %add3A_332 : i32 to index
        %swap3A_382 = arith.constant 64 : index
        %swap3A_383 = tpu.vector_load %arg9[%swap3A_381, %swap3A_382] {strides = array<i32>} : memref<80x256xf32, #tpu.memory_space<vmem>>, vector<1x16xf32>,
        %swap3A_384 = vector.shape_cast %swap3A_383 : vector<1x16xf32> to vector<16xf32>
        %swap3A_385 = vector.shape_cast %get3A_380 : vector<16xf32> to vector<1x16xf32>
        tpu.vector_store %arg9[%swap3A_381, %swap3A_382], %swap3A_385 {strides = array<i32>} : memref<80x256xf32, #tpu.memory_space<vmem>>, vector<1x16xf32>,
        %add3A_386 = arith.constant 3 : i32
        %add3A_387 = arith.addi %add3A_332, %add3A_386 : i32
        %get3A_388 = arith.index_cast %add3A_387 : i32 to index
        %get3A_389 = arith.constant 80 : index
        %get3A_390 = tpu.vector_load %arg5[%get3A_388, %get3A_389] {strides = array<i32>} : memref<88x256xf32, #tpu.memory_space<vmem>>, vector<1x16xf32>,
        %get3A_391 = vector.shape_cast %get3A_390 : vector<1x16xf32> to vector<16xf32>
        %swap3A_392 = arith.index_cast %add3A_332 : i32 to index
        %swap3A_393 = arith.constant 80 : index
        %swap3A_394 = tpu.vector_load %arg9[%swap3A_392, %swap3A_393] {strides = array<i32>} : memref<80x256xf32, #tpu.memory_space<vmem>>, vector<1x16xf32>,
        %swap3A_395 = vector.shape_cast %swap3A_394 : vector<1x16xf32> to vector<16xf32>
        %swap3A_396 = vector.shape_cast %get3A_391 : vector<16xf32> to vector<1x16xf32>
        tpu.vector_store %arg9[%swap3A_392, %swap3A_393], %swap3A_396 {strides = array<i32>} : memref<80x256xf32, #tpu.memory_space<vmem>>, vector<1x16xf32>,
        %add3A_397 = arith.constant 3 : i32
        %add3A_398 = arith.addi %add3A_332, %add3A_397 : i32
        %get3A_399 = arith.index_cast %add3A_398 : i32 to index
        %get3A_400 = arith.constant 96 : index
        %get3A_401 = tpu.vector_load %arg5[%get3A_399, %get3A_400] {strides = array<i32>} : memref<88x256xf32, #tpu.memory_space<vmem>>, vector<1x16xf32>,
        %get3A_402 = vector.shape_cast %get3A_401 : vector<1x16xf32> to vector<16xf32>
        %swap3A_403 = arith.index_cast %add3A_332 : i32 to index
        %swap3A_404 = arith.constant 96 : index
        %swap3A_405 = tpu.vector_load %arg9[%swap3A_403, %swap3A_404] {strides = array<i32>} : memref<80x256xf32, #tpu.memory_space<vmem>>, vector<1x16xf32>,
        %swap3A_406 = vector.shape_cast %swap3A_405 : vector<1x16xf32> to vector<16xf32>
        %swap3A_407 = vector.shape_cast %get3A_402 : vector<16xf32> to vector<1x16xf32>
        tpu.vector_store %arg9[%swap3A_403, %swap3A_404], %swap3A_407 {strides = array<i32>} : memref<80x256xf32, #tpu.memory_space<vmem>>, vector<1x16xf32>,
        %add3A_408 = arith.constant 3 : i32
        %add3A_409 = arith.addi %add3A_332, %add3A_408 : i32
        %get3A_410 = arith.index_cast %add3A_409 : i32 to index
        %get3A_411 = arith.constant 112 : index
        %get3A_412 = tpu.vector_load %arg5[%get3A_410, %get3A_411] {strides = array<i32>} : memref<88x256xf32, #tpu.memory_space<vmem>>, vector<1x16xf32>,
        %get3A_413 = vector.shape_cast %get3A_412 : vector<1x16xf32> to vector<16xf32>
        %swap3A_414 = arith.index_cast %add3A_332 : i32 to index
        %swap3A_415 = arith.constant 112 : index
        %swap3A_416 = tpu.vector_load %arg9[%swap3A_414, %swap3A_415] {strides = array<i32>} : memref<80x256xf32, #tpu.memory_space<vmem>>, vector<1x16xf32>,
        %swap3A_417 = vector.shape_cast %swap3A_416 : vector<1x16xf32> to vector<16xf32>
        %swap3A_418 = vector.shape_cast %get3A_413 : vector<16xf32> to vector<1x16xf32>
        tpu.vector_store %arg9[%swap3A_414, %swap3A_415], %swap3A_418 {strides = array<i32>} : memref<80x256xf32, #tpu.memory_space<vmem>>, vector<1x16xf32>,
        %add3A_419 = arith.constant 3 : i32
        %add3A_420 = arith.addi %add3A_332, %add3A_419 : i32
        %get3A_421 = arith.index_cast %add3A_420 : i32 to index
        %get3A_422 = arith.constant 128 : index
        %get3A_423 = tpu.vector_load %arg5[%get3A_421, %get3A_422] {strides = array<i32>} : memref<88x256xf32, #tpu.memory_space<vmem>>, vector<1x16xf32>,
        %get3A_424 = vector.shape_cast %get3A_423 : vector<1x16xf32> to vector<16xf32>
        %swap3A_425 = arith.index_cast %add3A_332 : i32 to index
        %swap3A_426 = arith.constant 128 : index
        %swap3A_427 = tpu.vector_load %arg9[%swap3A_425, %swap3A_426] {strides = array<i32>} : memref<80x256xf32, #tpu.memory_space<vmem>>, vector<1x16xf32>,
        %swap3A_428 = vector.shape_cast %swap3A_427 : vector<1x16xf32> to vector<16xf32>
        %swap3A_429 = vector.shape_cast %get3A_424 : vector<16xf32> to vector<1x16xf32>
        tpu.vector_store %arg9[%swap3A_425, %swap3A_426], %swap3A_429 {strides = array<i32>} : memref<80x256xf32, #tpu.memory_space<vmem>>, vector<1x16xf32>,
        %add3A_430 = arith.constant 3 : i32
        %add3A_431 = arith.addi %add3A_332, %add3A_430 : i32
        %get3A_432 = arith.index_cast %add3A_431 : i32 to index
        %get3A_433 = arith.constant 144 : index
        %get3A_434 = tpu.vector_load %arg5[%get3A_432, %get3A_433] {strides = array<i32>} : memref<88x256xf32, #tpu.memory_space<vmem>>, vector<1x16xf32>,
        %get3A_435 = vector.shape_cast %get3A_434 : vector<1x16xf32> to vector<16xf32>
        %swap3A_436 = arith.index_cast %add3A_332 : i32 to index
        %swap3A_437 = arith.constant 144 : index
        %swap3A_438 = tpu.vector_load %arg9[%swap3A_436, %swap3A_437] {strides = array<i32>} : memref<80x256xf32, #tpu.memory_space<vmem>>, vector<1x16xf32>,
        %swap3A_439 = vector.shape_cast %swap3A_438 : vector<1x16xf32> to vector<16xf32>
        %swap3A_440 = vector.shape_cast %get3A_435 : vector<16xf32> to vector<1x16xf32>
        tpu.vector_store %arg9[%swap3A_436, %swap3A_437], %swap3A_440 {strides = array<i32>} : memref<80x256xf32, #tpu.memory_space<vmem>>, vector<1x16xf32>,
        %add3A_441 = arith.constant 3 : i32
        %add3A_442 = arith.addi %add3A_332, %add3A_441 : i32
        %get3A_443 = arith.index_cast %add3A_442 : i32 to index
        %get3A_444 = arith.constant 160 : index
        %get3A_445 = tpu.vector_load %arg5[%get3A_443, %get3A_444] {strides = array<i32>} : memref<88x256xf32, #tpu.memory_space<vmem>>, vector<1x16xf32>,
        %get3A_446 = vector.shape_cast %get3A_445 : vector<1x16xf32> to vector<16xf32>
        %swap3A_447 = arith.index_cast %add3A_332 : i32 to index
        %swap3A_448 = arith.constant 160 : index
        %swap3A_449 = tpu.vector_load %arg9[%swap3A_447, %swap3A_448] {strides = array<i32>} : memref<80x256xf32, #tpu.memory_space<vmem>>, vector<1x16xf32>,
        %swap3A_450 = vector.shape_cast %swap3A_449 : vector<1x16xf32> to vector<16xf32>
        %swap3A_451 = vector.shape_cast %get3A_446 : vector<16xf32> to vector<1x16xf32>
        tpu.vector_store %arg9[%swap3A_447, %swap3A_448], %swap3A_451 {strides = array<i32>} : memref<80x256xf32, #tpu.memory_space<vmem>>, vector<1x16xf32>,
        %add3A_452 = arith.constant 3 : i32
        %add3A_453 = arith.addi %add3A_332, %add3A_452 : i32
        %get3A_454 = arith.index_cast %add3A_453 : i32 to index
        %get3A_455 = arith.constant 176 : index
        %get3A_456 = tpu.vector_load %arg5[%get3A_454, %get3A_455] {strides = array<i32>} : memref<88x256xf32, #tpu.memory_space<vmem>>, vector<1x16xf32>,
        %get3A_457 = vector.shape_cast %get3A_456 : vector<1x16xf32> to vector<16xf32>
        %swap3A_458 = arith.index_cast %add3A_332 : i32 to index
        %swap3A_459 = arith.constant 176 : index
        %swap3A_460 = tpu.vector_load %arg9[%swap3A_458, %swap3A_459] {strides = array<i32>} : memref<80x256xf32, #tpu.memory_space<vmem>>, vector<1x16xf32>,
        %swap3A_461 = vector.shape_cast %swap3A_460 : vector<1x16xf32> to vector<16xf32>
        %swap3A_462 = vector.shape_cast %get3A_457 : vector<16xf32> to vector<1x16xf32>
        tpu.vector_store %arg9[%swap3A_458, %swap3A_459], %swap3A_462 {strides = array<i32>} : memref<80x256xf32, #tpu.memory_space<vmem>>, vector<1x16xf32>,
        %add3A_463 = arith.constant 3 : i32
        %add3A_464 = arith.addi %add3A_332, %add3A_463 : i32
        %get3A_465 = arith.index_cast %add3A_464 : i32 to index
        %get3A_466 = arith.constant 192 : index
        %get3A_467 = tpu.vector_load %arg5[%get3A_465, %get3A_466] {strides = array<i32>} : memref<88x256xf32, #tpu.memory_space<vmem>>, vector<1x16xf32>,
        %get3A_468 = vector.shape_cast %get3A_467 : vector<1x16xf32> to vector<16xf32>
        %swap3A_469 = arith.index_cast %add3A_332 : i32 to index
        %swap3A_470 = arith.constant 192 : index
        %swap3A_471 = tpu.vector_load %arg9[%swap3A_469, %swap3A_470] {strides = array<i32>} : memref<80x256xf32, #tpu.memory_space<vmem>>, vector<1x16xf32>,
        %swap3A_472 = vector.shape_cast %swap3A_471 : vector<1x16xf32> to vector<16xf32>
        %swap3A_473 = vector.shape_cast %get3A_468 : vector<16xf32> to vector<1x16xf32>
        tpu.vector_store %arg9[%swap3A_469, %swap3A_470], %swap3A_473 {strides = array<i32>} : memref<80x256xf32, #tpu.memory_space<vmem>>, vector<1x16xf32>,
        %add3A_474 = arith.constant 3 : i32
        %add3A_475 = arith.addi %add3A_332, %add3A_474 : i32
        %get3A_476 = arith.index_cast %add3A_475 : i32 to index
        %get3A_477 = arith.constant 208 : index
        %get3A_478 = tpu.vector_load %arg5[%get3A_476, %get3A_477] {strides = array<i32>} : memref<88x256xf32, #tpu.memory_space<vmem>>, vector<1x16xf32>,
        %get3A_479 = vector.shape_cast %get3A_478 : vector<1x16xf32> to vector<16xf32>
        %swap3A_480 = arith.index_cast %add3A_332 : i32 to index
        %swap3A_481 = arith.constant 208 : index
        %swap3A_482 = tpu.vector_load %arg9[%swap3A_480, %swap3A_481] {strides = array<i32>} : memref<80x256xf32, #tpu.memory_space<vmem>>, vector<1x16xf32>,
        %swap3A_483 = vector.shape_cast %swap3A_482 : vector<1x16xf32> to vector<16xf32>
        %swap3A_484 = vector.shape_cast %get3A_479 : vector<16xf32> to vector<1x16xf32>
        tpu.vector_store %arg9[%swap3A_480, %swap3A_481], %swap3A_484 {strides = array<i32>} : memref<80x256xf32, #tpu.memory_space<vmem>>, vector<1x16xf32>,
        %add3A_485 = arith.constant 3 : i32
        %add3A_486 = arith.addi %add3A_332, %add3A_485 : i32
        %get3A_487 = arith.index_cast %add3A_486 : i32 to index
        %get3A_488 = arith.constant 224 : index
        %get3A_489 = tpu.vector_load %arg5[%get3A_487, %get3A_488] {strides = array<i32>} : memref<88x256xf32, #tpu.memory_space<vmem>>, vector<1x16xf32>,
        %get3A_490 = vector.shape_cast %get3A_489 : vector<1x16xf32> to vector<16xf32>
        %swap3A_491 = arith.index_cast %add3A_332 : i32 to index
        %swap3A_492 = arith.constant 224 : index
        %swap3A_493 = tpu.vector_load %arg9[%swap3A_491, %swap3A_492] {strides = array<i32>} : memref<80x256xf32, #tpu.memory_space<vmem>>, vector<1x16xf32>,
        %swap3A_494 = vector.shape_cast %swap3A_493 : vector<1x16xf32> to vector<16xf32>
        %swap3A_495 = vector.shape_cast %get3A_490 : vector<16xf32> to vector<1x16xf32>
        tpu.vector_store %arg9[%swap3A_491, %swap3A_492], %swap3A_495 {strides = array<i32>} : memref<80x256xf32, #tpu.memory_space<vmem>>, vector<1x16xf32>,
        %add3A_496 = arith.constant 3 : i32
        %add3A_497 = arith.addi %add3A_332, %add3A_496 : i32
        %get3A_498 = arith.index_cast %add3A_497 : i32 to index
        %get3A_499 = arith.constant 240 : index
        %get3A_500 = tpu.vector_load %arg5[%get3A_498, %get3A_499] {strides = array<i32>} : memref<88x256xf32, #tpu.memory_space<vmem>>, vector<1x16xf32>,
        %get3A_501 = vector.shape_cast %get3A_500 : vector<1x16xf32> to vector<16xf32>
        %swap3A_502 = arith.index_cast %add3A_332 : i32 to index
        %swap3A_503 = arith.constant 240 : index
        %swap3A_504 = tpu.vector_load %arg9[%swap3A_502, %swap3A_503] {strides = array<i32>} : memref<80x256xf32, #tpu.memory_space<vmem>>, vector<1x16xf32>,
        %swap3A_505 = vector.shape_cast %swap3A_504 : vector<1x16xf32> to vector<16xf32>
        %swap3A_506 = vector.shape_cast %get3A_501 : vector<16xf32> to vector<1x16xf32>
        tpu.vector_store %arg9[%swap3A_502, %swap3A_503], %swap3A_506 {strides = array<i32>} : memref<80x256xf32, #tpu.memory_space<vmem>>, vector<1x16xf32>,
      }
      %scan3A_229 = arith.constant 80 : i32
      %dma_start3A_230 = arith.constant 2 : i32
      %dma_start3A_231 = arith.constant 7 : i32
      %dma_start3A_232 = arith.constant 0 : i32
      %dma_start3A_233 = arith.constant 0 : i32
      %dma_start3A_234 = tpu.memref_slice %arg9[%dma_start3A_232, %dma_start3A_233] : memref<80x256xf32, #tpu.memory_space<vmem>> -> memref<80x256xf32, #tpu.memory_space<vmem>>
      %dma_start3A_235 = tpu.memref_slice %arg3[%dma_start3A_230, %add3A_129, %add3A_4] : memref<3x1600x16384xf32, #tpu.memory_space<hbm>> -> memref<1x80x256xf32, #tpu.memory_space<hbm>>
      %dma_start3A_236 = tpu.memref_squeeze %dma_start3A_235 : memref<1x80x256xf32, #tpu.memory_space<hbm>> -> memref<80x256xf32, #tpu.memory_space<hbm>>
      %dma_start3A_237 = tpu.memref_slice %arg10[%dma_start3A_231] : memref<8x!tpu.dma_semaphore, #tpu.memory_space<semaphore_mem>> -> memref<1x!tpu.dma_semaphore, #tpu.memory_space<semaphore_mem>>
      %dma_start3A_238 = tpu.memref_squeeze %dma_start3A_237 : memref<1x!tpu.dma_semaphore, #tpu.memory_space<semaphore_mem>> -> memref<!tpu.dma_semaphore, #tpu.memory_space<semaphore_mem>>
      %dma_start3A_239 = tpu.memref_slice %arg3[%dma_start3A_230, %add3A_129, %add3A_4] : memref<3x1600x16384xf32, #tpu.memory_space<hbm>> -> memref<1x80x256xf32, #tpu.memory_space<hbm>>
      %dma_start3A_240 = tpu.memref_squeeze %dma_start3A_239 : memref<1x80x256xf32, #tpu.memory_space<hbm>> -> memref<80x256xf32, #tpu.memory_space<hbm>>
      %dma_start3A_241 = arith.constant 0 : i32
      %dma_start3A_242 = arith.constant 0 : i32
      %dma_start3A_243 = tpu.memref_slice %arg9[%dma_start3A_241, %dma_start3A_242] : memref<80x256xf32, #tpu.memory_space<vmem>> -> memref<80x256xf32, #tpu.memory_space<vmem>>
      tpu.enqueue_dma source(%dma_start3A_243 : memref<80x256xf32, #tpu.memory_space<vmem>>) target(%dma_start3A_240 : memref<80x256xf32, #tpu.memory_space<hbm>>) target_semaphore(%dma_start3A_238 : memref<!tpu.dma_semaphore, #tpu.memory_space<semaphore_mem>>)
      %dma_wait3A_244 = arith.constant 0 : i32
      %dma_wait3A_245 = arith.constant 2 : i32
      %dma_wait3A_246 = arith.constant 0 : i32
      %dma_wait3A_247 = arith.constant 0 : i32
      %dma_wait3A_248 = tpu.memref_slice %arg4[%dma_wait3A_246, %dma_wait3A_247] : memref<88x256xf32, #tpu.memory_space<vmem>> -> memref<80x256xf32, #tpu.memory_space<vmem>>
      %dma_wait3A_249 = tpu.memref_slice %arg3[%dma_wait3A_244, %multiple_of3A, %add3A_4] : memref<3x1600x16384xf32, #tpu.memory_space<hbm>> -> memref<1x80x256xf32, #tpu.memory_space<hbm>>
      %dma_wait3A_250 = tpu.memref_squeeze %dma_wait3A_249 : memref<1x80x256xf32, #tpu.memory_space<hbm>> -> memref<80x256xf32, #tpu.memory_space<hbm>>
      %dma_wait3A_251 = tpu.memref_slice %arg10[%dma_wait3A_245] : memref<8x!tpu.dma_semaphore, #tpu.memory_space<semaphore_mem>> -> memref<1x!tpu.dma_semaphore, #tpu.memory_space<semaphore_mem>>
      %dma_wait3A_252 = tpu.memref_squeeze %dma_wait3A_251 : memref<1x!tpu.dma_semaphore, #tpu.memory_space<semaphore_mem>> -> memref<!tpu.dma_semaphore, #tpu.memory_space<semaphore_mem>>
      %dma_wait3A_253 = tpu.memref_slice %arg3[%dma_wait3A_244, %multiple_of3A, %add3A_4] : memref<3x1600x16384xf32, #tpu.memory_space<hbm>> -> memref<1x80x256xf32, #tpu.memory_space<hbm>>
      %dma_wait3A_254 = tpu.memref_squeeze %dma_wait3A_253 : memref<1x80x256xf32, #tpu.memory_space<hbm>> -> memref<80x256xf32, #tpu.memory_space<hbm>>
      %dma_wait3A_255 = arith.constant 0 : i32
      %dma_wait3A_256 = arith.constant 0 : i32
      %dma_wait3A_257 = tpu.memref_slice %arg4[%dma_wait3A_255, %dma_wait3A_256] : memref<88x256xf32, #tpu.memory_space<vmem>> -> memref<80x256xf32, #tpu.memory_space<vmem>>
      tpu.wait_dma2 semaphore(%dma_wait3A_252 : memref<!tpu.dma_semaphore, #tpu.memory_space<semaphore_mem>>) src(%dma_wait3A_257 : memref<80x256xf32, #tpu.memory_space<vmem>>) dst(%dma_wait3A_254 : memref<80x256xf32, #tpu.memory_space<hbm>>)
      %dma_wait3A_258 = arith.constant 1 : i32
      %dma_wait3A_259 = arith.constant 3 : i32
      %dma_wait3A_260 = arith.constant 0 : i32
      %dma_wait3A_261 = arith.constant 0 : i32
      %dma_wait3A_262 = tpu.memref_slice %arg6[%dma_wait3A_260, %dma_wait3A_261] : memref<80x256xf32, #tpu.memory_space<vmem>> -> memref<80x256xf32, #tpu.memory_space<vmem>>
      %dma_wait3A_263 = tpu.memref_slice %arg3[%dma_wait3A_258, %multiple_of3A, %add3A_4] : memref<3x1600x16384xf32, #tpu.memory_space<hbm>> -> memref<1x80x256xf32, #tpu.memory_space<hbm>>
      %dma_wait3A_264 = tpu.memref_squeeze %dma_wait3A_263 : memref<1x80x256xf32, #tpu.memory_space<hbm>> -> memref<80x256xf32, #tpu.memory_space<hbm>>
      %dma_wait3A_265 = tpu.memref_slice %arg10[%dma_wait3A_259] : memref<8x!tpu.dma_semaphore, #tpu.memory_space<semaphore_mem>> -> memref<1x!tpu.dma_semaphore, #tpu.memory_space<semaphore_mem>>
      %dma_wait3A_266 = tpu.memref_squeeze %dma_wait3A_265 : memref<1x!tpu.dma_semaphore, #tpu.memory_space<semaphore_mem>> -> memref<!tpu.dma_semaphore, #tpu.memory_space<semaphore_mem>>
      %dma_wait3A_267 = tpu.memref_slice %arg3[%dma_wait3A_258, %multiple_of3A, %add3A_4] : memref<3x1600x16384xf32, #tpu.memory_space<hbm>> -> memref<1x80x256xf32, #tpu.memory_space<hbm>>
      %dma_wait3A_268 = tpu.memref_squeeze %dma_wait3A_267 : memref<1x80x256xf32, #tpu.memory_space<hbm>> -> memref<80x256xf32, #tpu.memory_space<hbm>>
      %dma_wait3A_269 = arith.constant 0 : i32
      %dma_wait3A_270 = arith.constant 0 : i32
      %dma_wait3A_271 = tpu.memref_slice %arg6[%dma_wait3A_269, %dma_wait3A_270] : memref<80x256xf32, #tpu.memory_space<vmem>> -> memref<80x256xf32, #tpu.memory_space<vmem>>
      tpu.wait_dma2 semaphore(%dma_wait3A_266 : memref<!tpu.dma_semaphore, #tpu.memory_space<semaphore_mem>>) src(%dma_wait3A_271 : memref<80x256xf32, #tpu.memory_space<vmem>>) dst(%dma_wait3A_268 : memref<80x256xf32, #tpu.memory_space<hbm>>)
      %dma_wait3A_272 = arith.constant 2 : i32
      %dma_wait3A_273 = arith.constant 4 : i32
      %dma_wait3A_274 = arith.constant 0 : i32
      %dma_wait3A_275 = arith.constant 0 : i32
      %dma_wait3A_276 = tpu.memref_slice %arg7[%dma_wait3A_274, %dma_wait3A_275] : memref<80x256xf32, #tpu.memory_space<vmem>> -> memref<80x256xf32, #tpu.memory_space<vmem>>
      %dma_wait3A_277 = tpu.memref_slice %arg3[%dma_wait3A_272, %multiple_of3A, %add3A_4] : memref<3x1600x16384xf32, #tpu.memory_space<hbm>> -> memref<1x80x256xf32, #tpu.memory_space<hbm>>
      %dma_wait3A_278 = tpu.memref_squeeze %dma_wait3A_277 : memref<1x80x256xf32, #tpu.memory_space<hbm>> -> memref<80x256xf32, #tpu.memory_space<hbm>>
      %dma_wait3A_279 = tpu.memref_slice %arg10[%dma_wait3A_273] : memref<8x!tpu.dma_semaphore, #tpu.memory_space<semaphore_mem>> -> memref<1x!tpu.dma_semaphore, #tpu.memory_space<semaphore_mem>>
      %dma_wait3A_280 = tpu.memref_squeeze %dma_wait3A_279 : memref<1x!tpu.dma_semaphore, #tpu.memory_space<semaphore_mem>> -> memref<!tpu.dma_semaphore, #tpu.memory_space<semaphore_mem>>
      %dma_wait3A_281 = tpu.memref_slice %arg3[%dma_wait3A_272, %multiple_of3A, %add3A_4] : memref<3x1600x16384xf32, #tpu.memory_space<hbm>> -> memref<1x80x256xf32, #tpu.memory_space<hbm>>
      %dma_wait3A_282 = tpu.memref_squeeze %dma_wait3A_281 : memref<1x80x256xf32, #tpu.memory_space<hbm>> -> memref<80x256xf32, #tpu.memory_space<hbm>>
      %dma_wait3A_283 = arith.constant 0 : i32
      %dma_wait3A_284 = arith.constant 0 : i32
      %dma_wait3A_285 = tpu.memref_slice %arg7[%dma_wait3A_283, %dma_wait3A_284] : memref<80x256xf32, #tpu.memory_space<vmem>> -> memref<80x256xf32, #tpu.memory_space<vmem>>
      tpu.wait_dma2 semaphore(%dma_wait3A_280 : memref<!tpu.dma_semaphore, #tpu.memory_space<semaphore_mem>>) src(%dma_wait3A_285 : memref<80x256xf32, #tpu.memory_space<vmem>>) dst(%dma_wait3A_282 : memref<80x256xf32, #tpu.memory_space<hbm>>)
      %dma_wait3A_286 = arith.constant 0 : i32
      %dma_wait3A_287 = arith.constant 5 : i32
      %dma_wait3A_288 = arith.constant 0 : i32
      %dma_wait3A_289 = arith.constant 0 : i32
      %dma_wait3A_290 = tpu.memref_slice %arg5[%dma_wait3A_288, %dma_wait3A_289] : memref<88x256xf32, #tpu.memory_space<vmem>> -> memref<80x256xf32, #tpu.memory_space<vmem>>
      %dma_wait3A_291 = tpu.memref_slice %arg3[%dma_wait3A_286, %add3A_129, %add3A_4] : memref<3x1600x16384xf32, #tpu.memory_space<hbm>> -> memref<1x80x256xf32, #tpu.memory_space<hbm>>
      %dma_wait3A_292 = tpu.memref_squeeze %dma_wait3A_291 : memref<1x80x256xf32, #tpu.memory_space<hbm>> -> memref<80x256xf32, #tpu.memory_space<hbm>>
      %dma_wait3A_293 = tpu.memref_slice %arg10[%dma_wait3A_287] : memref<8x!tpu.dma_semaphore, #tpu.memory_space<semaphore_mem>> -> memref<1x!tpu.dma_semaphore, #tpu.memory_space<semaphore_mem>>
      %dma_wait3A_294 = tpu.memref_squeeze %dma_wait3A_293 : memref<1x!tpu.dma_semaphore, #tpu.memory_space<semaphore_mem>> -> memref<!tpu.dma_semaphore, #tpu.memory_space<semaphore_mem>>
      %dma_wait3A_295 = tpu.memref_slice %arg3[%dma_wait3A_286, %add3A_129, %add3A_4] : memref<3x1600x16384xf32, #tpu.memory_space<hbm>> -> memref<1x80x256xf32, #tpu.memory_space<hbm>>
      %dma_wait3A_296 = tpu.memref_squeeze %dma_wait3A_295 : memref<1x80x256xf32, #tpu.memory_space<hbm>> -> memref<80x256xf32, #tpu.memory_space<hbm>>
      %dma_wait3A_297 = arith.constant 0 : i32
      %dma_wait3A_298 = arith.constant 0 : i32
      %dma_wait3A_299 = tpu.memref_slice %arg5[%dma_wait3A_297, %dma_wait3A_298] : memref<88x256xf32, #tpu.memory_space<vmem>> -> memref<80x256xf32, #tpu.memory_space<vmem>>
      tpu.wait_dma2 semaphore(%dma_wait3A_294 : memref<!tpu.dma_semaphore, #tpu.memory_space<semaphore_mem>>) src(%dma_wait3A_299 : memref<80x256xf32, #tpu.memory_space<vmem>>) dst(%dma_wait3A_296 : memref<80x256xf32, #tpu.memory_space<hbm>>)
      %dma_wait3A_300 = arith.constant 1 : i32
      %dma_wait3A_301 = arith.constant 6 : i32
      %dma_wait3A_302 = arith.constant 0 : i32
      %dma_wait3A_303 = arith.constant 0 : i32
      %dma_wait3A_304 = tpu.memref_slice %arg8[%dma_wait3A_302, %dma_wait3A_303] : memref<80x256xf32, #tpu.memory_space<vmem>> -> memref<80x256xf32, #tpu.memory_space<vmem>>
      %dma_wait3A_305 = tpu.memref_slice %arg3[%dma_wait3A_300, %add3A_129, %add3A_4] : memref<3x1600x16384xf32, #tpu.memory_space<hbm>> -> memref<1x80x256xf32, #tpu.memory_space<hbm>>
      %dma_wait3A_306 = tpu.memref_squeeze %dma_wait3A_305 : memref<1x80x256xf32, #tpu.memory_space<hbm>> -> memref<80x256xf32, #tpu.memory_space<hbm>>
      %dma_wait3A_307 = tpu.memref_slice %arg10[%dma_wait3A_301] : memref<8x!tpu.dma_semaphore, #tpu.memory_space<semaphore_mem>> -> memref<1x!tpu.dma_semaphore, #tpu.memory_space<semaphore_mem>>
      %dma_wait3A_308 = tpu.memref_squeeze %dma_wait3A_307 : memref<1x!tpu.dma_semaphore, #tpu.memory_space<semaphore_mem>> -> memref<!tpu.dma_semaphore, #tpu.memory_space<semaphore_mem>>
      %dma_wait3A_309 = tpu.memref_slice %arg3[%dma_wait3A_300, %add3A_129, %add3A_4] : memref<3x1600x16384xf32, #tpu.memory_space<hbm>> -> memref<1x80x256xf32, #tpu.memory_space<hbm>>
      %dma_wait3A_310 = tpu.memref_squeeze %dma_wait3A_309 : memref<1x80x256xf32, #tpu.memory_space<hbm>> -> memref<80x256xf32, #tpu.memory_space<hbm>>
      %dma_wait3A_311 = arith.constant 0 : i32
      %dma_wait3A_312 = arith.constant 0 : i32
      %dma_wait3A_313 = tpu.memref_slice %arg8[%dma_wait3A_311, %dma_wait3A_312] : memref<80x256xf32, #tpu.memory_space<vmem>> -> memref<80x256xf32, #tpu.memory_space<vmem>>
      tpu.wait_dma2 semaphore(%dma_wait3A_308 : memref<!tpu.dma_semaphore, #tpu.memory_space<semaphore_mem>>) src(%dma_wait3A_313 : memref<80x256xf32, #tpu.memory_space<vmem>>) dst(%dma_wait3A_310 : memref<80x256xf32, #tpu.memory_space<hbm>>)
      %dma_wait3A_314 = arith.constant 2 : i32
      %dma_wait3A_315 = arith.constant 7 : i32
      %dma_wait3A_316 = arith.constant 0 : i32
      %dma_wait3A_317 = arith.constant 0 : i32
      %dma_wait3A_318 = tpu.memref_slice %arg9[%dma_wait3A_316, %dma_wait3A_317] : memref<80x256xf32, #tpu.memory_space<vmem>> -> memref<80x256xf32, #tpu.memory_space<vmem>>
      %dma_wait3A_319 = tpu.memref_slice %arg3[%dma_wait3A_314, %add3A_129, %add3A_4] : memref<3x1600x16384xf32, #tpu.memory_space<hbm>> -> memref<1x80x256xf32, #tpu.memory_space<hbm>>
      %dma_wait3A_320 = tpu.memref_squeeze %dma_wait3A_319 : memref<1x80x256xf32, #tpu.memory_space<hbm>> -> memref<80x256xf32, #tpu.memory_space<hbm>>
      %dma_wait3A_321 = tpu.memref_slice %arg10[%dma_wait3A_315] : memref<8x!tpu.dma_semaphore, #tpu.memory_space<semaphore_mem>> -> memref<1x!tpu.dma_semaphore, #tpu.memory_space<semaphore_mem>>
      %dma_wait3A_322 = tpu.memref_squeeze %dma_wait3A_321 : memref<1x!tpu.dma_semaphore, #tpu.memory_space<semaphore_mem>> -> memref<!tpu.dma_semaphore, #tpu.memory_space<semaphore_mem>>
      %dma_wait3A_323 = tpu.memref_slice %arg3[%dma_wait3A_314, %add3A_129, %add3A_4] : memref<3x1600x16384xf32, #tpu.memory_space<hbm>> -> memref<1x80x256xf32, #tpu.memory_space<hbm>>
      %dma_wait3A_324 = tpu.memref_squeeze %dma_wait3A_323 : memref<1x80x256xf32, #tpu.memory_space<hbm>> -> memref<80x256xf32, #tpu.memory_space<hbm>>
      %dma_wait3A_325 = arith.constant 0 : i32
      %dma_wait3A_326 = arith.constant 0 : i32
      %dma_wait3A_327 = tpu.memref_slice %arg9[%dma_wait3A_325, %dma_wait3A_326] : memref<80x256xf32, #tpu.memory_space<vmem>> -> memref<80x256xf32, #tpu.memory_space<vmem>>
      tpu.wait_dma2 semaphore(%dma_wait3A_322 : memref<!tpu.dma_semaphore, #tpu.memory_space<semaphore_mem>>) src(%dma_wait3A_327 : memref<80x256xf32, #tpu.memory_space<vmem>>) dst(%dma_wait3A_324 : memref<80x256xf32, #tpu.memory_space<hbm>>)
    }
    %scan3A_8 = arith.constant 10 : i32
    %add3A_9 = arith.constant 256 : i32
    %add3A_10 = arith.addi %mul3A_2, %add3A_9 : i32
    %scan3A_11 = arith.constant 0 : i32
    %scan3A_12 = arith.constant 10 : i32
    %scan3A_13 = arith.addi %scan3A_11, %scan3A_12 : i32
    %scan3A_14 = arith.constant 1 : i32
    scf.for %scan3A_16 = %scan3A_11 to %scan3A_13 step %scan3A_14  : i32 {
      %mul3A_17 = arith.constant 1 : i32
      %mul3A_18 = arith.muli %scan3A_16, %mul3A_17 : i32
      %add3A_19 = arith.constant 0 : i32
      %add3A_20 = arith.addi %add3A_19, %mul3A_18 : i32
      %mul3A_21 = arith.constant 160 : i32
      %mul3A_22 = arith.muli %add3A_20, %mul3A_21 : i32
      %multiple_of3A = tpu.assume_multiple %mul3A_22, 8 : i32
      %add3A_23 = arith.constant 80 : i32
      %add3A_24 = arith.addi %multiple_of3A, %add3A_23 : i32
      %jit3A = arith.constant 1600 : i32
      %eq3A = arith.constant 0 : i32
      %eq3A_25 = arith.cmpi eq, %jit3A, %eq3A : i32
      %jit3A_26 = arith.constant 1 : i32
      %select_n3A = arith.select %eq3A_25, %jit3A_26, %jit3A : i32
      %rem3A = arith.remsi %add3A_24, %select_n3A : i32
      %ne3A = arith.constant 0 : i32
      %ne3A_27 = arith.cmpi ne, %rem3A, %ne3A : i32
      %lt3A = arith.constant 0 : i32
      %lt3A_28 = arith.cmpi slt, %rem3A, %lt3A : i32
      %lt3A_29 = arith.constant 0 : i32
      %lt3A_30 = arith.cmpi slt, %select_n3A, %lt3A_29 : i32
      %ne3A_31 = arith.xori %lt3A_28, %lt3A_30 : i1
      %and3A = arith.andi %ne3A_31, %ne3A_27 : i1
      %add3A_32 = arith.addi %rem3A, %select_n3A : i32
      %select_n3A_33 = arith.select %and3A, %add3A_32, %rem3A : i32
      %dma_start3A = arith.constant 0 : i32
      %dma_start3A_34 = arith.constant 0 : i32
      %dma_start3A_35 = arith.constant 0 : i32
      %dma_start3A_36 = tpu.memref_slice %arg4[%dma_start3A_34, %dma_start3A_35] : memref<88x256xf32, #tpu.memory_space<vmem>> -> memref<80x256xf32, #tpu.memory_space<vmem>>
      %dma_start3A_37 = tpu.memref_slice %arg2[%multiple_of3A, %add3A_10] : memref<1600x16384xf32, #tpu.memory_space<hbm>> -> memref<80x256xf32, #tpu.memory_space<hbm>>
      %dma_start3A_38 = tpu.memref_slice %arg10[%dma_start3A] : memref<8x!tpu.dma_semaphore, #tpu.memory_space<semaphore_mem>> -> memref<1x!tpu.dma_semaphore, #tpu.memory_space<semaphore_mem>>
      %dma_start3A_39 = tpu.memref_squeeze %dma_start3A_38 : memref<1x!tpu.dma_semaphore, #tpu.memory_space<semaphore_mem>> -> memref<!tpu.dma_semaphore, #tpu.memory_space<semaphore_mem>>
      %dma_start3A_40 = arith.constant 0 : i32
      %dma_start3A_41 = arith.constant 0 : i32
      %dma_start3A_42 = tpu.memref_slice %arg4[%dma_start3A_40, %dma_start3A_41] : memref<88x256xf32, #tpu.memory_space<vmem>> -> memref<80x256xf32, #tpu.memory_space<vmem>>
      %dma_start3A_43 = tpu.memref_slice %arg2[%multiple_of3A, %add3A_10] : memref<1600x16384xf32, #tpu.memory_space<hbm>> -> memref<80x256xf32, #tpu.memory_space<hbm>>
      tpu.enqueue_dma source(%dma_start3A_43 : memref<80x256xf32, #tpu.memory_space<hbm>>) target(%dma_start3A_42 : memref<80x256xf32, #tpu.memory_space<vmem>>) target_semaphore(%dma_start3A_39 : memref<!tpu.dma_semaphore, #tpu.memory_space<semaphore_mem>>)
      %dma_start3A_44 = arith.constant 1 : i32
      %dma_start3A_45 = arith.constant 80 : i32
      %dma_start3A_46 = arith.constant 0 : i32
      %dma_start3A_47 = tpu.memref_slice %arg4[%dma_start3A_45, %dma_start3A_46] : memref<88x256xf32, #tpu.memory_space<vmem>> -> memref<8x256xf32, #tpu.memory_space<vmem>>
      %dma_start3A_48 = tpu.memref_slice %arg2[%select_n3A_33, %add3A_10] : memref<1600x16384xf32, #tpu.memory_space<hbm>> -> memref<8x256xf32, #tpu.memory_space<hbm>>
      %dma_start3A_49 = tpu.memref_slice %arg10[%dma_start3A_44] : memref<8x!tpu.dma_semaphore, #tpu.memory_space<semaphore_mem>> -> memref<1x!tpu.dma_semaphore, #tpu.memory_space<semaphore_mem>>
      %dma_start3A_50 = tpu.memref_squeeze %dma_start3A_49 : memref<1x!tpu.dma_semaphore, #tpu.memory_space<semaphore_mem>> -> memref<!tpu.dma_semaphore, #tpu.memory_space<semaphore_mem>>
      %dma_start3A_51 = arith.constant 80 : i32
      %dma_start3A_52 = arith.constant 0 : i32
      %dma_start3A_53 = tpu.memref_slice %arg4[%dma_start3A_51, %dma_start3A_52] : memref<88x256xf32, #tpu.memory_space<vmem>> -> memref<8x256xf32, #tpu.memory_space<vmem>>
      %dma_start3A_54 = tpu.memref_slice %arg2[%select_n3A_33, %add3A_10] : memref<1600x16384xf32, #tpu.memory_space<hbm>> -> memref<8x256xf32, #tpu.memory_space<hbm>>
      tpu.enqueue_dma source(%dma_start3A_54 : memref<8x256xf32, #tpu.memory_space<hbm>>) target(%dma_start3A_53 : memref<8x256xf32, #tpu.memory_space<vmem>>) target_semaphore(%dma_start3A_50 : memref<!tpu.dma_semaphore, #tpu.memory_space<semaphore_mem>>)
      %dma_wait3A = arith.constant 0 : i32
      %dma_wait3A_55 = arith.constant 0 : i32
      %dma_wait3A_56 = arith.constant 0 : i32
      %dma_wait3A_57 = tpu.memref_slice %arg4[%dma_wait3A_55, %dma_wait3A_56] : memref<88x256xf32, #tpu.memory_space<vmem>> -> memref<80x256xf32, #tpu.memory_space<vmem>>
      %dma_wait3A_58 = tpu.memref_slice %arg2[%multiple_of3A, %add3A_10] : memref<1600x16384xf32, #tpu.memory_space<hbm>> -> memref<80x256xf32, #tpu.memory_space<hbm>>
      %dma_wait3A_59 = tpu.memref_slice %arg10[%dma_wait3A] : memref<8x!tpu.dma_semaphore, #tpu.memory_space<semaphore_mem>> -> memref<1x!tpu.dma_semaphore, #tpu.memory_space<semaphore_mem>>
      %dma_wait3A_60 = tpu.memref_squeeze %dma_wait3A_59 : memref<1x!tpu.dma_semaphore, #tpu.memory_space<semaphore_mem>> -> memref<!tpu.dma_semaphore, #tpu.memory_space<semaphore_mem>>
      %dma_wait3A_61 = arith.constant 0 : i32
      %dma_wait3A_62 = arith.constant 0 : i32
      %dma_wait3A_63 = tpu.memref_slice %arg4[%dma_wait3A_61, %dma_wait3A_62] : memref<88x256xf32, #tpu.memory_space<vmem>> -> memref<80x256xf32, #tpu.memory_space<vmem>>
      %dma_wait3A_64 = tpu.memref_slice %arg2[%multiple_of3A, %add3A_10] : memref<1600x16384xf32, #tpu.memory_space<hbm>> -> memref<80x256xf32, #tpu.memory_space<hbm>>
      tpu.wait_dma2 semaphore(%dma_wait3A_60 : memref<!tpu.dma_semaphore, #tpu.memory_space<semaphore_mem>>) src(%dma_wait3A_64 : memref<80x256xf32, #tpu.memory_space<hbm>>) dst(%dma_wait3A_63 : memref<80x256xf32, #tpu.memory_space<vmem>>)
      %dma_wait3A_65 = arith.constant 1 : i32
      %dma_wait3A_66 = arith.constant 80 : i32
      %dma_wait3A_67 = arith.constant 0 : i32
      %dma_wait3A_68 = tpu.memref_slice %arg4[%dma_wait3A_66, %dma_wait3A_67] : memref<88x256xf32, #tpu.memory_space<vmem>> -> memref<8x256xf32, #tpu.memory_space<vmem>>
      %dma_wait3A_69 = tpu.memref_slice %arg2[%select_n3A_33, %add3A_10] : memref<1600x16384xf32, #tpu.memory_space<hbm>> -> memref<8x256xf32, #tpu.memory_space<hbm>>
      %dma_wait3A_70 = tpu.memref_slice %arg10[%dma_wait3A_65] : memref<8x!tpu.dma_semaphore, #tpu.memory_space<semaphore_mem>> -> memref<1x!tpu.dma_semaphore, #tpu.memory_space<semaphore_mem>>
      %dma_wait3A_71 = tpu.memref_squeeze %dma_wait3A_70 : memref<1x!tpu.dma_semaphore, #tpu.memory_space<semaphore_mem>> -> memref<!tpu.dma_semaphore, #tpu.memory_space<semaphore_mem>>
      %dma_wait3A_72 = arith.constant 80 : i32
      %dma_wait3A_73 = arith.constant 0 : i32
      %dma_wait3A_74 = tpu.memref_slice %arg4[%dma_wait3A_72, %dma_wait3A_73] : memref<88x256xf32, #tpu.memory_space<vmem>> -> memref<8x256xf32, #tpu.memory_space<vmem>>
      %dma_wait3A_75 = tpu.memref_slice %arg2[%select_n3A_33, %add3A_10] : memref<1600x16384xf32, #tpu.memory_space<hbm>> -> memref<8x256xf32, #tpu.memory_space<hbm>>
      tpu.wait_dma2 semaphore(%dma_wait3A_71 : memref<!tpu.dma_semaphore, #tpu.memory_space<semaphore_mem>>) src(%dma_wait3A_75 : memref<8x256xf32, #tpu.memory_space<hbm>>) dst(%dma_wait3A_74 : memref<8x256xf32, #tpu.memory_space<vmem>>)
      %dma_start3A_76 = arith.constant 0 : i32
      %dma_start3A_77 = arith.constant 2 : i32
      %dma_start3A_78 = arith.constant 0 : i32
      %dma_start3A_79 = arith.constant 0 : i32
      %dma_start3A_80 = tpu.memref_slice %arg4[%dma_start3A_78, %dma_start3A_79] : memref<88x256xf32, #tpu.memory_space<vmem>> -> memref<80x256xf32, #tpu.memory_space<vmem>>
      %dma_start3A_81 = tpu.memref_slice %arg3[%dma_start3A_76, %multiple_of3A, %add3A_10] : memref<3x1600x16384xf32, #tpu.memory_space<hbm>> -> memref<1x80x256xf32, #tpu.memory_space<hbm>>
      %dma_start3A_82 = tpu.memref_squeeze %dma_start3A_81 : memref<1x80x256xf32, #tpu.memory_space<hbm>> -> memref<80x256xf32, #tpu.memory_space<hbm>>
      %dma_start3A_83 = tpu.memref_slice %arg10[%dma_start3A_77] : memref<8x!tpu.dma_semaphore, #tpu.memory_space<semaphore_mem>> -> memref<1x!tpu.dma_semaphore, #tpu.memory_space<semaphore_mem>>
      %dma_start3A_84 = tpu.memref_squeeze %dma_start3A_83 : memref<1x!tpu.dma_semaphore, #tpu.memory_space<semaphore_mem>> -> memref<!tpu.dma_semaphore, #tpu.memory_space<semaphore_mem>>
      %dma_start3A_85 = tpu.memref_slice %arg3[%dma_start3A_76, %multiple_of3A, %add3A_10] : memref<3x1600x16384xf32, #tpu.memory_space<hbm>> -> memref<1x80x256xf32, #tpu.memory_space<hbm>>
      %dma_start3A_86 = tpu.memref_squeeze %dma_start3A_85 : memref<1x80x256xf32, #tpu.memory_space<hbm>> -> memref<80x256xf32, #tpu.memory_space<hbm>>
      %dma_start3A_87 = arith.constant 0 : i32
      %dma_start3A_88 = arith.constant 0 : i32
      %dma_start3A_89 = tpu.memref_slice %arg4[%dma_start3A_87, %dma_start3A_88] : memref<88x256xf32, #tpu.memory_space<vmem>> -> memref<80x256xf32, #tpu.memory_space<vmem>>
      tpu.enqueue_dma source(%dma_start3A_89 : memref<80x256xf32, #tpu.memory_space<vmem>>) target(%dma_start3A_86 : memref<80x256xf32, #tpu.memory_space<hbm>>) target_semaphore(%dma_start3A_84 : memref<!tpu.dma_semaphore, #tpu.memory_space<semaphore_mem>>)
      %scan3A_90 = arith.constant 0 : i32
      %scan3A_91 = arith.constant 80 : i32
      %scan3A_92 = arith.addi %scan3A_90, %scan3A_91 : i32
      %scan3A_93 = arith.constant 1 : i32
      scf.for %scan3A_328 = %scan3A_90 to %scan3A_92 step %scan3A_93  : i32 {
        %mul3A_329 = arith.constant 1 : i32
        %mul3A_330 = arith.muli %scan3A_328, %mul3A_329 : i32
        %add3A_331 = arith.constant 0 : i32
        %add3A_332 = arith.addi %add3A_331, %mul3A_330 : i32
        %add3A_333 = arith.constant 1 : i32
        %add3A_334 = arith.addi %add3A_332, %add3A_333 : i32
        %get3A = arith.index_cast %add3A_334 : i32 to index
        %get3A_335 = arith.constant 0 : index
        %get3A_336 = tpu.vector_load %arg4[%get3A, %get3A_335] {strides = array<i32>} : memref<88x256xf32, #tpu.memory_space<vmem>>, vector<1x16xf32>,
        %get3A_337 = vector.shape_cast %get3A_336 : vector<1x16xf32> to vector<16xf32>
        %swap3A = arith.index_cast %add3A_332 : i32 to index
        %swap3A_338 = arith.constant 0 : index
        %swap3A_339 = tpu.vector_load %arg6[%swap3A, %swap3A_338] {strides = array<i32>} : memref<80x256xf32, #tpu.memory_space<vmem>>, vector<1x16xf32>,
        %swap3A_340 = vector.shape_cast %swap3A_339 : vector<1x16xf32> to vector<16xf32>
        %swap3A_341 = vector.shape_cast %get3A_337 : vector<16xf32> to vector<1x16xf32>
        tpu.vector_store %arg6[%swap3A, %swap3A_338], %swap3A_341 {strides = array<i32>} : memref<80x256xf32, #tpu.memory_space<vmem>>, vector<1x16xf32>,
        %add3A_342 = arith.constant 1 : i32
        %add3A_343 = arith.addi %add3A_332, %add3A_342 : i32
        %get3A_344 = arith.index_cast %add3A_343 : i32 to index
        %get3A_345 = arith.constant 16 : index
        %get3A_346 = tpu.vector_load %arg4[%get3A_344, %get3A_345] {strides = array<i32>} : memref<88x256xf32, #tpu.memory_space<vmem>>, vector<1x16xf32>,
        %get3A_347 = vector.shape_cast %get3A_346 : vector<1x16xf32> to vector<16xf32>
        %swap3A_348 = arith.index_cast %add3A_332 : i32 to index
        %swap3A_349 = arith.constant 16 : index
        %swap3A_350 = tpu.vector_load %arg6[%swap3A_348, %swap3A_349] {strides = array<i32>} : memref<80x256xf32, #tpu.memory_space<vmem>>, vector<1x16xf32>,
        %swap3A_351 = vector.shape_cast %swap3A_350 : vector<1x16xf32> to vector<16xf32>
        %swap3A_352 = vector.shape_cast %get3A_347 : vector<16xf32> to vector<1x16xf32>
        tpu.vector_store %arg6[%swap3A_348, %swap3A_349], %swap3A_352 {strides = array<i32>} : memref<80x256xf32, #tpu.memory_space<vmem>>, vector<1x16xf32>,
        %add3A_353 = arith.constant 1 : i32
        %add3A_354 = arith.addi %add3A_332, %add3A_353 : i32
        %get3A_355 = arith.index_cast %add3A_354 : i32 to index
        %get3A_356 = arith.constant 32 : index
        %get3A_357 = tpu.vector_load %arg4[%get3A_355, %get3A_356] {strides = array<i32>} : memref<88x256xf32, #tpu.memory_space<vmem>>, vector<1x16xf32>,
        %get3A_358 = vector.shape_cast %get3A_357 : vector<1x16xf32> to vector<16xf32>
        %swap3A_359 = arith.index_cast %add3A_332 : i32 to index
        %swap3A_360 = arith.constant 32 : index
        %swap3A_361 = tpu.vector_load %arg6[%swap3A_359, %swap3A_360] {strides = array<i32>} : memref<80x256xf32, #tpu.memory_space<vmem>>, vector<1x16xf32>,
        %swap3A_362 = vector.shape_cast %swap3A_361 : vector<1x16xf32> to vector<16xf32>
        %swap3A_363 = vector.shape_cast %get3A_358 : vector<16xf32> to vector<1x16xf32>
        tpu.vector_store %arg6[%swap3A_359, %swap3A_360], %swap3A_363 {strides = array<i32>} : memref<80x256xf32, #tpu.memory_space<vmem>>, vector<1x16xf32>,
        %add3A_364 = arith.constant 1 : i32
        %add3A_365 = arith.addi %add3A_332, %add3A_364 : i32
        %get3A_366 = arith.index_cast %add3A_365 : i32 to index
        %get3A_367 = arith.constant 48 : index
        %get3A_368 = tpu.vector_load %arg4[%get3A_366, %get3A_367] {strides = array<i32>} : memref<88x256xf32, #tpu.memory_space<vmem>>, vector<1x16xf32>,
        %get3A_369 = vector.shape_cast %get3A_368 : vector<1x16xf32> to vector<16xf32>
        %swap3A_370 = arith.index_cast %add3A_332 : i32 to index
        %swap3A_371 = arith.constant 48 : index
        %swap3A_372 = tpu.vector_load %arg6[%swap3A_370, %swap3A_371] {strides = array<i32>} : memref<80x256xf32, #tpu.memory_space<vmem>>, vector<1x16xf32>,
        %swap3A_373 = vector.shape_cast %swap3A_372 : vector<1x16xf32> to vector<16xf32>
        %swap3A_374 = vector.shape_cast %get3A_369 : vector<16xf32> to vector<1x16xf32>
        tpu.vector_store %arg6[%swap3A_370, %swap3A_371], %swap3A_374 {strides = array<i32>} : memref<80x256xf32, #tpu.memory_space<vmem>>, vector<1x16xf32>,
        %add3A_375 = arith.constant 1 : i32
        %add3A_376 = arith.addi %add3A_332, %add3A_375 : i32
        %get3A_377 = arith.index_cast %add3A_376 : i32 to index
        %get3A_378 = arith.constant 64 : index
        %get3A_379 = tpu.vector_load %arg4[%get3A_377, %get3A_378] {strides = array<i32>} : memref<88x256xf32, #tpu.memory_space<vmem>>, vector<1x16xf32>,
        %get3A_380 = vector.shape_cast %get3A_379 : vector<1x16xf32> to vector<16xf32>
        %swap3A_381 = arith.index_cast %add3A_332 : i32 to index
        %swap3A_382 = arith.constant 64 : index
        %swap3A_383 = tpu.vector_load %arg6[%swap3A_381, %swap3A_382] {strides = array<i32>} : memref<80x256xf32, #tpu.memory_space<vmem>>, vector<1x16xf32>,
        %swap3A_384 = vector.shape_cast %swap3A_383 : vector<1x16xf32> to vector<16xf32>
        %swap3A_385 = vector.shape_cast %get3A_380 : vector<16xf32> to vector<1x16xf32>
        tpu.vector_store %arg6[%swap3A_381, %swap3A_382], %swap3A_385 {strides = array<i32>} : memref<80x256xf32, #tpu.memory_space<vmem>>, vector<1x16xf32>,
        %add3A_386 = arith.constant 1 : i32
        %add3A_387 = arith.addi %add3A_332, %add3A_386 : i32
        %get3A_388 = arith.index_cast %add3A_387 : i32 to index
        %get3A_389 = arith.constant 80 : index
        %get3A_390 = tpu.vector_load %arg4[%get3A_388, %get3A_389] {strides = array<i32>} : memref<88x256xf32, #tpu.memory_space<vmem>>, vector<1x16xf32>,
        %get3A_391 = vector.shape_cast %get3A_390 : vector<1x16xf32> to vector<16xf32>
        %swap3A_392 = arith.index_cast %add3A_332 : i32 to index
        %swap3A_393 = arith.constant 80 : index
        %swap3A_394 = tpu.vector_load %arg6[%swap3A_392, %swap3A_393] {strides = array<i32>} : memref<80x256xf32, #tpu.memory_space<vmem>>, vector<1x16xf32>,
        %swap3A_395 = vector.shape_cast %swap3A_394 : vector<1x16xf32> to vector<16xf32>
        %swap3A_396 = vector.shape_cast %get3A_391 : vector<16xf32> to vector<1x16xf32>
        tpu.vector_store %arg6[%swap3A_392, %swap3A_393], %swap3A_396 {strides = array<i32>} : memref<80x256xf32, #tpu.memory_space<vmem>>, vector<1x16xf32>,
        %add3A_397 = arith.constant 1 : i32
        %add3A_398 = arith.addi %add3A_332, %add3A_397 : i32
        %get3A_399 = arith.index_cast %add3A_398 : i32 to index
        %get3A_400 = arith.constant 96 : index
        %get3A_401 = tpu.vector_load %arg4[%get3A_399, %get3A_400] {strides = array<i32>} : memref<88x256xf32, #tpu.memory_space<vmem>>, vector<1x16xf32>,
        %get3A_402 = vector.shape_cast %get3A_401 : vector<1x16xf32> to vector<16xf32>
        %swap3A_403 = arith.index_cast %add3A_332 : i32 to index
        %swap3A_404 = arith.constant 96 : index
        %swap3A_405 = tpu.vector_load %arg6[%swap3A_403, %swap3A_404] {strides = array<i32>} : memref<80x256xf32, #tpu.memory_space<vmem>>, vector<1x16xf32>,
        %swap3A_406 = vector.shape_cast %swap3A_405 : vector<1x16xf32> to vector<16xf32>
        %swap3A_407 = vector.shape_cast %get3A_402 : vector<16xf32> to vector<1x16xf32>
        tpu.vector_store %arg6[%swap3A_403, %swap3A_404], %swap3A_407 {strides = array<i32>} : memref<80x256xf32, #tpu.memory_space<vmem>>, vector<1x16xf32>,
        %add3A_408 = arith.constant 1 : i32
        %add3A_409 = arith.addi %add3A_332, %add3A_408 : i32
        %get3A_410 = arith.index_cast %add3A_409 : i32 to index
        %get3A_411 = arith.constant 112 : index
        %get3A_412 = tpu.vector_load %arg4[%get3A_410, %get3A_411] {strides = array<i32>} : memref<88x256xf32, #tpu.memory_space<vmem>>, vector<1x16xf32>,
        %get3A_413 = vector.shape_cast %get3A_412 : vector<1x16xf32> to vector<16xf32>
        %swap3A_414 = arith.index_cast %add3A_332 : i32 to index
        %swap3A_415 = arith.constant 112 : index
        %swap3A_416 = tpu.vector_load %arg6[%swap3A_414, %swap3A_415] {strides = array<i32>} : memref<80x256xf32, #tpu.memory_space<vmem>>, vector<1x16xf32>,
        %swap3A_417 = vector.shape_cast %swap3A_416 : vector<1x16xf32> to vector<16xf32>
        %swap3A_418 = vector.shape_cast %get3A_413 : vector<16xf32> to vector<1x16xf32>
        tpu.vector_store %arg6[%swap3A_414, %swap3A_415], %swap3A_418 {strides = array<i32>} : memref<80x256xf32, #tpu.memory_space<vmem>>, vector<1x16xf32>,
        %add3A_419 = arith.constant 1 : i32
        %add3A_420 = arith.addi %add3A_332, %add3A_419 : i32
        %get3A_421 = arith.index_cast %add3A_420 : i32 to index
        %get3A_422 = arith.constant 128 : index
        %get3A_423 = tpu.vector_load %arg4[%get3A_421, %get3A_422] {strides = array<i32>} : memref<88x256xf32, #tpu.memory_space<vmem>>, vector<1x16xf32>,
        %get3A_424 = vector.shape_cast %get3A_423 : vector<1x16xf32> to vector<16xf32>
        %swap3A_425 = arith.index_cast %add3A_332 : i32 to index
        %swap3A_426 = arith.constant 128 : index
        %swap3A_427 = tpu.vector_load %arg6[%swap3A_425, %swap3A_426] {strides = array<i32>} : memref<80x256xf32, #tpu.memory_space<vmem>>, vector<1x16xf32>,
        %swap3A_428 = vector.shape_cast %swap3A_427 : vector<1x16xf32> to vector<16xf32>
        %swap3A_429 = vector.shape_cast %get3A_424 : vector<16xf32> to vector<1x16xf32>
        tpu.vector_store %arg6[%swap3A_425, %swap3A_426], %swap3A_429 {strides = array<i32>} : memref<80x256xf32, #tpu.memory_space<vmem>>, vector<1x16xf32>,
        %add3A_430 = arith.constant 1 : i32
        %add3A_431 = arith.addi %add3A_332, %add3A_430 : i32
        %get3A_432 = arith.index_cast %add3A_431 : i32 to index
        %get3A_433 = arith.constant 144 : index
        %get3A_434 = tpu.vector_load %arg4[%get3A_432, %get3A_433] {strides = array<i32>} : memref<88x256xf32, #tpu.memory_space<vmem>>, vector<1x16xf32>,
        %get3A_435 = vector.shape_cast %get3A_434 : vector<1x16xf32> to vector<16xf32>
        %swap3A_436 = arith.index_cast %add3A_332 : i32 to index
        %swap3A_437 = arith.constant 144 : index
        %swap3A_438 = tpu.vector_load %arg6[%swap3A_436, %swap3A_437] {strides = array<i32>} : memref<80x256xf32, #tpu.memory_space<vmem>>, vector<1x16xf32>,
        %swap3A_439 = vector.shape_cast %swap3A_438 : vector<1x16xf32> to vector<16xf32>
        %swap3A_440 = vector.shape_cast %get3A_435 : vector<16xf32> to vector<1x16xf32>
        tpu.vector_store %arg6[%swap3A_436, %swap3A_437], %swap3A_440 {strides = array<i32>} : memref<80x256xf32, #tpu.memory_space<vmem>>, vector<1x16xf32>,
        %add3A_441 = arith.constant 1 : i32
        %add3A_442 = arith.addi %add3A_332, %add3A_441 : i32
        %get3A_443 = arith.index_cast %add3A_442 : i32 to index
        %get3A_444 = arith.constant 160 : index
        %get3A_445 = tpu.vector_load %arg4[%get3A_443, %get3A_444] {strides = array<i32>} : memref<88x256xf32, #tpu.memory_space<vmem>>, vector<1x16xf32>,
        %get3A_446 = vector.shape_cast %get3A_445 : vector<1x16xf32> to vector<16xf32>
        %swap3A_447 = arith.index_cast %add3A_332 : i32 to index
        %swap3A_448 = arith.constant 160 : index
        %swap3A_449 = tpu.vector_load %arg6[%swap3A_447, %swap3A_448] {strides = array<i32>} : memref<80x256xf32, #tpu.memory_space<vmem>>, vector<1x16xf32>,
        %swap3A_450 = vector.shape_cast %swap3A_449 : vector<1x16xf32> to vector<16xf32>
        %swap3A_451 = vector.shape_cast %get3A_446 : vector<16xf32> to vector<1x16xf32>
        tpu.vector_store %arg6[%swap3A_447, %swap3A_448], %swap3A_451 {strides = array<i32>} : memref<80x256xf32, #tpu.memory_space<vmem>>, vector<1x16xf32>,
        %add3A_452 = arith.constant 1 : i32
        %add3A_453 = arith.addi %add3A_332, %add3A_452 : i32
        %get3A_454 = arith.index_cast %add3A_453 : i32 to index
        %get3A_455 = arith.constant 176 : index
        %get3A_456 = tpu.vector_load %arg4[%get3A_454, %get3A_455] {strides = array<i32>} : memref<88x256xf32, #tpu.memory_space<vmem>>, vector<1x16xf32>,
        %get3A_457 = vector.shape_cast %get3A_456 : vector<1x16xf32> to vector<16xf32>
        %swap3A_458 = arith.index_cast %add3A_332 : i32 to index
        %swap3A_459 = arith.constant 176 : index
        %swap3A_460 = tpu.vector_load %arg6[%swap3A_458, %swap3A_459] {strides = array<i32>} : memref<80x256xf32, #tpu.memory_space<vmem>>, vector<1x16xf32>,
        %swap3A_461 = vector.shape_cast %swap3A_460 : vector<1x16xf32> to vector<16xf32>
        %swap3A_462 = vector.shape_cast %get3A_457 : vector<16xf32> to vector<1x16xf32>
        tpu.vector_store %arg6[%swap3A_458, %swap3A_459], %swap3A_462 {strides = array<i32>} : memref<80x256xf32, #tpu.memory_space<vmem>>, vector<1x16xf32>,
        %add3A_463 = arith.constant 1 : i32
        %add3A_464 = arith.addi %add3A_332, %add3A_463 : i32
        %get3A_465 = arith.index_cast %add3A_464 : i32 to index
        %get3A_466 = arith.constant 192 : index
        %get3A_467 = tpu.vector_load %arg4[%get3A_465, %get3A_466] {strides = array<i32>} : memref<88x256xf32, #tpu.memory_space<vmem>>, vector<1x16xf32>,
        %get3A_468 = vector.shape_cast %get3A_467 : vector<1x16xf32> to vector<16xf32>
        %swap3A_469 = arith.index_cast %add3A_332 : i32 to index
        %swap3A_470 = arith.constant 192 : index
        %swap3A_471 = tpu.vector_load %arg6[%swap3A_469, %swap3A_470] {strides = array<i32>} : memref<80x256xf32, #tpu.memory_space<vmem>>, vector<1x16xf32>,
        %swap3A_472 = vector.shape_cast %swap3A_471 : vector<1x16xf32> to vector<16xf32>
        %swap3A_473 = vector.shape_cast %get3A_468 : vector<16xf32> to vector<1x16xf32>
        tpu.vector_store %arg6[%swap3A_469, %swap3A_470], %swap3A_473 {strides = array<i32>} : memref<80x256xf32, #tpu.memory_space<vmem>>, vector<1x16xf32>,
        %add3A_474 = arith.constant 1 : i32
        %add3A_475 = arith.addi %add3A_332, %add3A_474 : i32
        %get3A_476 = arith.index_cast %add3A_475 : i32 to index
        %get3A_477 = arith.constant 208 : index
        %get3A_478 = tpu.vector_load %arg4[%get3A_476, %get3A_477] {strides = array<i32>} : memref<88x256xf32, #tpu.memory_space<vmem>>, vector<1x16xf32>,
        %get3A_479 = vector.shape_cast %get3A_478 : vector<1x16xf32> to vector<16xf32>
        %swap3A_480 = arith.index_cast %add3A_332 : i32 to index
        %swap3A_481 = arith.constant 208 : index
        %swap3A_482 = tpu.vector_load %arg6[%swap3A_480, %swap3A_481] {strides = array<i32>} : memref<80x256xf32, #tpu.memory_space<vmem>>, vector<1x16xf32>,
        %swap3A_483 = vector.shape_cast %swap3A_482 : vector<1x16xf32> to vector<16xf32>
        %swap3A_484 = vector.shape_cast %get3A_479 : vector<16xf32> to vector<1x16xf32>
        tpu.vector_store %arg6[%swap3A_480, %swap3A_481], %swap3A_484 {strides = array<i32>} : memref<80x256xf32, #tpu.memory_space<vmem>>, vector<1x16xf32>,
        %add3A_485 = arith.constant 1 : i32
        %add3A_486 = arith.addi %add3A_332, %add3A_485 : i32
        %get3A_487 = arith.index_cast %add3A_486 : i32 to index
        %get3A_488 = arith.constant 224 : index
        %get3A_489 = tpu.vector_load %arg4[%get3A_487, %get3A_488] {strides = array<i32>} : memref<88x256xf32, #tpu.memory_space<vmem>>, vector<1x16xf32>,
        %get3A_490 = vector.shape_cast %get3A_489 : vector<1x16xf32> to vector<16xf32>
        %swap3A_491 = arith.index_cast %add3A_332 : i32 to index
        %swap3A_492 = arith.constant 224 : index
        %swap3A_493 = tpu.vector_load %arg6[%swap3A_491, %swap3A_492] {strides = array<i32>} : memref<80x256xf32, #tpu.memory_space<vmem>>, vector<1x16xf32>,
        %swap3A_494 = vector.shape_cast %swap3A_493 : vector<1x16xf32> to vector<16xf32>
        %swap3A_495 = vector.shape_cast %get3A_490 : vector<16xf32> to vector<1x16xf32>
        tpu.vector_store %arg6[%swap3A_491, %swap3A_492], %swap3A_495 {strides = array<i32>} : memref<80x256xf32, #tpu.memory_space<vmem>>, vector<1x16xf32>,
        %add3A_496 = arith.constant 1 : i32
        %add3A_497 = arith.addi %add3A_332, %add3A_496 : i32
        %get3A_498 = arith.index_cast %add3A_497 : i32 to index
        %get3A_499 = arith.constant 240 : index
        %get3A_500 = tpu.vector_load %arg4[%get3A_498, %get3A_499] {strides = array<i32>} : memref<88x256xf32, #tpu.memory_space<vmem>>, vector<1x16xf32>,
        %get3A_501 = vector.shape_cast %get3A_500 : vector<1x16xf32> to vector<16xf32>
        %swap3A_502 = arith.index_cast %add3A_332 : i32 to index
        %swap3A_503 = arith.constant 240 : index
        %swap3A_504 = tpu.vector_load %arg6[%swap3A_502, %swap3A_503] {strides = array<i32>} : memref<80x256xf32, #tpu.memory_space<vmem>>, vector<1x16xf32>,
        %swap3A_505 = vector.shape_cast %swap3A_504 : vector<1x16xf32> to vector<16xf32>
        %swap3A_506 = vector.shape_cast %get3A_501 : vector<16xf32> to vector<1x16xf32>
        tpu.vector_store %arg6[%swap3A_502, %swap3A_503], %swap3A_506 {strides = array<i32>} : memref<80x256xf32, #tpu.memory_space<vmem>>, vector<1x16xf32>,
      }
      %scan3A_94 = arith.constant 80 : i32
      %dma_start3A_95 = arith.constant 1 : i32
      %dma_start3A_96 = arith.constant 3 : i32
      %dma_start3A_97 = arith.constant 0 : i32
      %dma_start3A_98 = arith.constant 0 : i32
      %dma_start3A_99 = tpu.memref_slice %arg6[%dma_start3A_97, %dma_start3A_98] : memref<80x256xf32, #tpu.memory_space<vmem>> -> memref<80x256xf32, #tpu.memory_space<vmem>>
      %dma_start3A_100 = tpu.memref_slice %arg3[%dma_start3A_95, %multiple_of3A, %add3A_10] : memref<3x1600x16384xf32, #tpu.memory_space<hbm>> -> memref<1x80x256xf32, #tpu.memory_space<hbm>>
      %dma_start3A_101 = tpu.memref_squeeze %dma_start3A_100 : memref<1x80x256xf32, #tpu.memory_space<hbm>> -> memref<80x256xf32, #tpu.memory_space<hbm>>
      %dma_start3A_102 = tpu.memref_slice %arg10[%dma_start3A_96] : memref<8x!tpu.dma_semaphore, #tpu.memory_space<semaphore_mem>> -> memref<1x!tpu.dma_semaphore, #tpu.memory_space<semaphore_mem>>
      %dma_start3A_103 = tpu.memref_squeeze %dma_start3A_102 : memref<1x!tpu.dma_semaphore, #tpu.memory_space<semaphore_mem>> -> memref<!tpu.dma_semaphore, #tpu.memory_space<semaphore_mem>>
      %dma_start3A_104 = tpu.memref_slice %arg3[%dma_start3A_95, %multiple_of3A, %add3A_10] : memref<3x1600x16384xf32, #tpu.memory_space<hbm>> -> memref<1x80x256xf32, #tpu.memory_space<hbm>>
      %dma_start3A_105 = tpu.memref_squeeze %dma_start3A_104 : memref<1x80x256xf32, #tpu.memory_space<hbm>> -> memref<80x256xf32, #tpu.memory_space<hbm>>
      %dma_start3A_106 = arith.constant 0 : i32
      %dma_start3A_107 = arith.constant 0 : i32
      %dma_start3A_108 = tpu.memref_slice %arg6[%dma_start3A_106, %dma_start3A_107] : memref<80x256xf32, #tpu.memory_space<vmem>> -> memref<80x256xf32, #tpu.memory_space<vmem>>
      tpu.enqueue_dma source(%dma_start3A_108 : memref<80x256xf32, #tpu.memory_space<vmem>>) target(%dma_start3A_105 : memref<80x256xf32, #tpu.memory_space<hbm>>) target_semaphore(%dma_start3A_103 : memref<!tpu.dma_semaphore, #tpu.memory_space<semaphore_mem>>)
      %scan3A_109 = arith.constant 0 : i32
      %scan3A_110 = arith.constant 80 : i32
      %scan3A_111 = arith.addi %scan3A_109, %scan3A_110 : i32
      %scan3A_112 = arith.constant 1 : i32
      scf.for %scan3A_328 = %scan3A_109 to %scan3A_111 step %scan3A_112  : i32 {
        %mul3A_329 = arith.constant 1 : i32
        %mul3A_330 = arith.muli %scan3A_328, %mul3A_329 : i32
        %add3A_331 = arith.constant 0 : i32
        %add3A_332 = arith.addi %add3A_331, %mul3A_330 : i32
        %add3A_333 = arith.constant 3 : i32
        %add3A_334 = arith.addi %add3A_332, %add3A_333 : i32
        %get3A = arith.index_cast %add3A_334 : i32 to index
        %get3A_335 = arith.constant 0 : index
        %get3A_336 = tpu.vector_load %arg4[%get3A, %get3A_335] {strides = array<i32>} : memref<88x256xf32, #tpu.memory_space<vmem>>, vector<1x16xf32>,
        %get3A_337 = vector.shape_cast %get3A_336 : vector<1x16xf32> to vector<16xf32>
        %swap3A = arith.index_cast %add3A_332 : i32 to index
        %swap3A_338 = arith.constant 0 : index
        %swap3A_339 = tpu.vector_load %arg7[%swap3A, %swap3A_338] {strides = array<i32>} : memref<80x256xf32, #tpu.memory_space<vmem>>, vector<1x16xf32>,
        %swap3A_340 = vector.shape_cast %swap3A_339 : vector<1x16xf32> to vector<16xf32>
        %swap3A_341 = vector.shape_cast %get3A_337 : vector<16xf32> to vector<1x16xf32>
        tpu.vector_store %arg7[%swap3A, %swap3A_338], %swap3A_341 {strides = array<i32>} : memref<80x256xf32, #tpu.memory_space<vmem>>, vector<1x16xf32>,
        %add3A_342 = arith.constant 3 : i32
        %add3A_343 = arith.addi %add3A_332, %add3A_342 : i32
        %get3A_344 = arith.index_cast %add3A_343 : i32 to index
        %get3A_345 = arith.constant 16 : index
        %get3A_346 = tpu.vector_load %arg4[%get3A_344, %get3A_345] {strides = array<i32>} : memref<88x256xf32, #tpu.memory_space<vmem>>, vector<1x16xf32>,
        %get3A_347 = vector.shape_cast %get3A_346 : vector<1x16xf32> to vector<16xf32>
        %swap3A_348 = arith.index_cast %add3A_332 : i32 to index
        %swap3A_349 = arith.constant 16 : index
        %swap3A_350 = tpu.vector_load %arg7[%swap3A_348, %swap3A_349] {strides = array<i32>} : memref<80x256xf32, #tpu.memory_space<vmem>>, vector<1x16xf32>,
        %swap3A_351 = vector.shape_cast %swap3A_350 : vector<1x16xf32> to vector<16xf32>
        %swap3A_352 = vector.shape_cast %get3A_347 : vector<16xf32> to vector<1x16xf32>
        tpu.vector_store %arg7[%swap3A_348, %swap3A_349], %swap3A_352 {strides = array<i32>} : memref<80x256xf32, #tpu.memory_space<vmem>>, vector<1x16xf32>,
        %add3A_353 = arith.constant 3 : i32
        %add3A_354 = arith.addi %add3A_332, %add3A_353 : i32
        %get3A_355 = arith.index_cast %add3A_354 : i32 to index
        %get3A_356 = arith.constant 32 : index
        %get3A_357 = tpu.vector_load %arg4[%get3A_355, %get3A_356] {strides = array<i32>} : memref<88x256xf32, #tpu.memory_space<vmem>>, vector<1x16xf32>,
        %get3A_358 = vector.shape_cast %get3A_357 : vector<1x16xf32> to vector<16xf32>
        %swap3A_359 = arith.index_cast %add3A_332 : i32 to index
        %swap3A_360 = arith.constant 32 : index
        %swap3A_361 = tpu.vector_load %arg7[%swap3A_359, %swap3A_360] {strides = array<i32>} : memref<80x256xf32, #tpu.memory_space<vmem>>, vector<1x16xf32>,
        %swap3A_362 = vector.shape_cast %swap3A_361 : vector<1x16xf32> to vector<16xf32>
        %swap3A_363 = vector.shape_cast %get3A_358 : vector<16xf32> to vector<1x16xf32>
        tpu.vector_store %arg7[%swap3A_359, %swap3A_360], %swap3A_363 {strides = array<i32>} : memref<80x256xf32, #tpu.memory_space<vmem>>, vector<1x16xf32>,
        %add3A_364 = arith.constant 3 : i32
        %add3A_365 = arith.addi %add3A_332, %add3A_364 : i32
        %get3A_366 = arith.index_cast %add3A_365 : i32 to index
        %get3A_367 = arith.constant 48 : index
        %get3A_368 = tpu.vector_load %arg4[%get3A_366, %get3A_367] {strides = array<i32>} : memref<88x256xf32, #tpu.memory_space<vmem>>, vector<1x16xf32>,
        %get3A_369 = vector.shape_cast %get3A_368 : vector<1x16xf32> to vector<16xf32>
        %swap3A_370 = arith.index_cast %add3A_332 : i32 to index
        %swap3A_371 = arith.constant 48 : index
        %swap3A_372 = tpu.vector_load %arg7[%swap3A_370, %swap3A_371] {strides = array<i32>} : memref<80x256xf32, #tpu.memory_space<vmem>>, vector<1x16xf32>,
        %swap3A_373 = vector.shape_cast %swap3A_372 : vector<1x16xf32> to vector<16xf32>
        %swap3A_374 = vector.shape_cast %get3A_369 : vector<16xf32> to vector<1x16xf32>
        tpu.vector_store %arg7[%swap3A_370, %swap3A_371], %swap3A_374 {strides = array<i32>} : memref<80x256xf32, #tpu.memory_space<vmem>>, vector<1x16xf32>,
        %add3A_375 = arith.constant 3 : i32
        %add3A_376 = arith.addi %add3A_332, %add3A_375 : i32
        %get3A_377 = arith.index_cast %add3A_376 : i32 to index
        %get3A_378 = arith.constant 64 : index
        %get3A_379 = tpu.vector_load %arg4[%get3A_377, %get3A_378] {strides = array<i32>} : memref<88x256xf32, #tpu.memory_space<vmem>>, vector<1x16xf32>,
        %get3A_380 = vector.shape_cast %get3A_379 : vector<1x16xf32> to vector<16xf32>
        %swap3A_381 = arith.index_cast %add3A_332 : i32 to index
        %swap3A_382 = arith.constant 64 : index
        %swap3A_383 = tpu.vector_load %arg7[%swap3A_381, %swap3A_382] {strides = array<i32>} : memref<80x256xf32, #tpu.memory_space<vmem>>, vector<1x16xf32>,
        %swap3A_384 = vector.shape_cast %swap3A_383 : vector<1x16xf32> to vector<16xf32>
        %swap3A_385 = vector.shape_cast %get3A_380 : vector<16xf32> to vector<1x16xf32>
        tpu.vector_store %arg7[%swap3A_381, %swap3A_382], %swap3A_385 {strides = array<i32>} : memref<80x256xf32, #tpu.memory_space<vmem>>, vector<1x16xf32>,
        %add3A_386 = arith.constant 3 : i32
        %add3A_387 = arith.addi %add3A_332, %add3A_386 : i32
        %get3A_388 = arith.index_cast %add3A_387 : i32 to index
        %get3A_389 = arith.constant 80 : index
        %get3A_390 = tpu.vector_load %arg4[%get3A_388, %get3A_389] {strides = array<i32>} : memref<88x256xf32, #tpu.memory_space<vmem>>, vector<1x16xf32>,
        %get3A_391 = vector.shape_cast %get3A_390 : vector<1x16xf32> to vector<16xf32>
        %swap3A_392 = arith.index_cast %add3A_332 : i32 to index
        %swap3A_393 = arith.constant 80 : index
        %swap3A_394 = tpu.vector_load %arg7[%swap3A_392, %swap3A_393] {strides = array<i32>} : memref<80x256xf32, #tpu.memory_space<vmem>>, vector<1x16xf32>,
        %swap3A_395 = vector.shape_cast %swap3A_394 : vector<1x16xf32> to vector<16xf32>
        %swap3A_396 = vector.shape_cast %get3A_391 : vector<16xf32> to vector<1x16xf32>
        tpu.vector_store %arg7[%swap3A_392, %swap3A_393], %swap3A_396 {strides = array<i32>} : memref<80x256xf32, #tpu.memory_space<vmem>>, vector<1x16xf32>,
        %add3A_397 = arith.constant 3 : i32
        %add3A_398 = arith.addi %add3A_332, %add3A_397 : i32
        %get3A_399 = arith.index_cast %add3A_398 : i32 to index
        %get3A_400 = arith.constant 96 : index
        %get3A_401 = tpu.vector_load %arg4[%get3A_399, %get3A_400] {strides = array<i32>} : memref<88x256xf32, #tpu.memory_space<vmem>>, vector<1x16xf32>,
        %get3A_402 = vector.shape_cast %get3A_401 : vector<1x16xf32> to vector<16xf32>
        %swap3A_403 = arith.index_cast %add3A_332 : i32 to index
        %swap3A_404 = arith.constant 96 : index
        %swap3A_405 = tpu.vector_load %arg7[%swap3A_403, %swap3A_404] {strides = array<i32>} : memref<80x256xf32, #tpu.memory_space<vmem>>, vector<1x16xf32>,
        %swap3A_406 = vector.shape_cast %swap3A_405 : vector<1x16xf32> to vector<16xf32>
        %swap3A_407 = vector.shape_cast %get3A_402 : vector<16xf32> to vector<1x16xf32>
        tpu.vector_store %arg7[%swap3A_403, %swap3A_404], %swap3A_407 {strides = array<i32>} : memref<80x256xf32, #tpu.memory_space<vmem>>, vector<1x16xf32>,
        %add3A_408 = arith.constant 3 : i32
        %add3A_409 = arith.addi %add3A_332, %add3A_408 : i32
        %get3A_410 = arith.index_cast %add3A_409 : i32 to index
        %get3A_411 = arith.constant 112 : index
        %get3A_412 = tpu.vector_load %arg4[%get3A_410, %get3A_411] {strides = array<i32>} : memref<88x256xf32, #tpu.memory_space<vmem>>, vector<1x16xf32>,
        %get3A_413 = vector.shape_cast %get3A_412 : vector<1x16xf32> to vector<16xf32>
        %swap3A_414 = arith.index_cast %add3A_332 : i32 to index
        %swap3A_415 = arith.constant 112 : index
        %swap3A_416 = tpu.vector_load %arg7[%swap3A_414, %swap3A_415] {strides = array<i32>} : memref<80x256xf32, #tpu.memory_space<vmem>>, vector<1x16xf32>,
        %swap3A_417 = vector.shape_cast %swap3A_416 : vector<1x16xf32> to vector<16xf32>
        %swap3A_418 = vector.shape_cast %get3A_413 : vector<16xf32> to vector<1x16xf32>
        tpu.vector_store %arg7[%swap3A_414, %swap3A_415], %swap3A_418 {strides = array<i32>} : memref<80x256xf32, #tpu.memory_space<vmem>>, vector<1x16xf32>,
        %add3A_419 = arith.constant 3 : i32
        %add3A_420 = arith.addi %add3A_332, %add3A_419 : i32
        %get3A_421 = arith.index_cast %add3A_420 : i32 to index
        %get3A_422 = arith.constant 128 : index
        %get3A_423 = tpu.vector_load %arg4[%get3A_421, %get3A_422] {strides = array<i32>} : memref<88x256xf32, #tpu.memory_space<vmem>>, vector<1x16xf32>,
        %get3A_424 = vector.shape_cast %get3A_423 : vector<1x16xf32> to vector<16xf32>
        %swap3A_425 = arith.index_cast %add3A_332 : i32 to index
        %swap3A_426 = arith.constant 128 : index
        %swap3A_427 = tpu.vector_load %arg7[%swap3A_425, %swap3A_426] {strides = array<i32>} : memref<80x256xf32, #tpu.memory_space<vmem>>, vector<1x16xf32>,
        %swap3A_428 = vector.shape_cast %swap3A_427 : vector<1x16xf32> to vector<16xf32>
        %swap3A_429 = vector.shape_cast %get3A_424 : vector<16xf32> to vector<1x16xf32>
        tpu.vector_store %arg7[%swap3A_425, %swap3A_426], %swap3A_429 {strides = array<i32>} : memref<80x256xf32, #tpu.memory_space<vmem>>, vector<1x16xf32>,
        %add3A_430 = arith.constant 3 : i32
        %add3A_431 = arith.addi %add3A_332, %add3A_430 : i32
        %get3A_432 = arith.index_cast %add3A_431 : i32 to index
        %get3A_433 = arith.constant 144 : index
        %get3A_434 = tpu.vector_load %arg4[%get3A_432, %get3A_433] {strides = array<i32>} : memref<88x256xf32, #tpu.memory_space<vmem>>, vector<1x16xf32>,
        %get3A_435 = vector.shape_cast %get3A_434 : vector<1x16xf32> to vector<16xf32>
        %swap3A_436 = arith.index_cast %add3A_332 : i32 to index
        %swap3A_437 = arith.constant 144 : index
        %swap3A_438 = tpu.vector_load %arg7[%swap3A_436, %swap3A_437] {strides = array<i32>} : memref<80x256xf32, #tpu.memory_space<vmem>>, vector<1x16xf32>,
        %swap3A_439 = vector.shape_cast %swap3A_438 : vector<1x16xf32> to vector<16xf32>
        %swap3A_440 = vector.shape_cast %get3A_435 : vector<16xf32> to vector<1x16xf32>
        tpu.vector_store %arg7[%swap3A_436, %swap3A_437], %swap3A_440 {strides = array<i32>} : memref<80x256xf32, #tpu.memory_space<vmem>>, vector<1x16xf32>,
        %add3A_441 = arith.constant 3 : i32
        %add3A_442 = arith.addi %add3A_332, %add3A_441 : i32
        %get3A_443 = arith.index_cast %add3A_442 : i32 to index
        %get3A_444 = arith.constant 160 : index
        %get3A_445 = tpu.vector_load %arg4[%get3A_443, %get3A_444] {strides = array<i32>} : memref<88x256xf32, #tpu.memory_space<vmem>>, vector<1x16xf32>,
        %get3A_446 = vector.shape_cast %get3A_445 : vector<1x16xf32> to vector<16xf32>
        %swap3A_447 = arith.index_cast %add3A_332 : i32 to index
        %swap3A_448 = arith.constant 160 : index
        %swap3A_449 = tpu.vector_load %arg7[%swap3A_447, %swap3A_448] {strides = array<i32>} : memref<80x256xf32, #tpu.memory_space<vmem>>, vector<1x16xf32>,
        %swap3A_450 = vector.shape_cast %swap3A_449 : vector<1x16xf32> to vector<16xf32>
        %swap3A_451 = vector.shape_cast %get3A_446 : vector<16xf32> to vector<1x16xf32>
        tpu.vector_store %arg7[%swap3A_447, %swap3A_448], %swap3A_451 {strides = array<i32>} : memref<80x256xf32, #tpu.memory_space<vmem>>, vector<1x16xf32>,
        %add3A_452 = arith.constant 3 : i32
        %add3A_453 = arith.addi %add3A_332, %add3A_452 : i32
        %get3A_454 = arith.index_cast %add3A_453 : i32 to index
        %get3A_455 = arith.constant 176 : index
        %get3A_456 = tpu.vector_load %arg4[%get3A_454, %get3A_455] {strides = array<i32>} : memref<88x256xf32, #tpu.memory_space<vmem>>, vector<1x16xf32>,
        %get3A_457 = vector.shape_cast %get3A_456 : vector<1x16xf32> to vector<16xf32>
        %swap3A_458 = arith.index_cast %add3A_332 : i32 to index
        %swap3A_459 = arith.constant 176 : index
        %swap3A_460 = tpu.vector_load %arg7[%swap3A_458, %swap3A_459] {strides = array<i32>} : memref<80x256xf32, #tpu.memory_space<vmem>>, vector<1x16xf32>,
        %swap3A_461 = vector.shape_cast %swap3A_460 : vector<1x16xf32> to vector<16xf32>
        %swap3A_462 = vector.shape_cast %get3A_457 : vector<16xf32> to vector<1x16xf32>
        tpu.vector_store %arg7[%swap3A_458, %swap3A_459], %swap3A_462 {strides = array<i32>} : memref<80x256xf32, #tpu.memory_space<vmem>>, vector<1x16xf32>,
        %add3A_463 = arith.constant 3 : i32
        %add3A_464 = arith.addi %add3A_332, %add3A_463 : i32
        %get3A_465 = arith.index_cast %add3A_464 : i32 to index
        %get3A_466 = arith.constant 192 : index
        %get3A_467 = tpu.vector_load %arg4[%get3A_465, %get3A_466] {strides = array<i32>} : memref<88x256xf32, #tpu.memory_space<vmem>>, vector<1x16xf32>,
        %get3A_468 = vector.shape_cast %get3A_467 : vector<1x16xf32> to vector<16xf32>
        %swap3A_469 = arith.index_cast %add3A_332 : i32 to index
        %swap3A_470 = arith.constant 192 : index
        %swap3A_471 = tpu.vector_load %arg7[%swap3A_469, %swap3A_470] {strides = array<i32>} : memref<80x256xf32, #tpu.memory_space<vmem>>, vector<1x16xf32>,
        %swap3A_472 = vector.shape_cast %swap3A_471 : vector<1x16xf32> to vector<16xf32>
        %swap3A_473 = vector.shape_cast %get3A_468 : vector<16xf32> to vector<1x16xf32>
        tpu.vector_store %arg7[%swap3A_469, %swap3A_470], %swap3A_473 {strides = array<i32>} : memref<80x256xf32, #tpu.memory_space<vmem>>, vector<1x16xf32>,
        %add3A_474 = arith.constant 3 : i32
        %add3A_475 = arith.addi %add3A_332, %add3A_474 : i32
        %get3A_476 = arith.index_cast %add3A_475 : i32 to index
        %get3A_477 = arith.constant 208 : index
        %get3A_478 = tpu.vector_load %arg4[%get3A_476, %get3A_477] {strides = array<i32>} : memref<88x256xf32, #tpu.memory_space<vmem>>, vector<1x16xf32>,
        %get3A_479 = vector.shape_cast %get3A_478 : vector<1x16xf32> to vector<16xf32>
        %swap3A_480 = arith.index_cast %add3A_332 : i32 to index
        %swap3A_481 = arith.constant 208 : index
        %swap3A_482 = tpu.vector_load %arg7[%swap3A_480, %swap3A_481] {strides = array<i32>} : memref<80x256xf32, #tpu.memory_space<vmem>>, vector<1x16xf32>,
        %swap3A_483 = vector.shape_cast %swap3A_482 : vector<1x16xf32> to vector<16xf32>
        %swap3A_484 = vector.shape_cast %get3A_479 : vector<16xf32> to vector<1x16xf32>
        tpu.vector_store %arg7[%swap3A_480, %swap3A_481], %swap3A_484 {strides = array<i32>} : memref<80x256xf32, #tpu.memory_space<vmem>>, vector<1x16xf32>,
        %add3A_485 = arith.constant 3 : i32
        %add3A_486 = arith.addi %add3A_332, %add3A_485 : i32
        %get3A_487 = arith.index_cast %add3A_486 : i32 to index
        %get3A_488 = arith.constant 224 : index
        %get3A_489 = tpu.vector_load %arg4[%get3A_487, %get3A_488] {strides = array<i32>} : memref<88x256xf32, #tpu.memory_space<vmem>>, vector<1x16xf32>,
        %get3A_490 = vector.shape_cast %get3A_489 : vector<1x16xf32> to vector<16xf32>
        %swap3A_491 = arith.index_cast %add3A_332 : i32 to index
        %swap3A_492 = arith.constant 224 : index
        %swap3A_493 = tpu.vector_load %arg7[%swap3A_491, %swap3A_492] {strides = array<i32>} : memref<80x256xf32, #tpu.memory_space<vmem>>, vector<1x16xf32>,
        %swap3A_494 = vector.shape_cast %swap3A_493 : vector<1x16xf32> to vector<16xf32>
        %swap3A_495 = vector.shape_cast %get3A_490 : vector<16xf32> to vector<1x16xf32>
        tpu.vector_store %arg7[%swap3A_491, %swap3A_492], %swap3A_495 {strides = array<i32>} : memref<80x256xf32, #tpu.memory_space<vmem>>, vector<1x16xf32>,
        %add3A_496 = arith.constant 3 : i32
        %add3A_497 = arith.addi %add3A_332, %add3A_496 : i32
        %get3A_498 = arith.index_cast %add3A_497 : i32 to index
        %get3A_499 = arith.constant 240 : index
        %get3A_500 = tpu.vector_load %arg4[%get3A_498, %get3A_499] {strides = array<i32>} : memref<88x256xf32, #tpu.memory_space<vmem>>, vector<1x16xf32>,
        %get3A_501 = vector.shape_cast %get3A_500 : vector<1x16xf32> to vector<16xf32>
        %swap3A_502 = arith.index_cast %add3A_332 : i32 to index
        %swap3A_503 = arith.constant 240 : index
        %swap3A_504 = tpu.vector_load %arg7[%swap3A_502, %swap3A_503] {strides = array<i32>} : memref<80x256xf32, #tpu.memory_space<vmem>>, vector<1x16xf32>,
        %swap3A_505 = vector.shape_cast %swap3A_504 : vector<1x16xf32> to vector<16xf32>
        %swap3A_506 = vector.shape_cast %get3A_501 : vector<16xf32> to vector<1x16xf32>
        tpu.vector_store %arg7[%swap3A_502, %swap3A_503], %swap3A_506 {strides = array<i32>} : memref<80x256xf32, #tpu.memory_space<vmem>>, vector<1x16xf32>,
      }
      %scan3A_113 = arith.constant 80 : i32
      %dma_start3A_114 = arith.constant 2 : i32
      %dma_start3A_115 = arith.constant 4 : i32
      %dma_start3A_116 = arith.constant 0 : i32
      %dma_start3A_117 = arith.constant 0 : i32
      %dma_start3A_118 = tpu.memref_slice %arg7[%dma_start3A_116, %dma_start3A_117] : memref<80x256xf32, #tpu.memory_space<vmem>> -> memref<80x256xf32, #tpu.memory_space<vmem>>
      %dma_start3A_119 = tpu.memref_slice %arg3[%dma_start3A_114, %multiple_of3A, %add3A_10] : memref<3x1600x16384xf32, #tpu.memory_space<hbm>> -> memref<1x80x256xf32, #tpu.memory_space<hbm>>
      %dma_start3A_120 = tpu.memref_squeeze %dma_start3A_119 : memref<1x80x256xf32, #tpu.memory_space<hbm>> -> memref<80x256xf32, #tpu.memory_space<hbm>>
      %dma_start3A_121 = tpu.memref_slice %arg10[%dma_start3A_115] : memref<8x!tpu.dma_semaphore, #tpu.memory_space<semaphore_mem>> -> memref<1x!tpu.dma_semaphore, #tpu.memory_space<semaphore_mem>>
      %dma_start3A_122 = tpu.memref_squeeze %dma_start3A_121 : memref<1x!tpu.dma_semaphore, #tpu.memory_space<semaphore_mem>> -> memref<!tpu.dma_semaphore, #tpu.memory_space<semaphore_mem>>
      %dma_start3A_123 = tpu.memref_slice %arg3[%dma_start3A_114, %multiple_of3A, %add3A_10] : memref<3x1600x16384xf32, #tpu.memory_space<hbm>> -> memref<1x80x256xf32, #tpu.memory_space<hbm>>
      %dma_start3A_124 = tpu.memref_squeeze %dma_start3A_123 : memref<1x80x256xf32, #tpu.memory_space<hbm>> -> memref<80x256xf32, #tpu.memory_space<hbm>>
      %dma_start3A_125 = arith.constant 0 : i32
      %dma_start3A_126 = arith.constant 0 : i32
      %dma_start3A_127 = tpu.memref_slice %arg7[%dma_start3A_125, %dma_start3A_126] : memref<80x256xf32, #tpu.memory_space<vmem>> -> memref<80x256xf32, #tpu.memory_space<vmem>>
      tpu.enqueue_dma source(%dma_start3A_127 : memref<80x256xf32, #tpu.memory_space<vmem>>) target(%dma_start3A_124 : memref<80x256xf32, #tpu.memory_space<hbm>>) target_semaphore(%dma_start3A_122 : memref<!tpu.dma_semaphore, #tpu.memory_space<semaphore_mem>>)
      %add3A_128 = arith.constant 80 : i32
      %add3A_129 = arith.addi %multiple_of3A, %add3A_128 : i32
      %add3A_130 = arith.constant 80 : i32
      %add3A_131 = arith.addi %add3A_129, %add3A_130 : i32
      %jit3A_132 = arith.constant 1600 : i32
      %eq3A_133 = arith.constant 0 : i32
      %eq3A_134 = arith.cmpi eq, %jit3A_132, %eq3A_133 : i32
      %jit3A_135 = arith.constant 1 : i32
      %select_n3A_136 = arith.select %eq3A_134, %jit3A_135, %jit3A_132 : i32
      %rem3A_137 = arith.remsi %add3A_131, %select_n3A_136 : i32
      %ne3A_138 = arith.constant 0 : i32
      %ne3A_139 = arith.cmpi ne, %rem3A_137, %ne3A_138 : i32
      %lt3A_140 = arith.constant 0 : i32
      %lt3A_141 = arith.cmpi slt, %rem3A_137, %lt3A_140 : i32
      %lt3A_142 = arith.constant 0 : i32
      %lt3A_143 = arith.cmpi slt, %select_n3A_136, %lt3A_142 : i32
      %ne3A_144 = arith.xori %lt3A_141, %lt3A_143 : i1
      %and3A_145 = arith.andi %ne3A_144, %ne3A_139 : i1
      %add3A_146 = arith.addi %rem3A_137, %select_n3A_136 : i32
      %select_n3A_147 = arith.select %and3A_145, %add3A_146, %rem3A_137 : i32
      %dma_start3A_148 = arith.constant 0 : i32
      %dma_start3A_149 = arith.constant 0 : i32
      %dma_start3A_150 = arith.constant 0 : i32
      %dma_start3A_151 = tpu.memref_slice %arg5[%dma_start3A_149, %dma_start3A_150] : memref<88x256xf32, #tpu.memory_space<vmem>> -> memref<80x256xf32, #tpu.memory_space<vmem>>
      %dma_start3A_152 = tpu.memref_slice %arg2[%add3A_129, %add3A_10] : memref<1600x16384xf32, #tpu.memory_space<hbm>> -> memref<80x256xf32, #tpu.memory_space<hbm>>
      %dma_start3A_153 = tpu.memref_slice %arg10[%dma_start3A_148] : memref<8x!tpu.dma_semaphore, #tpu.memory_space<semaphore_mem>> -> memref<1x!tpu.dma_semaphore, #tpu.memory_space<semaphore_mem>>
      %dma_start3A_154 = tpu.memref_squeeze %dma_start3A_153 : memref<1x!tpu.dma_semaphore, #tpu.memory_space<semaphore_mem>> -> memref<!tpu.dma_semaphore, #tpu.memory_space<semaphore_mem>>
      %dma_start3A_155 = arith.constant 0 : i32
      %dma_start3A_156 = arith.constant 0 : i32
      %dma_start3A_157 = tpu.memref_slice %arg5[%dma_start3A_155, %dma_start3A_156] : memref<88x256xf32, #tpu.memory_space<vmem>> -> memref<80x256xf32, #tpu.memory_space<vmem>>
      %dma_start3A_158 = tpu.memref_slice %arg2[%add3A_129, %add3A_10] : memref<1600x16384xf32, #tpu.memory_space<hbm>> -> memref<80x256xf32, #tpu.memory_space<hbm>>
      tpu.enqueue_dma source(%dma_start3A_158 : memref<80x256xf32, #tpu.memory_space<hbm>>) target(%dma_start3A_157 : memref<80x256xf32, #tpu.memory_space<vmem>>) target_semaphore(%dma_start3A_154 : memref<!tpu.dma_semaphore, #tpu.memory_space<semaphore_mem>>)
      %dma_start3A_159 = arith.constant 1 : i32
      %dma_start3A_160 = arith.constant 80 : i32
      %dma_start3A_161 = arith.constant 0 : i32
      %dma_start3A_162 = tpu.memref_slice %arg5[%dma_start3A_160, %dma_start3A_161] : memref<88x256xf32, #tpu.memory_space<vmem>> -> memref<8x256xf32, #tpu.memory_space<vmem>>
      %dma_start3A_163 = tpu.memref_slice %arg2[%select_n3A_147, %add3A_10] : memref<1600x16384xf32, #tpu.memory_space<hbm>> -> memref<8x256xf32, #tpu.memory_space<hbm>>
      %dma_start3A_164 = tpu.memref_slice %arg10[%dma_start3A_159] : memref<8x!tpu.dma_semaphore, #tpu.memory_space<semaphore_mem>> -> memref<1x!tpu.dma_semaphore, #tpu.memory_space<semaphore_mem>>
      %dma_start3A_165 = tpu.memref_squeeze %dma_start3A_164 : memref<1x!tpu.dma_semaphore, #tpu.memory_space<semaphore_mem>> -> memref<!tpu.dma_semaphore, #tpu.memory_space<semaphore_mem>>
      %dma_start3A_166 = arith.constant 80 : i32
      %dma_start3A_167 = arith.constant 0 : i32
      %dma_start3A_168 = tpu.memref_slice %arg5[%dma_start3A_166, %dma_start3A_167] : memref<88x256xf32, #tpu.memory_space<vmem>> -> memref<8x256xf32, #tpu.memory_space<vmem>>
      %dma_start3A_169 = tpu.memref_slice %arg2[%select_n3A_147, %add3A_10] : memref<1600x16384xf32, #tpu.memory_space<hbm>> -> memref<8x256xf32, #tpu.memory_space<hbm>>
      tpu.enqueue_dma source(%dma_start3A_169 : memref<8x256xf32, #tpu.memory_space<hbm>>) target(%dma_start3A_168 : memref<8x256xf32, #tpu.memory_space<vmem>>) target_semaphore(%dma_start3A_165 : memref<!tpu.dma_semaphore, #tpu.memory_space<semaphore_mem>>)
      %dma_wait3A_170 = arith.constant 0 : i32
      %dma_wait3A_171 = arith.constant 0 : i32
      %dma_wait3A_172 = arith.constant 0 : i32
      %dma_wait3A_173 = tpu.memref_slice %arg5[%dma_wait3A_171, %dma_wait3A_172] : memref<88x256xf32, #tpu.memory_space<vmem>> -> memref<80x256xf32, #tpu.memory_space<vmem>>
      %dma_wait3A_174 = tpu.memref_slice %arg2[%add3A_129, %add3A_10] : memref<1600x16384xf32, #tpu.memory_space<hbm>> -> memref<80x256xf32, #tpu.memory_space<hbm>>
      %dma_wait3A_175 = tpu.memref_slice %arg10[%dma_wait3A_170] : memref<8x!tpu.dma_semaphore, #tpu.memory_space<semaphore_mem>> -> memref<1x!tpu.dma_semaphore, #tpu.memory_space<semaphore_mem>>
      %dma_wait3A_176 = tpu.memref_squeeze %dma_wait3A_175 : memref<1x!tpu.dma_semaphore, #tpu.memory_space<semaphore_mem>> -> memref<!tpu.dma_semaphore, #tpu.memory_space<semaphore_mem>>
      %dma_wait3A_177 = arith.constant 0 : i32
      %dma_wait3A_178 = arith.constant 0 : i32
      %dma_wait3A_179 = tpu.memref_slice %arg5[%dma_wait3A_177, %dma_wait3A_178] : memref<88x256xf32, #tpu.memory_space<vmem>> -> memref<80x256xf32, #tpu.memory_space<vmem>>
      %dma_wait3A_180 = tpu.memref_slice %arg2[%add3A_129, %add3A_10] : memref<1600x16384xf32, #tpu.memory_space<hbm>> -> memref<80x256xf32, #tpu.memory_space<hbm>>
      tpu.wait_dma2 semaphore(%dma_wait3A_176 : memref<!tpu.dma_semaphore, #tpu.memory_space<semaphore_mem>>) src(%dma_wait3A_180 : memref<80x256xf32, #tpu.memory_space<hbm>>) dst(%dma_wait3A_179 : memref<80x256xf32, #tpu.memory_space<vmem>>)
      %dma_wait3A_181 = arith.constant 1 : i32
      %dma_wait3A_182 = arith.constant 80 : i32
      %dma_wait3A_183 = arith.constant 0 : i32
      %dma_wait3A_184 = tpu.memref_slice %arg5[%dma_wait3A_182, %dma_wait3A_183] : memref<88x256xf32, #tpu.memory_space<vmem>> -> memref<8x256xf32, #tpu.memory_space<vmem>>
      %dma_wait3A_185 = tpu.memref_slice %arg2[%select_n3A_147, %add3A_10] : memref<1600x16384xf32, #tpu.memory_space<hbm>> -> memref<8x256xf32, #tpu.memory_space<hbm>>
      %dma_wait3A_186 = tpu.memref_slice %arg10[%dma_wait3A_181] : memref<8x!tpu.dma_semaphore, #tpu.memory_space<semaphore_mem>> -> memref<1x!tpu.dma_semaphore, #tpu.memory_space<semaphore_mem>>
      %dma_wait3A_187 = tpu.memref_squeeze %dma_wait3A_186 : memref<1x!tpu.dma_semaphore, #tpu.memory_space<semaphore_mem>> -> memref<!tpu.dma_semaphore, #tpu.memory_space<semaphore_mem>>
      %dma_wait3A_188 = arith.constant 80 : i32
      %dma_wait3A_189 = arith.constant 0 : i32
      %dma_wait3A_190 = tpu.memref_slice %arg5[%dma_wait3A_188, %dma_wait3A_189] : memref<88x256xf32, #tpu.memory_space<vmem>> -> memref<8x256xf32, #tpu.memory_space<vmem>>
      %dma_wait3A_191 = tpu.memref_slice %arg2[%select_n3A_147, %add3A_10] : memref<1600x16384xf32, #tpu.memory_space<hbm>> -> memref<8x256xf32, #tpu.memory_space<hbm>>
      tpu.wait_dma2 semaphore(%dma_wait3A_187 : memref<!tpu.dma_semaphore, #tpu.memory_space<semaphore_mem>>) src(%dma_wait3A_191 : memref<8x256xf32, #tpu.memory_space<hbm>>) dst(%dma_wait3A_190 : memref<8x256xf32, #tpu.memory_space<vmem>>)
      %dma_start3A_192 = arith.constant 0 : i32
      %dma_start3A_193 = arith.constant 5 : i32
      %dma_start3A_194 = arith.constant 0 : i32
      %dma_start3A_195 = arith.constant 0 : i32
      %dma_start3A_196 = tpu.memref_slice %arg5[%dma_start3A_194, %dma_start3A_195] : memref<88x256xf32, #tpu.memory_space<vmem>> -> memref<80x256xf32, #tpu.memory_space<vmem>>
      %dma_start3A_197 = tpu.memref_slice %arg3[%dma_start3A_192, %add3A_129, %add3A_10] : memref<3x1600x16384xf32, #tpu.memory_space<hbm>> -> memref<1x80x256xf32, #tpu.memory_space<hbm>>
      %dma_start3A_198 = tpu.memref_squeeze %dma_start3A_197 : memref<1x80x256xf32, #tpu.memory_space<hbm>> -> memref<80x256xf32, #tpu.memory_space<hbm>>
      %dma_start3A_199 = tpu.memref_slice %arg10[%dma_start3A_193] : memref<8x!tpu.dma_semaphore, #tpu.memory_space<semaphore_mem>> -> memref<1x!tpu.dma_semaphore, #tpu.memory_space<semaphore_mem>>
      %dma_start3A_200 = tpu.memref_squeeze %dma_start3A_199 : memref<1x!tpu.dma_semaphore, #tpu.memory_space<semaphore_mem>> -> memref<!tpu.dma_semaphore, #tpu.memory_space<semaphore_mem>>
      %dma_start3A_201 = tpu.memref_slice %arg3[%dma_start3A_192, %add3A_129, %add3A_10] : memref<3x1600x16384xf32, #tpu.memory_space<hbm>> -> memref<1x80x256xf32, #tpu.memory_space<hbm>>
      %dma_start3A_202 = tpu.memref_squeeze %dma_start3A_201 : memref<1x80x256xf32, #tpu.memory_space<hbm>> -> memref<80x256xf32, #tpu.memory_space<hbm>>
      %dma_start3A_203 = arith.constant 0 : i32
      %dma_start3A_204 = arith.constant 0 : i32
      %dma_start3A_205 = tpu.memref_slice %arg5[%dma_start3A_203, %dma_start3A_204] : memref<88x256xf32, #tpu.memory_space<vmem>> -> memref<80x256xf32, #tpu.memory_space<vmem>>
      tpu.enqueue_dma source(%dma_start3A_205 : memref<80x256xf32, #tpu.memory_space<vmem>>) target(%dma_start3A_202 : memref<80x256xf32, #tpu.memory_space<hbm>>) target_semaphore(%dma_start3A_200 : memref<!tpu.dma_semaphore, #tpu.memory_space<semaphore_mem>>)
      %scan3A_206 = arith.constant 0 : i32
      %scan3A_207 = arith.constant 80 : i32
      %scan3A_208 = arith.addi %scan3A_206, %scan3A_207 : i32
      %scan3A_209 = arith.constant 1 : i32
      scf.for %scan3A_328 = %scan3A_206 to %scan3A_208 step %scan3A_209  : i32 {
        %mul3A_329 = arith.constant 1 : i32
        %mul3A_330 = arith.muli %scan3A_328, %mul3A_329 : i32
        %add3A_331 = arith.constant 0 : i32
        %add3A_332 = arith.addi %add3A_331, %mul3A_330 : i32
        %add3A_333 = arith.constant 1 : i32
        %add3A_334 = arith.addi %add3A_332, %add3A_333 : i32
        %get3A = arith.index_cast %add3A_334 : i32 to index
        %get3A_335 = arith.constant 0 : index
        %get3A_336 = tpu.vector_load %arg5[%get3A, %get3A_335] {strides = array<i32>} : memref<88x256xf32, #tpu.memory_space<vmem>>, vector<1x16xf32>,
        %get3A_337 = vector.shape_cast %get3A_336 : vector<1x16xf32> to vector<16xf32>
        %swap3A = arith.index_cast %add3A_332 : i32 to index
        %swap3A_338 = arith.constant 0 : index
        %swap3A_339 = tpu.vector_load %arg8[%swap3A, %swap3A_338] {strides = array<i32>} : memref<80x256xf32, #tpu.memory_space<vmem>>, vector<1x16xf32>,
        %swap3A_340 = vector.shape_cast %swap3A_339 : vector<1x16xf32> to vector<16xf32>
        %swap3A_341 = vector.shape_cast %get3A_337 : vector<16xf32> to vector<1x16xf32>
        tpu.vector_store %arg8[%swap3A, %swap3A_338], %swap3A_341 {strides = array<i32>} : memref<80x256xf32, #tpu.memory_space<vmem>>, vector<1x16xf32>,
        %add3A_342 = arith.constant 1 : i32
        %add3A_343 = arith.addi %add3A_332, %add3A_342 : i32
        %get3A_344 = arith.index_cast %add3A_343 : i32 to index
        %get3A_345 = arith.constant 16 : index
        %get3A_346 = tpu.vector_load %arg5[%get3A_344, %get3A_345] {strides = array<i32>} : memref<88x256xf32, #tpu.memory_space<vmem>>, vector<1x16xf32>,
        %get3A_347 = vector.shape_cast %get3A_346 : vector<1x16xf32> to vector<16xf32>
        %swap3A_348 = arith.index_cast %add3A_332 : i32 to index
        %swap3A_349 = arith.constant 16 : index
        %swap3A_350 = tpu.vector_load %arg8[%swap3A_348, %swap3A_349] {strides = array<i32>} : memref<80x256xf32, #tpu.memory_space<vmem>>, vector<1x16xf32>,
        %swap3A_351 = vector.shape_cast %swap3A_350 : vector<1x16xf32> to vector<16xf32>
        %swap3A_352 = vector.shape_cast %get3A_347 : vector<16xf32> to vector<1x16xf32>
        tpu.vector_store %arg8[%swap3A_348, %swap3A_349], %swap3A_352 {strides = array<i32>} : memref<80x256xf32, #tpu.memory_space<vmem>>, vector<1x16xf32>,
        %add3A_353 = arith.constant 1 : i32
        %add3A_354 = arith.addi %add3A_332, %add3A_353 : i32
        %get3A_355 = arith.index_cast %add3A_354 : i32 to index
        %get3A_356 = arith.constant 32 : index
        %get3A_357 = tpu.vector_load %arg5[%get3A_355, %get3A_356] {strides = array<i32>} : memref<88x256xf32, #tpu.memory_space<vmem>>, vector<1x16xf32>,
        %get3A_358 = vector.shape_cast %get3A_357 : vector<1x16xf32> to vector<16xf32>
        %swap3A_359 = arith.index_cast %add3A_332 : i32 to index
        %swap3A_360 = arith.constant 32 : index
        %swap3A_361 = tpu.vector_load %arg8[%swap3A_359, %swap3A_360] {strides = array<i32>} : memref<80x256xf32, #tpu.memory_space<vmem>>, vector<1x16xf32>,
        %swap3A_362 = vector.shape_cast %swap3A_361 : vector<1x16xf32> to vector<16xf32>
        %swap3A_363 = vector.shape_cast %get3A_358 : vector<16xf32> to vector<1x16xf32>
        tpu.vector_store %arg8[%swap3A_359, %swap3A_360], %swap3A_363 {strides = array<i32>} : memref<80x256xf32, #tpu.memory_space<vmem>>, vector<1x16xf32>,
        %add3A_364 = arith.constant 1 : i32
        %add3A_365 = arith.addi %add3A_332, %add3A_364 : i32
        %get3A_366 = arith.index_cast %add3A_365 : i32 to index
        %get3A_367 = arith.constant 48 : index
        %get3A_368 = tpu.vector_load %arg5[%get3A_366, %get3A_367] {strides = array<i32>} : memref<88x256xf32, #tpu.memory_space<vmem>>, vector<1x16xf32>,
        %get3A_369 = vector.shape_cast %get3A_368 : vector<1x16xf32> to vector<16xf32>
        %swap3A_370 = arith.index_cast %add3A_332 : i32 to index
        %swap3A_371 = arith.constant 48 : index
        %swap3A_372 = tpu.vector_load %arg8[%swap3A_370, %swap3A_371] {strides = array<i32>} : memref<80x256xf32, #tpu.memory_space<vmem>>, vector<1x16xf32>,
        %swap3A_373 = vector.shape_cast %swap3A_372 : vector<1x16xf32> to vector<16xf32>
        %swap3A_374 = vector.shape_cast %get3A_369 : vector<16xf32> to vector<1x16xf32>
        tpu.vector_store %arg8[%swap3A_370, %swap3A_371], %swap3A_374 {strides = array<i32>} : memref<80x256xf32, #tpu.memory_space<vmem>>, vector<1x16xf32>,
        %add3A_375 = arith.constant 1 : i32
        %add3A_376 = arith.addi %add3A_332, %add3A_375 : i32
        %get3A_377 = arith.index_cast %add3A_376 : i32 to index
        %get3A_378 = arith.constant 64 : index
        %get3A_379 = tpu.vector_load %arg5[%get3A_377, %get3A_378] {strides = array<i32>} : memref<88x256xf32, #tpu.memory_space<vmem>>, vector<1x16xf32>,
        %get3A_380 = vector.shape_cast %get3A_379 : vector<1x16xf32> to vector<16xf32>
        %swap3A_381 = arith.index_cast %add3A_332 : i32 to index
        %swap3A_382 = arith.constant 64 : index
        %swap3A_383 = tpu.vector_load %arg8[%swap3A_381, %swap3A_382] {strides = array<i32>} : memref<80x256xf32, #tpu.memory_space<vmem>>, vector<1x16xf32>,
        %swap3A_384 = vector.shape_cast %swap3A_383 : vector<1x16xf32> to vector<16xf32>
        %swap3A_385 = vector.shape_cast %get3A_380 : vector<16xf32> to vector<1x16xf32>
        tpu.vector_store %arg8[%swap3A_381, %swap3A_382], %swap3A_385 {strides = array<i32>} : memref<80x256xf32, #tpu.memory_space<vmem>>, vector<1x16xf32>,
        %add3A_386 = arith.constant 1 : i32
        %add3A_387 = arith.addi %add3A_332, %add3A_386 : i32
        %get3A_388 = arith.index_cast %add3A_387 : i32 to index
        %get3A_389 = arith.constant 80 : index
        %get3A_390 = tpu.vector_load %arg5[%get3A_388, %get3A_389] {strides = array<i32>} : memref<88x256xf32, #tpu.memory_space<vmem>>, vector<1x16xf32>,
        %get3A_391 = vector.shape_cast %get3A_390 : vector<1x16xf32> to vector<16xf32>
        %swap3A_392 = arith.index_cast %add3A_332 : i32 to index
        %swap3A_393 = arith.constant 80 : index
        %swap3A_394 = tpu.vector_load %arg8[%swap3A_392, %swap3A_393] {strides = array<i32>} : memref<80x256xf32, #tpu.memory_space<vmem>>, vector<1x16xf32>,
        %swap3A_395 = vector.shape_cast %swap3A_394 : vector<1x16xf32> to vector<16xf32>
        %swap3A_396 = vector.shape_cast %get3A_391 : vector<16xf32> to vector<1x16xf32>
        tpu.vector_store %arg8[%swap3A_392, %swap3A_393], %swap3A_396 {strides = array<i32>} : memref<80x256xf32, #tpu.memory_space<vmem>>, vector<1x16xf32>,
        %add3A_397 = arith.constant 1 : i32
        %add3A_398 = arith.addi %add3A_332, %add3A_397 : i32
        %get3A_399 = arith.index_cast %add3A_398 : i32 to index
        %get3A_400 = arith.constant 96 : index
        %get3A_401 = tpu.vector_load %arg5[%get3A_399, %get3A_400] {strides = array<i32>} : memref<88x256xf32, #tpu.memory_space<vmem>>, vector<1x16xf32>,
        %get3A_402 = vector.shape_cast %get3A_401 : vector<1x16xf32> to vector<16xf32>
        %swap3A_403 = arith.index_cast %add3A_332 : i32 to index
        %swap3A_404 = arith.constant 96 : index
        %swap3A_405 = tpu.vector_load %arg8[%swap3A_403, %swap3A_404] {strides = array<i32>} : memref<80x256xf32, #tpu.memory_space<vmem>>, vector<1x16xf32>,
        %swap3A_406 = vector.shape_cast %swap3A_405 : vector<1x16xf32> to vector<16xf32>
        %swap3A_407 = vector.shape_cast %get3A_402 : vector<16xf32> to vector<1x16xf32>
        tpu.vector_store %arg8[%swap3A_403, %swap3A_404], %swap3A_407 {strides = array<i32>} : memref<80x256xf32, #tpu.memory_space<vmem>>, vector<1x16xf32>,
        %add3A_408 = arith.constant 1 : i32
        %add3A_409 = arith.addi %add3A_332, %add3A_408 : i32
        %get3A_410 = arith.index_cast %add3A_409 : i32 to index
        %get3A_411 = arith.constant 112 : index
        %get3A_412 = tpu.vector_load %arg5[%get3A_410, %get3A_411] {strides = array<i32>} : memref<88x256xf32, #tpu.memory_space<vmem>>, vector<1x16xf32>,
        %get3A_413 = vector.shape_cast %get3A_412 : vector<1x16xf32> to vector<16xf32>
        %swap3A_414 = arith.index_cast %add3A_332 : i32 to index
        %swap3A_415 = arith.constant 112 : index
        %swap3A_416 = tpu.vector_load %arg8[%swap3A_414, %swap3A_415] {strides = array<i32>} : memref<80x256xf32, #tpu.memory_space<vmem>>, vector<1x16xf32>,
        %swap3A_417 = vector.shape_cast %swap3A_416 : vector<1x16xf32> to vector<16xf32>
        %swap3A_418 = vector.shape_cast %get3A_413 : vector<16xf32> to vector<1x16xf32>
        tpu.vector_store %arg8[%swap3A_414, %swap3A_415], %swap3A_418 {strides = array<i32>} : memref<80x256xf32, #tpu.memory_space<vmem>>, vector<1x16xf32>,
        %add3A_419 = arith.constant 1 : i32
        %add3A_420 = arith.addi %add3A_332, %add3A_419 : i32
        %get3A_421 = arith.index_cast %add3A_420 : i32 to index
        %get3A_422 = arith.constant 128 : index
        %get3A_423 = tpu.vector_load %arg5[%get3A_421, %get3A_422] {strides = array<i32>} : memref<88x256xf32, #tpu.memory_space<vmem>>, vector<1x16xf32>,
        %get3A_424 = vector.shape_cast %get3A_423 : vector<1x16xf32> to vector<16xf32>
        %swap3A_425 = arith.index_cast %add3A_332 : i32 to index
        %swap3A_426 = arith.constant 128 : index
        %swap3A_427 = tpu.vector_load %arg8[%swap3A_425, %swap3A_426] {strides = array<i32>} : memref<80x256xf32, #tpu.memory_space<vmem>>, vector<1x16xf32>,
        %swap3A_428 = vector.shape_cast %swap3A_427 : vector<1x16xf32> to vector<16xf32>
        %swap3A_429 = vector.shape_cast %get3A_424 : vector<16xf32> to vector<1x16xf32>
        tpu.vector_store %arg8[%swap3A_425, %swap3A_426], %swap3A_429 {strides = array<i32>} : memref<80x256xf32, #tpu.memory_space<vmem>>, vector<1x16xf32>,
        %add3A_430 = arith.constant 1 : i32
        %add3A_431 = arith.addi %add3A_332, %add3A_430 : i32
        %get3A_432 = arith.index_cast %add3A_431 : i32 to index
        %get3A_433 = arith.constant 144 : index
        %get3A_434 = tpu.vector_load %arg5[%get3A_432, %get3A_433] {strides = array<i32>} : memref<88x256xf32, #tpu.memory_space<vmem>>, vector<1x16xf32>,
        %get3A_435 = vector.shape_cast %get3A_434 : vector<1x16xf32> to vector<16xf32>
        %swap3A_436 = arith.index_cast %add3A_332 : i32 to index
        %swap3A_437 = arith.constant 144 : index
        %swap3A_438 = tpu.vector_load %arg8[%swap3A_436, %swap3A_437] {strides = array<i32>} : memref<80x256xf32, #tpu.memory_space<vmem>>, vector<1x16xf32>,
        %swap3A_439 = vector.shape_cast %swap3A_438 : vector<1x16xf32> to vector<16xf32>
        %swap3A_440 = vector.shape_cast %get3A_435 : vector<16xf32> to vector<1x16xf32>
        tpu.vector_store %arg8[%swap3A_436, %swap3A_437], %swap3A_440 {strides = array<i32>} : memref<80x256xf32, #tpu.memory_space<vmem>>, vector<1x16xf32>,
        %add3A_441 = arith.constant 1 : i32
        %add3A_442 = arith.addi %add3A_332, %add3A_441 : i32
        %get3A_443 = arith.index_cast %add3A_442 : i32 to index
        %get3A_444 = arith.constant 160 : index
        %get3A_445 = tpu.vector_load %arg5[%get3A_443, %get3A_444] {strides = array<i32>} : memref<88x256xf32, #tpu.memory_space<vmem>>, vector<1x16xf32>,
        %get3A_446 = vector.shape_cast %get3A_445 : vector<1x16xf32> to vector<16xf32>
        %swap3A_447 = arith.index_cast %add3A_332 : i32 to index
        %swap3A_448 = arith.constant 160 : index
        %swap3A_449 = tpu.vector_load %arg8[%swap3A_447, %swap3A_448] {strides = array<i32>} : memref<80x256xf32, #tpu.memory_space<vmem>>, vector<1x16xf32>,
        %swap3A_450 = vector.shape_cast %swap3A_449 : vector<1x16xf32> to vector<16xf32>
        %swap3A_451 = vector.shape_cast %get3A_446 : vector<16xf32> to vector<1x16xf32>
        tpu.vector_store %arg8[%swap3A_447, %swap3A_448], %swap3A_451 {strides = array<i32>} : memref<80x256xf32, #tpu.memory_space<vmem>>, vector<1x16xf32>,
        %add3A_452 = arith.constant 1 : i32
        %add3A_453 = arith.addi %add3A_332, %add3A_452 : i32
        %get3A_454 = arith.index_cast %add3A_453 : i32 to index
        %get3A_455 = arith.constant 176 : index
        %get3A_456 = tpu.vector_load %arg5[%get3A_454, %get3A_455] {strides = array<i32>} : memref<88x256xf32, #tpu.memory_space<vmem>>, vector<1x16xf32>,
        %get3A_457 = vector.shape_cast %get3A_456 : vector<1x16xf32> to vector<16xf32>
        %swap3A_458 = arith.index_cast %add3A_332 : i32 to index
        %swap3A_459 = arith.constant 176 : index
        %swap3A_460 = tpu.vector_load %arg8[%swap3A_458, %swap3A_459] {strides = array<i32>} : memref<80x256xf32, #tpu.memory_space<vmem>>, vector<1x16xf32>,
        %swap3A_461 = vector.shape_cast %swap3A_460 : vector<1x16xf32> to vector<16xf32>
        %swap3A_462 = vector.shape_cast %get3A_457 : vector<16xf32> to vector<1x16xf32>
        tpu.vector_store %arg8[%swap3A_458, %swap3A_459], %swap3A_462 {strides = array<i32>} : memref<80x256xf32, #tpu.memory_space<vmem>>, vector<1x16xf32>,
        %add3A_463 = arith.constant 1 : i32
        %add3A_464 = arith.addi %add3A_332, %add3A_463 : i32
        %get3A_465 = arith.index_cast %add3A_464 : i32 to index
        %get3A_466 = arith.constant 192 : index
        %get3A_467 = tpu.vector_load %arg5[%get3A_465, %get3A_466] {strides = array<i32>} : memref<88x256xf32, #tpu.memory_space<vmem>>, vector<1x16xf32>,
        %get3A_468 = vector.shape_cast %get3A_467 : vector<1x16xf32> to vector<16xf32>
        %swap3A_469 = arith.index_cast %add3A_332 : i32 to index
        %swap3A_470 = arith.constant 192 : index
        %swap3A_471 = tpu.vector_load %arg8[%swap3A_469, %swap3A_470] {strides = array<i32>} : memref<80x256xf32, #tpu.memory_space<vmem>>, vector<1x16xf32>,
        %swap3A_472 = vector.shape_cast %swap3A_471 : vector<1x16xf32> to vector<16xf32>
        %swap3A_473 = vector.shape_cast %get3A_468 : vector<16xf32> to vector<1x16xf32>
        tpu.vector_store %arg8[%swap3A_469, %swap3A_470], %swap3A_473 {strides = array<i32>} : memref<80x256xf32, #tpu.memory_space<vmem>>, vector<1x16xf32>,
        %add3A_474 = arith.constant 1 : i32
        %add3A_475 = arith.addi %add3A_332, %add3A_474 : i32
        %get3A_476 = arith.index_cast %add3A_475 : i32 to index
        %get3A_477 = arith.constant 208 : index
        %get3A_478 = tpu.vector_load %arg5[%get3A_476, %get3A_477] {strides = array<i32>} : memref<88x256xf32, #tpu.memory_space<vmem>>, vector<1x16xf32>,
        %get3A_479 = vector.shape_cast %get3A_478 : vector<1x16xf32> to vector<16xf32>
        %swap3A_480 = arith.index_cast %add3A_332 : i32 to index
        %swap3A_481 = arith.constant 208 : index
        %swap3A_482 = tpu.vector_load %arg8[%swap3A_480, %swap3A_481] {strides = array<i32>} : memref<80x256xf32, #tpu.memory_space<vmem>>, vector<1x16xf32>,
        %swap3A_483 = vector.shape_cast %swap3A_482 : vector<1x16xf32> to vector<16xf32>
        %swap3A_484 = vector.shape_cast %get3A_479 : vector<16xf32> to vector<1x16xf32>
        tpu.vector_store %arg8[%swap3A_480, %swap3A_481], %swap3A_484 {strides = array<i32>} : memref<80x256xf32, #tpu.memory_space<vmem>>, vector<1x16xf32>,
        %add3A_485 = arith.constant 1 : i32
        %add3A_486 = arith.addi %add3A_332, %add3A_485 : i32
        %get3A_487 = arith.index_cast %add3A_486 : i32 to index
        %get3A_488 = arith.constant 224 : index
        %get3A_489 = tpu.vector_load %arg5[%get3A_487, %get3A_488] {strides = array<i32>} : memref<88x256xf32, #tpu.memory_space<vmem>>, vector<1x16xf32>,
        %get3A_490 = vector.shape_cast %get3A_489 : vector<1x16xf32> to vector<16xf32>
        %swap3A_491 = arith.index_cast %add3A_332 : i32 to index
        %swap3A_492 = arith.constant 224 : index
        %swap3A_493 = tpu.vector_load %arg8[%swap3A_491, %swap3A_492] {strides = array<i32>} : memref<80x256xf32, #tpu.memory_space<vmem>>, vector<1x16xf32>,
        %swap3A_494 = vector.shape_cast %swap3A_493 : vector<1x16xf32> to vector<16xf32>
        %swap3A_495 = vector.shape_cast %get3A_490 : vector<16xf32> to vector<1x16xf32>
        tpu.vector_store %arg8[%swap3A_491, %swap3A_492], %swap3A_495 {strides = array<i32>} : memref<80x256xf32, #tpu.memory_space<vmem>>, vector<1x16xf32>,
        %add3A_496 = arith.constant 1 : i32
        %add3A_497 = arith.addi %add3A_332, %add3A_496 : i32
        %get3A_498 = arith.index_cast %add3A_497 : i32 to index
        %get3A_499 = arith.constant 240 : index
        %get3A_500 = tpu.vector_load %arg5[%get3A_498, %get3A_499] {strides = array<i32>} : memref<88x256xf32, #tpu.memory_space<vmem>>, vector<1x16xf32>,
        %get3A_501 = vector.shape_cast %get3A_500 : vector<1x16xf32> to vector<16xf32>
        %swap3A_502 = arith.index_cast %add3A_332 : i32 to index
        %swap3A_503 = arith.constant 240 : index
        %swap3A_504 = tpu.vector_load %arg8[%swap3A_502, %swap3A_503] {strides = array<i32>} : memref<80x256xf32, #tpu.memory_space<vmem>>, vector<1x16xf32>,
        %swap3A_505 = vector.shape_cast %swap3A_504 : vector<1x16xf32> to vector<16xf32>
        %swap3A_506 = vector.shape_cast %get3A_501 : vector<16xf32> to vector<1x16xf32>
        tpu.vector_store %arg8[%swap3A_502, %swap3A_503], %swap3A_506 {strides = array<i32>} : memref<80x256xf32, #tpu.memory_space<vmem>>, vector<1x16xf32>,
      }
      %scan3A_210 = arith.constant 80 : i32
      %dma_start3A_211 = arith.constant 1 : i32
      %dma_start3A_212 = arith.constant 6 : i32
      %dma_start3A_213 = arith.constant 0 : i32
      %dma_start3A_214 = arith.constant 0 : i32
      %dma_start3A_215 = tpu.memref_slice %arg8[%dma_start3A_213, %dma_start3A_214] : memref<80x256xf32, #tpu.memory_space<vmem>> -> memref<80x256xf32, #tpu.memory_space<vmem>>
      %dma_start3A_216 = tpu.memref_slice %arg3[%dma_start3A_211, %add3A_129, %add3A_10] : memref<3x1600x16384xf32, #tpu.memory_space<hbm>> -> memref<1x80x256xf32, #tpu.memory_space<hbm>>
      %dma_start3A_217 = tpu.memref_squeeze %dma_start3A_216 : memref<1x80x256xf32, #tpu.memory_space<hbm>> -> memref<80x256xf32, #tpu.memory_space<hbm>>
      %dma_start3A_218 = tpu.memref_slice %arg10[%dma_start3A_212] : memref<8x!tpu.dma_semaphore, #tpu.memory_space<semaphore_mem>> -> memref<1x!tpu.dma_semaphore, #tpu.memory_space<semaphore_mem>>
      %dma_start3A_219 = tpu.memref_squeeze %dma_start3A_218 : memref<1x!tpu.dma_semaphore, #tpu.memory_space<semaphore_mem>> -> memref<!tpu.dma_semaphore, #tpu.memory_space<semaphore_mem>>
      %dma_start3A_220 = tpu.memref_slice %arg3[%dma_start3A_211, %add3A_129, %add3A_10] : memref<3x1600x16384xf32, #tpu.memory_space<hbm>> -> memref<1x80x256xf32, #tpu.memory_space<hbm>>
      %dma_start3A_221 = tpu.memref_squeeze %dma_start3A_220 : memref<1x80x256xf32, #tpu.memory_space<hbm>> -> memref<80x256xf32, #tpu.memory_space<hbm>>
      %dma_start3A_222 = arith.constant 0 : i32
      %dma_start3A_223 = arith.constant 0 : i32
      %dma_start3A_224 = tpu.memref_slice %arg8[%dma_start3A_222, %dma_start3A_223] : memref<80x256xf32, #tpu.memory_space<vmem>> -> memref<80x256xf32, #tpu.memory_space<vmem>>
      tpu.enqueue_dma source(%dma_start3A_224 : memref<80x256xf32, #tpu.memory_space<vmem>>) target(%dma_start3A_221 : memref<80x256xf32, #tpu.memory_space<hbm>>) target_semaphore(%dma_start3A_219 : memref<!tpu.dma_semaphore, #tpu.memory_space<semaphore_mem>>)
      %scan3A_225 = arith.constant 0 : i32
      %scan3A_226 = arith.constant 80 : i32
      %scan3A_227 = arith.addi %scan3A_225, %scan3A_226 : i32
      %scan3A_228 = arith.constant 1 : i32
      scf.for %scan3A_328 = %scan3A_225 to %scan3A_227 step %scan3A_228  : i32 {
        %mul3A_329 = arith.constant 1 : i32
        %mul3A_330 = arith.muli %scan3A_328, %mul3A_329 : i32
        %add3A_331 = arith.constant 0 : i32
        %add3A_332 = arith.addi %add3A_331, %mul3A_330 : i32
        %add3A_333 = arith.constant 3 : i32
        %add3A_334 = arith.addi %add3A_332, %add3A_333 : i32
        %get3A = arith.index_cast %add3A_334 : i32 to index
        %get3A_335 = arith.constant 0 : index
        %get3A_336 = tpu.vector_load %arg5[%get3A, %get3A_335] {strides = array<i32>} : memref<88x256xf32, #tpu.memory_space<vmem>>, vector<1x16xf32>,
        %get3A_337 = vector.shape_cast %get3A_336 : vector<1x16xf32> to vector<16xf32>
        %swap3A = arith.index_cast %add3A_332 : i32 to index
        %swap3A_338 = arith.constant 0 : index
        %swap3A_339 = tpu.vector_load %arg9[%swap3A, %swap3A_338] {strides = array<i32>} : memref<80x256xf32, #tpu.memory_space<vmem>>, vector<1x16xf32>,
        %swap3A_340 = vector.shape_cast %swap3A_339 : vector<1x16xf32> to vector<16xf32>
        %swap3A_341 = vector.shape_cast %get3A_337 : vector<16xf32> to vector<1x16xf32>
        tpu.vector_store %arg9[%swap3A, %swap3A_338], %swap3A_341 {strides = array<i32>} : memref<80x256xf32, #tpu.memory_space<vmem>>, vector<1x16xf32>,
        %add3A_342 = arith.constant 3 : i32
        %add3A_343 = arith.addi %add3A_332, %add3A_342 : i32
        %get3A_344 = arith.index_cast %add3A_343 : i32 to index
        %get3A_345 = arith.constant 16 : index
        %get3A_346 = tpu.vector_load %arg5[%get3A_344, %get3A_345] {strides = array<i32>} : memref<88x256xf32, #tpu.memory_space<vmem>>, vector<1x16xf32>,
        %get3A_347 = vector.shape_cast %get3A_346 : vector<1x16xf32> to vector<16xf32>
        %swap3A_348 = arith.index_cast %add3A_332 : i32 to index
        %swap3A_349 = arith.constant 16 : index
        %swap3A_350 = tpu.vector_load %arg9[%swap3A_348, %swap3A_349] {strides = array<i32>} : memref<80x256xf32, #tpu.memory_space<vmem>>, vector<1x16xf32>,
        %swap3A_351 = vector.shape_cast %swap3A_350 : vector<1x16xf32> to vector<16xf32>
        %swap3A_352 = vector.shape_cast %get3A_347 : vector<16xf32> to vector<1x16xf32>
        tpu.vector_store %arg9[%swap3A_348, %swap3A_349], %swap3A_352 {strides = array<i32>} : memref<80x256xf32, #tpu.memory_space<vmem>>, vector<1x16xf32>,
        %add3A_353 = arith.constant 3 : i32
        %add3A_354 = arith.addi %add3A_332, %add3A_353 : i32
        %get3A_355 = arith.index_cast %add3A_354 : i32 to index
        %get3A_356 = arith.constant 32 : index
        %get3A_357 = tpu.vector_load %arg5[%get3A_355, %get3A_356] {strides = array<i32>} : memref<88x256xf32, #tpu.memory_space<vmem>>, vector<1x16xf32>,
        %get3A_358 = vector.shape_cast %get3A_357 : vector<1x16xf32> to vector<16xf32>
        %swap3A_359 = arith.index_cast %add3A_332 : i32 to index
        %swap3A_360 = arith.constant 32 : index
        %swap3A_361 = tpu.vector_load %arg9[%swap3A_359, %swap3A_360] {strides = array<i32>} : memref<80x256xf32, #tpu.memory_space<vmem>>, vector<1x16xf32>,
        %swap3A_362 = vector.shape_cast %swap3A_361 : vector<1x16xf32> to vector<16xf32>
        %swap3A_363 = vector.shape_cast %get3A_358 : vector<16xf32> to vector<1x16xf32>
        tpu.vector_store %arg9[%swap3A_359, %swap3A_360], %swap3A_363 {strides = array<i32>} : memref<80x256xf32, #tpu.memory_space<vmem>>, vector<1x16xf32>,
        %add3A_364 = arith.constant 3 : i32
        %add3A_365 = arith.addi %add3A_332, %add3A_364 : i32
        %get3A_366 = arith.index_cast %add3A_365 : i32 to index
        %get3A_367 = arith.constant 48 : index
        %get3A_368 = tpu.vector_load %arg5[%get3A_366, %get3A_367] {strides = array<i32>} : memref<88x256xf32, #tpu.memory_space<vmem>>, vector<1x16xf32>,
        %get3A_369 = vector.shape_cast %get3A_368 : vector<1x16xf32> to vector<16xf32>
        %swap3A_370 = arith.index_cast %add3A_332 : i32 to index
        %swap3A_371 = arith.constant 48 : index
        %swap3A_372 = tpu.vector_load %arg9[%swap3A_370, %swap3A_371] {strides = array<i32>} : memref<80x256xf32, #tpu.memory_space<vmem>>, vector<1x16xf32>,
        %swap3A_373 = vector.shape_cast %swap3A_372 : vector<1x16xf32> to vector<16xf32>
        %swap3A_374 = vector.shape_cast %get3A_369 : vector<16xf32> to vector<1x16xf32>
        tpu.vector_store %arg9[%swap3A_370, %swap3A_371], %swap3A_374 {strides = array<i32>} : memref<80x256xf32, #tpu.memory_space<vmem>>, vector<1x16xf32>,
        %add3A_375 = arith.constant 3 : i32
        %add3A_376 = arith.addi %add3A_332, %add3A_375 : i32
        %get3A_377 = arith.index_cast %add3A_376 : i32 to index
        %get3A_378 = arith.constant 64 : index
        %get3A_379 = tpu.vector_load %arg5[%get3A_377, %get3A_378] {strides = array<i32>} : memref<88x256xf32, #tpu.memory_space<vmem>>, vector<1x16xf32>,
        %get3A_380 = vector.shape_cast %get3A_379 : vector<1x16xf32> to vector<16xf32>
        %swap3A_381 = arith.index_cast %add3A_332 : i32 to index
        %swap3A_382 = arith.constant 64 : index
        %swap3A_383 = tpu.vector_load %arg9[%swap3A_381, %swap3A_382] {strides = array<i32>} : memref<80x256xf32, #tpu.memory_space<vmem>>, vector<1x16xf32>,
        %swap3A_384 = vector.shape_cast %swap3A_383 : vector<1x16xf32> to vector<16xf32>
        %swap3A_385 = vector.shape_cast %get3A_380 : vector<16xf32> to vector<1x16xf32>
        tpu.vector_store %arg9[%swap3A_381, %swap3A_382], %swap3A_385 {strides = array<i32>} : memref<80x256xf32, #tpu.memory_space<vmem>>, vector<1x16xf32>,
        %add3A_386 = arith.constant 3 : i32
        %add3A_387 = arith.addi %add3A_332, %add3A_386 : i32
        %get3A_388 = arith.index_cast %add3A_387 : i32 to index
        %get3A_389 = arith.constant 80 : index
        %get3A_390 = tpu.vector_load %arg5[%get3A_388, %get3A_389] {strides = array<i32>} : memref<88x256xf32, #tpu.memory_space<vmem>>, vector<1x16xf32>,
        %get3A_391 = vector.shape_cast %get3A_390 : vector<1x16xf32> to vector<16xf32>
        %swap3A_392 = arith.index_cast %add3A_332 : i32 to index
        %swap3A_393 = arith.constant 80 : index
        %swap3A_394 = tpu.vector_load %arg9[%swap3A_392, %swap3A_393] {strides = array<i32>} : memref<80x256xf32, #tpu.memory_space<vmem>>, vector<1x16xf32>,
        %swap3A_395 = vector.shape_cast %swap3A_394 : vector<1x16xf32> to vector<16xf32>
        %swap3A_396 = vector.shape_cast %get3A_391 : vector<16xf32> to vector<1x16xf32>
        tpu.vector_store %arg9[%swap3A_392, %swap3A_393], %swap3A_396 {strides = array<i32>} : memref<80x256xf32, #tpu.memory_space<vmem>>, vector<1x16xf32>,
        %add3A_397 = arith.constant 3 : i32
        %add3A_398 = arith.addi %add3A_332, %add3A_397 : i32
        %get3A_399 = arith.index_cast %add3A_398 : i32 to index
        %get3A_400 = arith.constant 96 : index
        %get3A_401 = tpu.vector_load %arg5[%get3A_399, %get3A_400] {strides = array<i32>} : memref<88x256xf32, #tpu.memory_space<vmem>>, vector<1x16xf32>,
        %get3A_402 = vector.shape_cast %get3A_401 : vector<1x16xf32> to vector<16xf32>
        %swap3A_403 = arith.index_cast %add3A_332 : i32 to index
        %swap3A_404 = arith.constant 96 : index
        %swap3A_405 = tpu.vector_load %arg9[%swap3A_403, %swap3A_404] {strides = array<i32>} : memref<80x256xf32, #tpu.memory_space<vmem>>, vector<1x16xf32>,
        %swap3A_406 = vector.shape_cast %swap3A_405 : vector<1x16xf32> to vector<16xf32>
        %swap3A_407 = vector.shape_cast %get3A_402 : vector<16xf32> to vector<1x16xf32>
        tpu.vector_store %arg9[%swap3A_403, %swap3A_404], %swap3A_407 {strides = array<i32>} : memref<80x256xf32, #tpu.memory_space<vmem>>, vector<1x16xf32>,
        %add3A_408 = arith.constant 3 : i32
        %add3A_409 = arith.addi %add3A_332, %add3A_408 : i32
        %get3A_410 = arith.index_cast %add3A_409 : i32 to index
        %get3A_411 = arith.constant 112 : index
        %get3A_412 = tpu.vector_load %arg5[%get3A_410, %get3A_411] {strides = array<i32>} : memref<88x256xf32, #tpu.memory_space<vmem>>, vector<1x16xf32>,
        %get3A_413 = vector.shape_cast %get3A_412 : vector<1x16xf32> to vector<16xf32>
        %swap3A_414 = arith.index_cast %add3A_332 : i32 to index
        %swap3A_415 = arith.constant 112 : index
        %swap3A_416 = tpu.vector_load %arg9[%swap3A_414, %swap3A_415] {strides = array<i32>} : memref<80x256xf32, #tpu.memory_space<vmem>>, vector<1x16xf32>,
        %swap3A_417 = vector.shape_cast %swap3A_416 : vector<1x16xf32> to vector<16xf32>
        %swap3A_418 = vector.shape_cast %get3A_413 : vector<16xf32> to vector<1x16xf32>
        tpu.vector_store %arg9[%swap3A_414, %swap3A_415], %swap3A_418 {strides = array<i32>} : memref<80x256xf32, #tpu.memory_space<vmem>>, vector<1x16xf32>,
        %add3A_419 = arith.constant 3 : i32
        %add3A_420 = arith.addi %add3A_332, %add3A_419 : i32
        %get3A_421 = arith.index_cast %add3A_420 : i32 to index
        %get3A_422 = arith.constant 128 : index
        %get3A_423 = tpu.vector_load %arg5[%get3A_421, %get3A_422] {strides = array<i32>} : memref<88x256xf32, #tpu.memory_space<vmem>>, vector<1x16xf32>,
        %get3A_424 = vector.shape_cast %get3A_423 : vector<1x16xf32> to vector<16xf32>
        %swap3A_425 = arith.index_cast %add3A_332 : i32 to index
        %swap3A_426 = arith.constant 128 : index
        %swap3A_427 = tpu.vector_load %arg9[%swap3A_425, %swap3A_426] {strides = array<i32>} : memref<80x256xf32, #tpu.memory_space<vmem>>, vector<1x16xf32>,
        %swap3A_428 = vector.shape_cast %swap3A_427 : vector<1x16xf32> to vector<16xf32>
        %swap3A_429 = vector.shape_cast %get3A_424 : vector<16xf32> to vector<1x16xf32>
        tpu.vector_store %arg9[%swap3A_425, %swap3A_426], %swap3A_429 {strides = array<i32>} : memref<80x256xf32, #tpu.memory_space<vmem>>, vector<1x16xf32>,
        %add3A_430 = arith.constant 3 : i32
        %add3A_431 = arith.addi %add3A_332, %add3A_430 : i32
        %get3A_432 = arith.index_cast %add3A_431 : i32 to index
        %get3A_433 = arith.constant 144 : index
        %get3A_434 = tpu.vector_load %arg5[%get3A_432, %get3A_433] {strides = array<i32>} : memref<88x256xf32, #tpu.memory_space<vmem>>, vector<1x16xf32>,
        %get3A_435 = vector.shape_cast %get3A_434 : vector<1x16xf32> to vector<16xf32>
        %swap3A_436 = arith.index_cast %add3A_332 : i32 to index
        %swap3A_437 = arith.constant 144 : index
        %swap3A_438 = tpu.vector_load %arg9[%swap3A_436, %swap3A_437] {strides = array<i32>} : memref<80x256xf32, #tpu.memory_space<vmem>>, vector<1x16xf32>,
        %swap3A_439 = vector.shape_cast %swap3A_438 : vector<1x16xf32> to vector<16xf32>
        %swap3A_440 = vector.shape_cast %get3A_435 : vector<16xf32> to vector<1x16xf32>
        tpu.vector_store %arg9[%swap3A_436, %swap3A_437], %swap3A_440 {strides = array<i32>} : memref<80x256xf32, #tpu.memory_space<vmem>>, vector<1x16xf32>,
        %add3A_441 = arith.constant 3 : i32
        %add3A_442 = arith.addi %add3A_332, %add3A_441 : i32
        %get3A_443 = arith.index_cast %add3A_442 : i32 to index
        %get3A_444 = arith.constant 160 : index
        %get3A_445 = tpu.vector_load %arg5[%get3A_443, %get3A_444] {strides = array<i32>} : memref<88x256xf32, #tpu.memory_space<vmem>>, vector<1x16xf32>,
        %get3A_446 = vector.shape_cast %get3A_445 : vector<1x16xf32> to vector<16xf32>
        %swap3A_447 = arith.index_cast %add3A_332 : i32 to index
        %swap3A_448 = arith.constant 160 : index
        %swap3A_449 = tpu.vector_load %arg9[%swap3A_447, %swap3A_448] {strides = array<i32>} : memref<80x256xf32, #tpu.memory_space<vmem>>, vector<1x16xf32>,
        %swap3A_450 = vector.shape_cast %swap3A_449 : vector<1x16xf32> to vector<16xf32>
        %swap3A_451 = vector.shape_cast %get3A_446 : vector<16xf32> to vector<1x16xf32>
        tpu.vector_store %arg9[%swap3A_447, %swap3A_448], %swap3A_451 {strides = array<i32>} : memref<80x256xf32, #tpu.memory_space<vmem>>, vector<1x16xf32>,
        %add3A_452 = arith.constant 3 : i32
        %add3A_453 = arith.addi %add3A_332, %add3A_452 : i32
        %get3A_454 = arith.index_cast %add3A_453 : i32 to index
        %get3A_455 = arith.constant 176 : index
        %get3A_456 = tpu.vector_load %arg5[%get3A_454, %get3A_455] {strides = array<i32>} : memref<88x256xf32, #tpu.memory_space<vmem>>, vector<1x16xf32>,
        %get3A_457 = vector.shape_cast %get3A_456 : vector<1x16xf32> to vector<16xf32>
        %swap3A_458 = arith.index_cast %add3A_332 : i32 to index
        %swap3A_459 = arith.constant 176 : index
        %swap3A_460 = tpu.vector_load %arg9[%swap3A_458, %swap3A_459] {strides = array<i32>} : memref<80x256xf32, #tpu.memory_space<vmem>>, vector<1x16xf32>,
        %swap3A_461 = vector.shape_cast %swap3A_460 : vector<1x16xf32> to vector<16xf32>
        %swap3A_462 = vector.shape_cast %get3A_457 : vector<16xf32> to vector<1x16xf32>
        tpu.vector_store %arg9[%swap3A_458, %swap3A_459], %swap3A_462 {strides = array<i32>} : memref<80x256xf32, #tpu.memory_space<vmem>>, vector<1x16xf32>,
        %add3A_463 = arith.constant 3 : i32
        %add3A_464 = arith.addi %add3A_332, %add3A_463 : i32
        %get3A_465 = arith.index_cast %add3A_464 : i32 to index
        %get3A_466 = arith.constant 192 : index
        %get3A_467 = tpu.vector_load %arg5[%get3A_465, %get3A_466] {strides = array<i32>} : memref<88x256xf32, #tpu.memory_space<vmem>>, vector<1x16xf32>,
        %get3A_468 = vector.shape_cast %get3A_467 : vector<1x16xf32> to vector<16xf32>
        %swap3A_469 = arith.index_cast %add3A_332 : i32 to index
        %swap3A_470 = arith.constant 192 : index
        %swap3A_471 = tpu.vector_load %arg9[%swap3A_469, %swap3A_470] {strides = array<i32>} : memref<80x256xf32, #tpu.memory_space<vmem>>, vector<1x16xf32>,
        %swap3A_472 = vector.shape_cast %swap3A_471 : vector<1x16xf32> to vector<16xf32>
        %swap3A_473 = vector.shape_cast %get3A_468 : vector<16xf32> to vector<1x16xf32>
        tpu.vector_store %arg9[%swap3A_469, %swap3A_470], %swap3A_473 {strides = array<i32>} : memref<80x256xf32, #tpu.memory_space<vmem>>, vector<1x16xf32>,
        %add3A_474 = arith.constant 3 : i32
        %add3A_475 = arith.addi %add3A_332, %add3A_474 : i32
        %get3A_476 = arith.index_cast %add3A_475 : i32 to index
        %get3A_477 = arith.constant 208 : index
        %get3A_478 = tpu.vector_load %arg5[%get3A_476, %get3A_477] {strides = array<i32>} : memref<88x256xf32, #tpu.memory_space<vmem>>, vector<1x16xf32>,
        %get3A_479 = vector.shape_cast %get3A_478 : vector<1x16xf32> to vector<16xf32>
        %swap3A_480 = arith.index_cast %add3A_332 : i32 to index
        %swap3A_481 = arith.constant 208 : index
        %swap3A_482 = tpu.vector_load %arg9[%swap3A_480, %swap3A_481] {strides = array<i32>} : memref<80x256xf32, #tpu.memory_space<vmem>>, vector<1x16xf32>,
        %swap3A_483 = vector.shape_cast %swap3A_482 : vector<1x16xf32> to vector<16xf32>
        %swap3A_484 = vector.shape_cast %get3A_479 : vector<16xf32> to vector<1x16xf32>
        tpu.vector_store %arg9[%swap3A_480, %swap3A_481], %swap3A_484 {strides = array<i32>} : memref<80x256xf32, #tpu.memory_space<vmem>>, vector<1x16xf32>,
        %add3A_485 = arith.constant 3 : i32
        %add3A_486 = arith.addi %add3A_332, %add3A_485 : i32
        %get3A_487 = arith.index_cast %add3A_486 : i32 to index
        %get3A_488 = arith.constant 224 : index
        %get3A_489 = tpu.vector_load %arg5[%get3A_487, %get3A_488] {strides = array<i32>} : memref<88x256xf32, #tpu.memory_space<vmem>>, vector<1x16xf32>,
        %get3A_490 = vector.shape_cast %get3A_489 : vector<1x16xf32> to vector<16xf32>
        %swap3A_491 = arith.index_cast %add3A_332 : i32 to index
        %swap3A_492 = arith.constant 224 : index
        %swap3A_493 = tpu.vector_load %arg9[%swap3A_491, %swap3A_492] {strides = array<i32>} : memref<80x256xf32, #tpu.memory_space<vmem>>, vector<1x16xf32>,
        %swap3A_494 = vector.shape_cast %swap3A_493 : vector<1x16xf32> to vector<16xf32>
        %swap3A_495 = vector.shape_cast %get3A_490 : vector<16xf32> to vector<1x16xf32>
        tpu.vector_store %arg9[%swap3A_491, %swap3A_492], %swap3A_495 {strides = array<i32>} : memref<80x256xf32, #tpu.memory_space<vmem>>, vector<1x16xf32>,
        %add3A_496 = arith.constant 3 : i32
        %add3A_497 = arith.addi %add3A_332, %add3A_496 : i32
        %get3A_498 = arith.index_cast %add3A_497 : i32 to index
        %get3A_499 = arith.constant 240 : index
        %get3A_500 = tpu.vector_load %arg5[%get3A_498, %get3A_499] {strides = array<i32>} : memref<88x256xf32, #tpu.memory_space<vmem>>, vector<1x16xf32>,
        %get3A_501 = vector.shape_cast %get3A_500 : vector<1x16xf32> to vector<16xf32>
        %swap3A_502 = arith.index_cast %add3A_332 : i32 to index
        %swap3A_503 = arith.constant 240 : index
        %swap3A_504 = tpu.vector_load %arg9[%swap3A_502, %swap3A_503] {strides = array<i32>} : memref<80x256xf32, #tpu.memory_space<vmem>>, vector<1x16xf32>,
        %swap3A_505 = vector.shape_cast %swap3A_504 : vector<1x16xf32> to vector<16xf32>
        %swap3A_506 = vector.shape_cast %get3A_501 : vector<16xf32> to vector<1x16xf32>
        tpu.vector_store %arg9[%swap3A_502, %swap3A_503], %swap3A_506 {strides = array<i32>} : memref<80x256xf32, #tpu.memory_space<vmem>>, vector<1x16xf32>,
      }
      %scan3A_229 = arith.constant 80 : i32
      %dma_start3A_230 = arith.constant 2 : i32
      %dma_start3A_231 = arith.constant 7 : i32
      %dma_start3A_232 = arith.constant 0 : i32
      %dma_start3A_233 = arith.constant 0 : i32
      %dma_start3A_234 = tpu.memref_slice %arg9[%dma_start3A_232, %dma_start3A_233] : memref<80x256xf32, #tpu.memory_space<vmem>> -> memref<80x256xf32, #tpu.memory_space<vmem>>
      %dma_start3A_235 = tpu.memref_slice %arg3[%dma_start3A_230, %add3A_129, %add3A_10] : memref<3x1600x16384xf32, #tpu.memory_space<hbm>> -> memref<1x80x256xf32, #tpu.memory_space<hbm>>
      %dma_start3A_236 = tpu.memref_squeeze %dma_start3A_235 : memref<1x80x256xf32, #tpu.memory_space<hbm>> -> memref<80x256xf32, #tpu.memory_space<hbm>>
      %dma_start3A_237 = tpu.memref_slice %arg10[%dma_start3A_231] : memref<8x!tpu.dma_semaphore, #tpu.memory_space<semaphore_mem>> -> memref<1x!tpu.dma_semaphore, #tpu.memory_space<semaphore_mem>>
      %dma_start3A_238 = tpu.memref_squeeze %dma_start3A_237 : memref<1x!tpu.dma_semaphore, #tpu.memory_space<semaphore_mem>> -> memref<!tpu.dma_semaphore, #tpu.memory_space<semaphore_mem>>
      %dma_start3A_239 = tpu.memref_slice %arg3[%dma_start3A_230, %add3A_129, %add3A_10] : memref<3x1600x16384xf32, #tpu.memory_space<hbm>> -> memref<1x80x256xf32, #tpu.memory_space<hbm>>
      %dma_start3A_240 = tpu.memref_squeeze %dma_start3A_239 : memref<1x80x256xf32, #tpu.memory_space<hbm>> -> memref<80x256xf32, #tpu.memory_space<hbm>>
      %dma_start3A_241 = arith.constant 0 : i32
      %dma_start3A_242 = arith.constant 0 : i32
      %dma_start3A_243 = tpu.memref_slice %arg9[%dma_start3A_241, %dma_start3A_242] : memref<80x256xf32, #tpu.memory_space<vmem>> -> memref<80x256xf32, #tpu.memory_space<vmem>>
      tpu.enqueue_dma source(%dma_start3A_243 : memref<80x256xf32, #tpu.memory_space<vmem>>) target(%dma_start3A_240 : memref<80x256xf32, #tpu.memory_space<hbm>>) target_semaphore(%dma_start3A_238 : memref<!tpu.dma_semaphore, #tpu.memory_space<semaphore_mem>>)
      %dma_wait3A_244 = arith.constant 0 : i32
      %dma_wait3A_245 = arith.constant 2 : i32
      %dma_wait3A_246 = arith.constant 0 : i32
      %dma_wait3A_247 = arith.constant 0 : i32
      %dma_wait3A_248 = tpu.memref_slice %arg4[%dma_wait3A_246, %dma_wait3A_247] : memref<88x256xf32, #tpu.memory_space<vmem>> -> memref<80x256xf32, #tpu.memory_space<vmem>>
      %dma_wait3A_249 = tpu.memref_slice %arg3[%dma_wait3A_244, %multiple_of3A, %add3A_10] : memref<3x1600x16384xf32, #tpu.memory_space<hbm>> -> memref<1x80x256xf32, #tpu.memory_space<hbm>>
      %dma_wait3A_250 = tpu.memref_squeeze %dma_wait3A_249 : memref<1x80x256xf32, #tpu.memory_space<hbm>> -> memref<80x256xf32, #tpu.memory_space<hbm>>
      %dma_wait3A_251 = tpu.memref_slice %arg10[%dma_wait3A_245] : memref<8x!tpu.dma_semaphore, #tpu.memory_space<semaphore_mem>> -> memref<1x!tpu.dma_semaphore, #tpu.memory_space<semaphore_mem>>
      %dma_wait3A_252 = tpu.memref_squeeze %dma_wait3A_251 : memref<1x!tpu.dma_semaphore, #tpu.memory_space<semaphore_mem>> -> memref<!tpu.dma_semaphore, #tpu.memory_space<semaphore_mem>>
      %dma_wait3A_253 = tpu.memref_slice %arg3[%dma_wait3A_244, %multiple_of3A, %add3A_10] : memref<3x1600x16384xf32, #tpu.memory_space<hbm>> -> memref<1x80x256xf32, #tpu.memory_space<hbm>>
      %dma_wait3A_254 = tpu.memref_squeeze %dma_wait3A_253 : memref<1x80x256xf32, #tpu.memory_space<hbm>> -> memref<80x256xf32, #tpu.memory_space<hbm>>
      %dma_wait3A_255 = arith.constant 0 : i32
      %dma_wait3A_256 = arith.constant 0 : i32
      %dma_wait3A_257 = tpu.memref_slice %arg4[%dma_wait3A_255, %dma_wait3A_256] : memref<88x256xf32, #tpu.memory_space<vmem>> -> memref<80x256xf32, #tpu.memory_space<vmem>>
      tpu.wait_dma2 semaphore(%dma_wait3A_252 : memref<!tpu.dma_semaphore, #tpu.memory_space<semaphore_mem>>) src(%dma_wait3A_257 : memref<80x256xf32, #tpu.memory_space<vmem>>) dst(%dma_wait3A_254 : memref<80x256xf32, #tpu.memory_space<hbm>>)
      %dma_wait3A_258 = arith.constant 1 : i32
      %dma_wait3A_259 = arith.constant 3 : i32
      %dma_wait3A_260 = arith.constant 0 : i32
      %dma_wait3A_261 = arith.constant 0 : i32
      %dma_wait3A_262 = tpu.memref_slice %arg6[%dma_wait3A_260, %dma_wait3A_261] : memref<80x256xf32, #tpu.memory_space<vmem>> -> memref<80x256xf32, #tpu.memory_space<vmem>>
      %dma_wait3A_263 = tpu.memref_slice %arg3[%dma_wait3A_258, %multiple_of3A, %add3A_10] : memref<3x1600x16384xf32, #tpu.memory_space<hbm>> -> memref<1x80x256xf32, #tpu.memory_space<hbm>>
      %dma_wait3A_264 = tpu.memref_squeeze %dma_wait3A_263 : memref<1x80x256xf32, #tpu.memory_space<hbm>> -> memref<80x256xf32, #tpu.memory_space<hbm>>
      %dma_wait3A_265 = tpu.memref_slice %arg10[%dma_wait3A_259] : memref<8x!tpu.dma_semaphore, #tpu.memory_space<semaphore_mem>> -> memref<1x!tpu.dma_semaphore, #tpu.memory_space<semaphore_mem>>
      %dma_wait3A_266 = tpu.memref_squeeze %dma_wait3A_265 : memref<1x!tpu.dma_semaphore, #tpu.memory_space<semaphore_mem>> -> memref<!tpu.dma_semaphore, #tpu.memory_space<semaphore_mem>>
      %dma_wait3A_267 = tpu.memref_slice %arg3[%dma_wait3A_258, %multiple_of3A, %add3A_10] : memref<3x1600x16384xf32, #tpu.memory_space<hbm>> -> memref<1x80x256xf32, #tpu.memory_space<hbm>>
      %dma_wait3A_268 = tpu.memref_squeeze %dma_wait3A_267 : memref<1x80x256xf32, #tpu.memory_space<hbm>> -> memref<80x256xf32, #tpu.memory_space<hbm>>
      %dma_wait3A_269 = arith.constant 0 : i32
      %dma_wait3A_270 = arith.constant 0 : i32
      %dma_wait3A_271 = tpu.memref_slice %arg6[%dma_wait3A_269, %dma_wait3A_270] : memref<80x256xf32, #tpu.memory_space<vmem>> -> memref<80x256xf32, #tpu.memory_space<vmem>>
      tpu.wait_dma2 semaphore(%dma_wait3A_266 : memref<!tpu.dma_semaphore, #tpu.memory_space<semaphore_mem>>) src(%dma_wait3A_271 : memref<80x256xf32, #tpu.memory_space<vmem>>) dst(%dma_wait3A_268 : memref<80x256xf32, #tpu.memory_space<hbm>>)
      %dma_wait3A_272 = arith.constant 2 : i32
      %dma_wait3A_273 = arith.constant 4 : i32
      %dma_wait3A_274 = arith.constant 0 : i32
      %dma_wait3A_275 = arith.constant 0 : i32
      %dma_wait3A_276 = tpu.memref_slice %arg7[%dma_wait3A_274, %dma_wait3A_275] : memref<80x256xf32, #tpu.memory_space<vmem>> -> memref<80x256xf32, #tpu.memory_space<vmem>>
      %dma_wait3A_277 = tpu.memref_slice %arg3[%dma_wait3A_272, %multiple_of3A, %add3A_10] : memref<3x1600x16384xf32, #tpu.memory_space<hbm>> -> memref<1x80x256xf32, #tpu.memory_space<hbm>>
      %dma_wait3A_278 = tpu.memref_squeeze %dma_wait3A_277 : memref<1x80x256xf32, #tpu.memory_space<hbm>> -> memref<80x256xf32, #tpu.memory_space<hbm>>
      %dma_wait3A_279 = tpu.memref_slice %arg10[%dma_wait3A_273] : memref<8x!tpu.dma_semaphore, #tpu.memory_space<semaphore_mem>> -> memref<1x!tpu.dma_semaphore, #tpu.memory_space<semaphore_mem>>
      %dma_wait3A_280 = tpu.memref_squeeze %dma_wait3A_279 : memref<1x!tpu.dma_semaphore, #tpu.memory_space<semaphore_mem>> -> memref<!tpu.dma_semaphore, #tpu.memory_space<semaphore_mem>>
      %dma_wait3A_281 = tpu.memref_slice %arg3[%dma_wait3A_272, %multiple_of3A, %add3A_10] : memref<3x1600x16384xf32, #tpu.memory_space<hbm>> -> memref<1x80x256xf32, #tpu.memory_space<hbm>>
      %dma_wait3A_282 = tpu.memref_squeeze %dma_wait3A_281 : memref<1x80x256xf32, #tpu.memory_space<hbm>> -> memref<80x256xf32, #tpu.memory_space<hbm>>
      %dma_wait3A_283 = arith.constant 0 : i32
      %dma_wait3A_284 = arith.constant 0 : i32
      %dma_wait3A_285 = tpu.memref_slice %arg7[%dma_wait3A_283, %dma_wait3A_284] : memref<80x256xf32, #tpu.memory_space<vmem>> -> memref<80x256xf32, #tpu.memory_space<vmem>>
      tpu.wait_dma2 semaphore(%dma_wait3A_280 : memref<!tpu.dma_semaphore, #tpu.memory_space<semaphore_mem>>) src(%dma_wait3A_285 : memref<80x256xf32, #tpu.memory_space<vmem>>) dst(%dma_wait3A_282 : memref<80x256xf32, #tpu.memory_space<hbm>>)
      %dma_wait3A_286 = arith.constant 0 : i32
      %dma_wait3A_287 = arith.constant 5 : i32
      %dma_wait3A_288 = arith.constant 0 : i32
      %dma_wait3A_289 = arith.constant 0 : i32
      %dma_wait3A_290 = tpu.memref_slice %arg5[%dma_wait3A_288, %dma_wait3A_289] : memref<88x256xf32, #tpu.memory_space<vmem>> -> memref<80x256xf32, #tpu.memory_space<vmem>>
      %dma_wait3A_291 = tpu.memref_slice %arg3[%dma_wait3A_286, %add3A_129, %add3A_10] : memref<3x1600x16384xf32, #tpu.memory_space<hbm>> -> memref<1x80x256xf32, #tpu.memory_space<hbm>>
      %dma_wait3A_292 = tpu.memref_squeeze %dma_wait3A_291 : memref<1x80x256xf32, #tpu.memory_space<hbm>> -> memref<80x256xf32, #tpu.memory_space<hbm>>
      %dma_wait3A_293 = tpu.memref_slice %arg10[%dma_wait3A_287] : memref<8x!tpu.dma_semaphore, #tpu.memory_space<semaphore_mem>> -> memref<1x!tpu.dma_semaphore, #tpu.memory_space<semaphore_mem>>
      %dma_wait3A_294 = tpu.memref_squeeze %dma_wait3A_293 : memref<1x!tpu.dma_semaphore, #tpu.memory_space<semaphore_mem>> -> memref<!tpu.dma_semaphore, #tpu.memory_space<semaphore_mem>>
      %dma_wait3A_295 = tpu.memref_slice %arg3[%dma_wait3A_286, %add3A_129, %add3A_10] : memref<3x1600x16384xf32, #tpu.memory_space<hbm>> -> memref<1x80x256xf32, #tpu.memory_space<hbm>>
      %dma_wait3A_296 = tpu.memref_squeeze %dma_wait3A_295 : memref<1x80x256xf32, #tpu.memory_space<hbm>> -> memref<80x256xf32, #tpu.memory_space<hbm>>
      %dma_wait3A_297 = arith.constant 0 : i32
      %dma_wait3A_298 = arith.constant 0 : i32
      %dma_wait3A_299 = tpu.memref_slice %arg5[%dma_wait3A_297, %dma_wait3A_298] : memref<88x256xf32, #tpu.memory_space<vmem>> -> memref<80x256xf32, #tpu.memory_space<vmem>>
      tpu.wait_dma2 semaphore(%dma_wait3A_294 : memref<!tpu.dma_semaphore, #tpu.memory_space<semaphore_mem>>) src(%dma_wait3A_299 : memref<80x256xf32, #tpu.memory_space<vmem>>) dst(%dma_wait3A_296 : memref<80x256xf32, #tpu.memory_space<hbm>>)
      %dma_wait3A_300 = arith.constant 1 : i32
      %dma_wait3A_301 = arith.constant 6 : i32
      %dma_wait3A_302 = arith.constant 0 : i32
      %dma_wait3A_303 = arith.constant 0 : i32
      %dma_wait3A_304 = tpu.memref_slice %arg8[%dma_wait3A_302, %dma_wait3A_303] : memref<80x256xf32, #tpu.memory_space<vmem>> -> memref<80x256xf32, #tpu.memory_space<vmem>>
      %dma_wait3A_305 = tpu.memref_slice %arg3[%dma_wait3A_300, %add3A_129, %add3A_10] : memref<3x1600x16384xf32, #tpu.memory_space<hbm>> -> memref<1x80x256xf32, #tpu.memory_space<hbm>>
      %dma_wait3A_306 = tpu.memref_squeeze %dma_wait3A_305 : memref<1x80x256xf32, #tpu.memory_space<hbm>> -> memref<80x256xf32, #tpu.memory_space<hbm>>
      %dma_wait3A_307 = tpu.memref_slice %arg10[%dma_wait3A_301] : memref<8x!tpu.dma_semaphore, #tpu.memory_space<semaphore_mem>> -> memref<1x!tpu.dma_semaphore, #tpu.memory_space<semaphore_mem>>
      %dma_wait3A_308 = tpu.memref_squeeze %dma_wait3A_307 : memref<1x!tpu.dma_semaphore, #tpu.memory_space<semaphore_mem>> -> memref<!tpu.dma_semaphore, #tpu.memory_space<semaphore_mem>>
      %dma_wait3A_309 = tpu.memref_slice %arg3[%dma_wait3A_300, %add3A_129, %add3A_10] : memref<3x1600x16384xf32, #tpu.memory_space<hbm>> -> memref<1x80x256xf32, #tpu.memory_space<hbm>>
      %dma_wait3A_310 = tpu.memref_squeeze %dma_wait3A_309 : memref<1x80x256xf32, #tpu.memory_space<hbm>> -> memref<80x256xf32, #tpu.memory_space<hbm>>
      %dma_wait3A_311 = arith.constant 0 : i32
      %dma_wait3A_312 = arith.constant 0 : i32
      %dma_wait3A_313 = tpu.memref_slice %arg8[%dma_wait3A_311, %dma_wait3A_312] : memref<80x256xf32, #tpu.memory_space<vmem>> -> memref<80x256xf32, #tpu.memory_space<vmem>>
      tpu.wait_dma2 semaphore(%dma_wait3A_308 : memref<!tpu.dma_semaphore, #tpu.memory_space<semaphore_mem>>) src(%dma_wait3A_313 : memref<80x256xf32, #tpu.memory_space<vmem>>) dst(%dma_wait3A_310 : memref<80x256xf32, #tpu.memory_space<hbm>>)
      %dma_wait3A_314 = arith.constant 2 : i32
      %dma_wait3A_315 = arith.constant 7 : i32
      %dma_wait3A_316 = arith.constant 0 : i32
      %dma_wait3A_317 = arith.constant 0 : i32
      %dma_wait3A_318 = tpu.memref_slice %arg9[%dma_wait3A_316, %dma_wait3A_317] : memref<80x256xf32, #tpu.memory_space<vmem>> -> memref<80x256xf32, #tpu.memory_space<vmem>>
      %dma_wait3A_319 = tpu.memref_slice %arg3[%dma_wait3A_314, %add3A_129, %add3A_10] : memref<3x1600x16384xf32, #tpu.memory_space<hbm>> -> memref<1x80x256xf32, #tpu.memory_space<hbm>>
      %dma_wait3A_320 = tpu.memref_squeeze %dma_wait3A_319 : memref<1x80x256xf32, #tpu.memory_space<hbm>> -> memref<80x256xf32, #tpu.memory_space<hbm>>
      %dma_wait3A_321 = tpu.memref_slice %arg10[%dma_wait3A_315] : memref<8x!tpu.dma_semaphore, #tpu.memory_space<semaphore_mem>> -> memref<1x!tpu.dma_semaphore, #tpu.memory_space<semaphore_mem>>
      %dma_wait3A_322 = tpu.memref_squeeze %dma_wait3A_321 : memref<1x!tpu.dma_semaphore, #tpu.memory_space<semaphore_mem>> -> memref<!tpu.dma_semaphore, #tpu.memory_space<semaphore_mem>>
      %dma_wait3A_323 = tpu.memref_slice %arg3[%dma_wait3A_314, %add3A_129, %add3A_10] : memref<3x1600x16384xf32, #tpu.memory_space<hbm>> -> memref<1x80x256xf32, #tpu.memory_space<hbm>>
      %dma_wait3A_324 = tpu.memref_squeeze %dma_wait3A_323 : memref<1x80x256xf32, #tpu.memory_space<hbm>> -> memref<80x256xf32, #tpu.memory_space<hbm>>
      %dma_wait3A_325 = arith.constant 0 : i32
      %dma_wait3A_326 = arith.constant 0 : i32
      %dma_wait3A_327 = tpu.memref_slice %arg9[%dma_wait3A_325, %dma_wait3A_326] : memref<80x256xf32, #tpu.memory_space<vmem>> -> memref<80x256xf32, #tpu.memory_space<vmem>>
      tpu.wait_dma2 semaphore(%dma_wait3A_322 : memref<!tpu.dma_semaphore, #tpu.memory_space<semaphore_mem>>) src(%dma_wait3A_327 : memref<80x256xf32, #tpu.memory_space<vmem>>) dst(%dma_wait3A_324 : memref<80x256xf32, #tpu.memory_space<hbm>>)
    }
    %scan3A_15 = arith.constant 10 : i32
    return
  }
}

</mosaic_0001>

<sc_bundles>
// kernel: kernel.3.cloned.1.call-start
scs
__scs_entry_jumppad:
0x0: {  	(pc) =	sbr.rel $0x88, $3  }
0x1: {  	(tag) =	ssettag $0x0;
	lr =	simm.s32 $0x1  }
0x2: {  	[smem:$0x3FA0] =	sst lr;
	_ =	strace $0xD0000000  }
0x3: {  	_ = 	snop  }
0x4: {  	_ = 	snop  }
0x5: {  	_ = 	snop  }
0x6: {  	_ = 	snop  }
0x7: {  	_ = 	snop  }
__scs_overlays_trampoline_lowered:
0x8: {  	[smem:$0x3FAF] =	sst s0  }
0x9: {  	[smem:$0x3FB0] =	sst s1  }
0xa: {  	[smem:$0x3FB1] =	sst s2  }
0xb: {  	[smem:$0x3FB2] =	sst s3  }
0xc: {  	[smem:$0x3FB3] =	sst s4  }
0xd: {  	[smem:$0x3FB4] =	sst s5  }
0xe: {  	[smem:$0x3FB5] =	sst s6  }
0xf: {  	[smem:$0x3FB6] =	sst s7  }
0x10: {  	[smem:$0x3FB7] =	sst s8  }
0x11: {  	[smem:$0x3FB8] =	sst s9;
	s0 =	simm.s32 @!p0 $0x0  }
0x12: {  	s1 =	sld [smem:$0x3F9E];
	s0 =	simm.s32 @p0 $0x1  }
0x13: {  	[smem:$0x3FB9] =	sst s0;
	s0 =	simm.s32 @!p1 $0x0  }
0x14: {  	s2 =	sld [smem:$0x3F9D];
	s0 =	simm.s32 @p1 $0x1  }
0x15: {  	[smem:$0x3FBA] =	sst s0;
	s0 =	simm.s32 @!p2 $0x0  }
0x16: {  	s3 =	sld [smem:$0x3FDB];
	s0 =	simm.s32 @p2 $0x1  }
0x17: {  	s4 =	simm.s32 $0x1BF5;
	[smem:$0x3FBC] =	sst s0  }
0x18: {  	s0 =	sld [smem:$0x3F9F];
	_ =	swait.ge [sflag:s4], $0x0  }
0x19: {  	s7 =	sld [smem:$0x3FA0]  }
0x1a: {  	s8 =	sadd.s32 $0xFFFFE003, lr  }
0x1b: {  	s9 =	sadd.s32 $0xFFFFFEF7, lr;
	s5 =	simm.s32 $0xFFFFFFFF;
	p2 =	slt.u32 s8, $0xFFFFF086  }
0x1c: {  	p1 =	slt.u32 s9, $0xF7A;
	s5 =	simm.s32 @!p2 $0x0  }
0x1d: {  	s5 =	simm.s32 @p1 $0x1;
	p0 =	seq.s32 s7, s2  }
0x1e: {  	s7 =	smul.u32 @!p0 $0xF7A, s2;
	p2 =	seq.s32 @!p0 s5, $0x0  }
0x1f: {  	s9 =	smul.u32 $0xF7A, s1;
	s8 =	simm.s32 @!p0 $0x1BF5;
	p2 =	por !p2, p0  }
0x20: {  	[sflag:s8] =	ssyncset.s32 @!p0 $0xFFFFF086;
	s6 =	sadd.s32 @!p0 s3, s7;
	s7 =	simm.s32 @!p0 $0x108  }
0x21: {  	s3 =	sadd.s32 s3, s9;
	s6 =	sadd.s32 @!p0 $0x88, s6;
	s7 =	simm.s32 @p2 $0x1082  }
0x22: {  	[simem:s7], [sflag:s8] =	dma.local @!p0 [hbm:s6], $0xF7A  }
0x23: {  	s9 =	sor.u32 $0xD0000000, s2;
	s6 =	simm.s32 $0x108;
	_ =	swait.ge @!p0 [sflag:s8], $0x0  }
0x24: {  	s3 =	sadd.s32 $0x88, s3;
	s6 =	simm.s32 @!p1 $0x1082;
	[sflag:s4] =	ssyncset.s32 $0xFFFFF086  }
0x25: {  	[simem:s6], [sflag:s4] =	dma.local [hbm:s3], $0xF7A  }
0x26: {  	[smem:$0x3FA0] =	sst s1;
	(tag) =	ssettag s2;
	_ =	strace s9  }
0x27: {  	s1 =	sld [smem:$0x3FB0]  }
0x28: {  	s2 =	sld [smem:$0x3FB1]  }
0x29: {  	s4 =	sld [smem:$0x3FB3]  }
0x2a: {  	p0 =	seq.s32 s5, $0x0;
	s5 =	sld [smem:$0x3FB4]  }
0x2b: {  	s6 =	sld [smem:$0x3FB5]  }
0x2c: {  	s7 =	sld [smem:$0x3FB6]  }
0x2d: {  	s3 =	simm.s32 $0x108;
	s8 =	sld [smem:$0x3FB7]  }
0x2e: {  	s3 =	simm.s32 @!p0 $0x1082;
	s9 =	sld [smem:$0x3FB8]  }
0x2f: {  	lr =	sadd.s32 s0, s3;
	s0 =	sld [smem:$0x3FAF]  }
0x30: {  	s3 =	sld [smem:$0x3FB2]  }
0x31: {  	[smem:$0x3FBB] =	sst s10  }
0x32: {  	s10 =	sld [smem:$0x3FB9];
	_ =	sdelay $0x3  }
0x33: {  	p0 =	seq.s32 s10, $0x1;
	s10 =	sld [smem:$0x3FBB];
	_ =	sdelay $0x3  }
0x34: {  	[smem:$0x3FBB] =	sst s10  }
0x35: {  	s10 =	sld [smem:$0x3FBA];
	_ =	sdelay $0x3  }
0x36: {  	p1 =	seq.s32 s10, $0x1;
	s10 =	sld [smem:$0x3FBB];
	_ =	sdelay $0x3  }
0x37: {  	[smem:$0x3FBB] =	sst s10  }
0x38: {  	s10 =	sld [smem:$0x3FBC]  }
0x39: {  	_ = 	snop;
	(pc) =	sbr.ind lr, $3  }
0x3a: {  	_ = 	snop  }
0x3b: {  	_ = 	snop  }
0x3c: {  	p2 =	seq.s32 s10, $0x1;
	s10 =	sld [smem:$0x3FBB]  }
0x3d: {  	_ =	shalt  }
0x3e: {  	_ =	shalt  }
0x3f: {  	_ =	shalt  }
0x40: {  	_ =	shalt  }
0x41: {  	_ =	shalt  }
0x42: {  	_ =	shalt  }
0x43: {  	_ =	shalt  }
0x44: {  	_ =	shalt  }
0x45: {  	_ =	shalt  }
0x46: {  	_ =	shalt  }
0x47: {  	_ =	shalt  }
0x48: {  	_ =	shalt  }
0x49: {  	_ =	shalt  }
0x4a: {  	_ =	shalt  }
0x4b: {  	_ =	shalt  }
0x4c: {  	_ =	shalt  }
0x4d: {  	_ =	shalt  }
0x4e: {  	_ =	shalt  }
0x4f: {  	_ =	shalt  }
0x50: {  	_ =	shalt  }
0x51: {  	_ =	shalt  }
0x52: {  	_ =	shalt  }
0x53: {  	_ =	shalt  }
0x54: {  	_ =	shalt  }
0x55: {  	_ =	shalt  }
0x56: {  	_ =	shalt  }
0x57: {  	_ =	shalt  }
0x58: {  	_ =	shalt  }
0x59: {  	_ =	shalt  }
0x5a: {  	_ =	shalt  }
0x5b: {  	_ =	shalt  }
0x5c: {  	_ =	shalt  }
0x5d: {  	_ =	shalt  }
0x5e: {  	_ =	shalt  }
0x5f: {  	_ =	shalt  }
0x60: {  	_ =	shalt  }
0x61: {  	_ =	shalt  }
0x62: {  	_ =	shalt  }
0x63: {  	_ =	shalt  }
0x64: {  	_ =	shalt  }
0x65: {  	_ =	shalt  }
0x66: {  	_ =	shalt  }
0x67: {  	_ =	shalt  }
0x68: {  	_ =	shalt  }
0x69: {  	_ =	shalt  }
0x6a: {  	_ =	shalt  }
0x6b: {  	_ =	shalt  }
0x6c: {  	_ =	shalt  }
0x6d: {  	_ =	shalt  }
0x6e: {  	_ =	shalt  }
0x6f: {  	_ =	shalt  }
0x70: {  	_ =	shalt  }
0x71: {  	_ =	shalt  }
0x72: {  	_ =	shalt  }
0x73: {  	_ =	shalt  }
0x74: {  	_ =	shalt  }
0x75: {  	_ =	shalt  }
0x76: {  	_ =	shalt  }
0x77: {  	_ =	shalt  }
0x78: {  	_ =	shalt  }
0x79: {  	_ =	shalt  }
0x7a: {  	_ =	shalt  }
0x7b: {  	_ =	shalt  }
0x7c: {  	_ =	shalt  }
0x7d: {  	_ =	shalt  }
0x7e: {  	_ =	shalt  }
0x7f: {  	_ =	shalt  }
0x80: {  	_ =	shalt  }
0x81: {  	_ =	shalt  }
0x82: {  	_ =	shalt  }
0x83: {  	_ =	shalt  }
0x84: {  	_ =	shalt  }
0x85: {  	_ =	shalt  }
0x86: {  	_ =	shalt  }
0x87: {  	_ =	shalt  }
.Lfunc_end0:
.L_simem_size_0:
called_computation_lowered:
.L_overlay_start_0:
0x88: {  	s2 =	sld [smem:$0x3FD9]  }
0x89: {  	s3 =	sld [smem:$0x3FFE];
	_ =	sdelay $0x1  }
0x8a: {  	s1 =	srdreg.scid  }
0x8b: {  	s0 =	sand.u32 $0x1, s1  }
0x8c: {  	s18 =	sshll.u32 s0, $0xA;
	s2 =	sadd.s32 s3, s2  }
0x8d: {  	s2 =	sadd.s32 s2, s18  }
0x8e: {  	[smem:$0x3FC7] =	sst s2  }
0x8f: {  	_ = 	snop  }
0x90: {  	s2 =	sld [smem:$0x3FC9]  }
0x91: {  	s19 =	sld [smem:$0x3FD0];
	(tm) =	ssettm $0x1  }
0x92: {  	s4 =	sld [smem:$0x3FFB];
	_ =	sdelay $0x3  }
0x93: {  	_ =	strace s4  }
0x94: {  	s4 =	sld [smem:$0x3FFC];
	_ =	sdelay $0x3  }
0x95: {  	_ =	strace s4  }
0x96: {  	s4 =	sld [smem:$0x3FFD];
	_ =	sdelay $0x3  }
0x97: {  	_ =	strace s4  }
0x98: {  	_ =	strace $0x8FFFFFFF  }
0x99: {  	s20 =	sld [smem:$0x3FDB];
	_ =	sdelay $0x1  }
0x9a: {  	s5 =	simm.s32 $_scs_section_size  }
0x9b: {  	s6 =	simm.s32 $_size__tile_overlayer_lowered;
	s7 =	simm.s32 $_tile_overlayer_lowered  }
0x9c: {  	s23 =	simm.s32 $0x1BFF;
	s22 =	sshll.u32 s7, $0x1;
	s4 =	sadd.s32 s5, s20  }
0x9d: {  	s8 =	simm.s32 $0x0;
	s21 =	sshll.u32 s6, $0x1;
	s6 =	sadd.s32 s22, s4  }
0x9e: {  	[timem:s8], [sflag:s23] =	dma.local [hbm:s6], s21  }
0x9f: {  	_ =	swait.ge [sflag:s23], s21  }
0xa0: {  	s5 =	ssub.s32 $0x0, s21;
	[sflag:s23] =	ssyncset.done $0x0  }
0xa1: {  	[sflag:s23] =	ssyncadd.s32 s5;
	_ =	sdelay $0x1  }
0xa2: {  	s24 =	simm.s32 $0x1B8B  }
0xa3: {  	_ =	swait.ge [sflag:s24], $0x1  }
0xa4: {  	[sflag:s24] =	ssyncset.done $0x0  }
0xa5: {  	s25 =	simm.s32 $0x1B8E;
	[sflag:s24] =	ssyncadd.s32 $0xFFFFFFFF  }
0xa6: {  	s26 =	simm.s32 $execute0_lowered;
	[smem:$0x3FD2] =	sst s25  }
0xa7: {  	s5 =	sshll.u32 s26, $0x1;
	_ =	strace $0x80000046;
	[dreg:$0x1] =	wrdreg $0xFFFFFFFF  }
0xa8: {  	s28 =	simm.s32 $_size_execute0_lowered;
	s4 =	sadd.s32 s4, s5;
	[dreg:$0x0] =	wrdreg $0x0  }
0xa9: {  	s5 =	sshll.u32 s28, $0x1;
	[dreg:$0x2] =	wrdreg s4  }
0xaa: {  	[dreg:$0x3] =	wrdreg s5  }
0xab: {  	[dreg:$0x4] =	wrdreg $0xC0  }
0xac: {  	_ =	task [dreg:s8], $0x5FFFF  }
0xad: {  	[dreg:$0x1] =	wrdreg $0xFFFFFFFF  }
0xae: {  	[dreg:$0x0] =	wrdreg $0x60  }
0xaf: {  	[dreg:$0x2] =	wrdreg s2  }
0xb0: {  	[dreg:$0x3] =	wrdreg s19  }
0xb1: {  	[dreg:$0x4] =	wrdreg $0x9  }
0xb2: {  	_ =	task.clear_ibuf [dreg:s8], $0x5FFFF;
	_ =	strace $0x90000046  }
0xb3: {  	s29 =	simm.s32 $0x9;
	_ =	strace $0x80000048  }
0xb4: {  	_ =	swait.ge [sflag:s29], $0x1  }
0xb5: {  	[sflag:s29] =	ssyncadd.s32 $0xFFFFFFFF  }
0xb6: {  	_ =	strace $0x90000048  }
0xb7: {  	_ =	sfence  }
0xb8: {  	s30 =	sld [smem:$0x0];
	_ =	sdelay $0x2  }
0xb9: {  	s31 =	sshll.u32 s1, $0xD;
	s1 =	sshrl.u32 s1, $0x2  }
0xba: {  	s3 =	sand.u32 $0x4000, s31;
	s1 =	sadd.s32 s1, s30  }
0xbb: {  	s0 =	sor.u32 s3, s0;
	s1 =	sshll.u32 s1, $0x11  }
0xbc: {  	s0 =	sor.u32 s1, s0  }
0xbd: {  	s0 =	sadd.s32 $0x8F2B, s0  }
0xbe: {  	[sflag:s0] =	ssyncadd.remote.s32 $0x1  }
0xbf: {  	_ =	sfence.sel $0xFFFF  }
0xc0: {  	[dreg:$0x0] =	wrdreg $0xFFFFFFFF;
	(pc) =	sbr.abs _section_cstart, $3  }
0xc1: {  	[dreg:$0x1] =	wrdreg $0xFFFFFFFF  }
0xc2: {  	_ =	task.clear_ibuf [dreg:s8], $0x2FFFF;
	_ =	strace $0x9FFFFFFF  }
0xc3: {  	(tm) =	ssettm $0x7FFFFFFF  }
tec
execute0_lowered:
.L_overlay_start_1:
0x0: {  	(tag) =	ssettag $0x1  }
0x1: {  	s2 =	rddreg [dreg:$0x0]  }
0x2: {  	s3 =	rddreg [dreg:$0x1]  }
0x3: {  	s0 =	srdreg.scid;
	s4 =	stileid.u32  }
0x4: {  	s8 =	simm.s32 $0x0;
	s9 =	simm.s32 $0x800;
	s10 =	simm.s32 $0x20000  }
0x5: {  	s15 =	simm.s32 $0x5000;
	s12 =	simm.s32 $0x1;
	s13 =	simm.s32 $0x2  }
0x6: {  	s17 =	simm.s32 $0x10000;
	s16 =	simm.s32 $0x5800;
	s18 =	simm.s32 $0x15000  }
0x7: {  	s19 =	simm.s32 $0x1A000;
	s20 =	simm.s32 $0x3;
	s21 =	simm.s32 $0x4  }
0x8: {  	s22 =	simm.s32 $0x5;
	s23 =	simm.s32 $0x6;
	s0 =	sand.u32 $0x1, s0  }
0x9: {  	s24 =	simm.s32 $0x7;
	s1 =	sshll.u32 s0, $0xD;
	s0 =	ssub.s32 $0x2, s0  }
0xa: {  	s25 =	simm.s32 $0x8;
	s4 =	sshll.u32 s4, $0x9;
	s31 =	sshrl.u32 s0, $0x1  }
0xb: {  	[smem:$0x7FF] =	sst s8;
	s1 =	sor.u32 s4, s1;
	s0 =	ssub.s32 s0, s31  }
0xc: {  	_ =	strace $0x80000047;
	s5 =	sshll.u32 s1, $0x3;
	s0 =	smax.u32 s0, $0x1  }
0xd: {  	s6 =	sadd.s32 s2, s1;
	s7 =	sor.u32 $0x800, s5;
	[dreg:$0x4] =	wrdreg s0  }
.LBB2_1:
0xe: {  	[dreg:$0x3] =	wrdreg s8;
	s28 =	simm.s32 $0x0  }
.LBB2_2:
0xf: {  	s0 =	smul.u32 $0x280000, s28  }
0x10: {  	s26 =	smul.u32 $0xA0, s28  }
0x11: {  	s0 =	sor.u32 s5, s0  }
0x12: {  	s29 =	sadd.s32 $0x50, s26;
	s0 =	sshrl.u32 s0, $0x3  }
0x13: {  	s4 =	simm.s32 $0x0;
	s14 =	sshll.u32 s29, $0xB;
	s1 =	sadd.s32 s2, s0  }
0x14: {  	[tilespmem:s4], [sflag:$0x1] =	stream.strided.gather [hbm4b:s1+s9], $0x5000, s10, s9, $0x38;
	[tilespmem:$0x1F000] =	vst v63  }
0x15: {  	s1 =	sadd.s32 s14, s6  }
0x16: {  	[tilespmem:s15], [sflag:$0x2] =	stream.linear.gather [hbm4b:s1+s4], $0x800, $0x38;
	[tilespmem:$0x1F000] =	vst v63  }
0x17: {  	_ =	swait.ge [sflag:s12], $0x5000  }
0x18: {  	[sflag:s12] =	ssyncset.done $0x0  }
0x19: {  	s30 =	sadd.s32 s3, s0;
	[sflag:s12] =	ssyncadd.s32 $0xFFFFB000  }
0x1a: {  	s0 =	simm.s32 $0x100;
	s1 =	simm.s32 $0x80;
	_ =	swait.ge [sflag:s13], $0x800  }
0x1b: {  	s8 =	sand.u32 $0xF800, s0;
	s11 =	sand.u32 $0x380, s1;
	[sflag:s13] =	ssyncset.done $0x0  }
0x1c: {  	s8 =	sor.u32 s11, s8;
	[sflag:s13] =	ssyncadd.s32 $0xFFFFF800  }
0x1d: {  	[hbm4b:s30+s9] =	stream.strided.scatter [tilespmem:s4], [sflag:$0x3], $0x5000, s10, s9, $0x38;
	[tilespmem:$0x1F000] =	vst v63  }
0x1e: {  	v0 =	vld [tilespmem:s8+$0x0];
	_ =	sdelay $0x2  }
0x1f: {  	s31 =	sand.u32 $0x7800, s4;
	s4 =	sand.u32 $0x380, s4  }
0x20: {  	s4 =	sor.u32 s4, s31  }
0x21: {  	[tilespmem:s4+$0xB000] =	vst v0  }
0x22: {  	v0 =	vld [tilespmem:s8+$0x10];
	_ =	sdelay $0x4  }
0x23: {  	[tilespmem:s4+$0xB010] =	vst v0  }
0x24: {  	v0 =	vld [tilespmem:s8+$0x20];
	_ =	sdelay $0x4  }
0x25: {  	[tilespmem:s4+$0xB020] =	vst v0  }
0x26: {  	v0 =	vld [tilespmem:s8+$0x30];
	_ =	sdelay $0x4  }
0x27: {  	[tilespmem:s4+$0xB030] =	vst v0  }
0x28: {  	v0 =	vld [tilespmem:s8+$0x40];
	_ =	sdelay $0x4  }
0x29: {  	[tilespmem:s4+$0xB040] =	vst v0  }
0x2a: {  	v0 =	vld [tilespmem:s8+$0x50];
	_ =	sdelay $0x4  }
0x2b: {  	[tilespmem:s4+$0xB050] =	vst v0  }
0x2c: {  	v0 =	vld [tilespmem:s8+$0x60];
	_ =	sdelay $0x4  }
0x2d: {  	[tilespmem:s4+$0xB060] =	vst v0  }
0x2e: {  	v0 =	vld [tilespmem:s8+$0x70];
	_ =	sdelay $0x4  }
0x2f: {  	[tilespmem:s4+$0xB070] =	vst v0  }
0x30: {  	v0 =	vld [tilespmem:s8+$0x400];
	_ =	sdelay $0x4  }
0x31: {  	[tilespmem:s4+$0xB400] =	vst v0  }
0x32: {  	v0 =	vld [tilespmem:s8+$0x410];
	_ =	sdelay $0x4  }
0x33: {  	[tilespmem:s4+$0xB410] =	vst v0  }
0x34: {  	v0 =	vld [tilespmem:s8+$0x420];
	_ =	sdelay $0x4  }
0x35: {  	[tilespmem:s4+$0xB420] =	vst v0  }
0x36: {  	v0 =	vld [tilespmem:s8+$0x430];
	_ =	sdelay $0x4  }
0x37: {  	[tilespmem:s4+$0xB430] =	vst v0  }
0x38: {  	v0 =	vld [tilespmem:s8+$0x440];
	_ =	sdelay $0x4  }
0x39: {  	[tilespmem:s4+$0xB440] =	vst v0  }
0x3a: {  	v0 =	vld [tilespmem:s8+$0x450];
	_ =	sdelay $0x4  }
0x3b: {  	[tilespmem:s4+$0xB450] =	vst v0  }
0x3c: {  	v0 =	vld [tilespmem:s8+$0x460];
	_ =	sdelay $0x4  }
0x3d: {  	[tilespmem:s4+$0xB460] =	vst v0  }
0x3e: {  	v0 =	vld [tilespmem:s8+$0x470]  }
.LBB2_3:
0x3f: {  	_ = 	snop  }
0x40: {  	p0 =	sne.s32 s1, $0x2780;
	s11 =	smov.u32 s0  }
0x41: {  	s0 =	sadd.s32 $0x100, s0;
	s14 =	smov.u32 s1;
	s1 =	sadd.s32 $0x80, s1  }
0x42: {  	s8 =	sand.u32 $0xF800, s0;
	s31 =	sand.u32 $0x380, s1  }
0x43: {  	s8 =	sor.u32 s31, s8;
	[tilespmem:s4+$0xB470] =	vst v0  }
0x44: {  	v0 =	vld [tilespmem:s8+$0x0];
	_ =	sdelay $0x2  }
0x45: {  	s4 =	sand.u32 $0x7800, s11;
	s11 =	sand.u32 $0x380, s14  }
0x46: {  	s4 =	sor.u32 s11, s4  }
0x47: {  	[tilespmem:s4+$0xB000] =	vst v0  }
0x48: {  	v0 =	vld [tilespmem:s8+$0x10];
	_ =	sdelay $0x4  }
0x49: {  	[tilespmem:s4+$0xB010] =	vst v0  }
0x4a: {  	v0 =	vld [tilespmem:s8+$0x20];
	_ =	sdelay $0x4  }
0x4b: {  	[tilespmem:s4+$0xB020] =	vst v0  }
0x4c: {  	v0 =	vld [tilespmem:s8+$0x30];
	_ =	sdelay $0x4  }
0x4d: {  	[tilespmem:s4+$0xB030] =	vst v0  }
0x4e: {  	v0 =	vld [tilespmem:s8+$0x40];
	_ =	sdelay $0x4  }
0x4f: {  	[tilespmem:s4+$0xB040] =	vst v0  }
0x50: {  	v0 =	vld [tilespmem:s8+$0x50];
	_ =	sdelay $0x4  }
0x51: {  	[tilespmem:s4+$0xB050] =	vst v0  }
0x52: {  	v0 =	vld [tilespmem:s8+$0x60];
	_ =	sdelay $0x4  }
0x53: {  	[tilespmem:s4+$0xB060] =	vst v0  }
0x54: {  	v0 =	vld [tilespmem:s8+$0x70];
	_ =	sdelay $0x4  }
0x55: {  	[tilespmem:s4+$0xB070] =	vst v0  }
0x56: {  	v0 =	vld [tilespmem:s8+$0x400];
	_ =	sdelay $0x4  }
0x57: {  	[tilespmem:s4+$0xB400] =	vst v0  }
0x58: {  	v0 =	vld [tilespmem:s8+$0x410];
	_ =	sdelay $0x4  }
0x59: {  	[tilespmem:s4+$0xB410] =	vst v0  }
0x5a: {  	v0 =	vld [tilespmem:s8+$0x420];
	_ =	sdelay $0x4  }
0x5b: {  	[tilespmem:s4+$0xB420] =	vst v0  }
0x5c: {  	v0 =	vld [tilespmem:s8+$0x430];
	_ =	sdelay $0x4  }
0x5d: {  	[tilespmem:s4+$0xB430] =	vst v0  }
0x5e: {  	v0 =	vld [tilespmem:s8+$0x440];
	_ =	sdelay $0x4  }
0x5f: {  	[tilespmem:s4+$0xB440] =	vst v0  }
0x60: {  	v0 =	vld [tilespmem:s8+$0x450];
	_ =	sdelay $0x4  }
0x61: {  	[tilespmem:s4+$0xB450] =	vst v0  }
0x62: {  	v0 =	vld [tilespmem:s8+$0x460];
	_ =	sdelay $0x1  }
.Ltmp0:
0x63: {  	(pc) =	sbr.rel @p0 .LBB2_3-.Ltmp0, $3  }
0x64: {  	_ =	sdelay $0x1  }
0x65: {  	[tilespmem:s4+$0xB460] =	vst v0  }
0x66: {  	v0 =	vld [tilespmem:s8+$0x470]  }
0x67: {  	_ =	sdelay $0x2  }
0x68: {  	s0 =	sadd.s32 $0x320000, s30  }
0x69: {  	s1 =	simm.s32 $0xB000;
	s8 =	simm.s32 $0x300;
	[tilespmem:s4+$0xB470] =	vst v0;
	s4 =	simm.s32 $0x180  }
0x6a: {  	[hbm4b:s0+s9] =	stream.strided.scatter [tilespmem:s1], [sflag:$0x4], $0x5000, s10, s9, $0x38;
	[tilespmem:$0x1F000] =	vst v63  }
0x6b: {  	s1 =	sand.u32 $0xF800, s8;
	s0 =	sand.u32 $0x380, s4  }
0x6c: {  	s11 =	sor.u32 s0, s1  }
0x6d: {  	v0 =	vld [tilespmem:s11+$0x0];
	_ =	sdelay $0x1  }
0x6e: {  	s14 =	simm.s32 $0x0;
	s31 =	simm.s32 $0x0  }
0x6f: {  	s0 =	sand.u32 $0x7800, s14;
	s1 =	sand.u32 $0x380, s31  }
0x70: {  	s0 =	sor.u32 s1, s0  }
0x71: {  	[tilespmem:s0+$0x10000] =	vst v0  }
0x72: {  	v0 =	vld [tilespmem:s11+$0x10];
	_ =	sdelay $0x4  }
0x73: {  	[tilespmem:s0+$0x10010] =	vst v0  }
0x74: {  	v0 =	vld [tilespmem:s11+$0x20];
	_ =	sdelay $0x4  }
0x75: {  	[tilespmem:s0+$0x10020] =	vst v0  }
0x76: {  	v0 =	vld [tilespmem:s11+$0x30];
	_ =	sdelay $0x4  }
0x77: {  	[tilespmem:s0+$0x10030] =	vst v0  }
0x78: {  	v0 =	vld [tilespmem:s11+$0x40];
	_ =	sdelay $0x4  }
0x79: {  	[tilespmem:s0+$0x10040] =	vst v0  }
0x7a: {  	v0 =	vld [tilespmem:s11+$0x50];
	_ =	sdelay $0x4  }
0x7b: {  	[tilespmem:s0+$0x10050] =	vst v0  }
0x7c: {  	v0 =	vld [tilespmem:s11+$0x60];
	_ =	sdelay $0x4  }
0x7d: {  	[tilespmem:s0+$0x10060] =	vst v0  }
0x7e: {  	v0 =	vld [tilespmem:s11+$0x70];
	_ =	sdelay $0x4  }
0x7f: {  	[tilespmem:s0+$0x10070] =	vst v0  }
0x80: {  	v0 =	vld [tilespmem:s11+$0x400];
	_ =	sdelay $0x4  }
0x81: {  	[tilespmem:s0+$0x10400] =	vst v0  }
0x82: {  	v0 =	vld [tilespmem:s11+$0x410];
	_ =	sdelay $0x4  }
0x83: {  	[tilespmem:s0+$0x10410] =	vst v0  }
0x84: {  	v0 =	vld [tilespmem:s11+$0x420];
	_ =	sdelay $0x4  }
0x85: {  	[tilespmem:s0+$0x10420] =	vst v0  }
0x86: {  	v0 =	vld [tilespmem:s11+$0x430];
	_ =	sdelay $0x4  }
0x87: {  	[tilespmem:s0+$0x10430] =	vst v0  }
0x88: {  	v0 =	vld [tilespmem:s11+$0x440];
	_ =	sdelay $0x4  }
0x89: {  	[tilespmem:s0+$0x10440] =	vst v0  }
0x8a: {  	v0 =	vld [tilespmem:s11+$0x450];
	_ =	sdelay $0x4  }
0x8b: {  	[tilespmem:s0+$0x10450] =	vst v0  }
0x8c: {  	v0 =	vld [tilespmem:s11+$0x460];
	_ =	sdelay $0x4  }
0x8d: {  	[tilespmem:s0+$0x10460] =	vst v0  }
0x8e: {  	v0 =	vld [tilespmem:s11+$0x470];
	_ =	sdelay $0x1  }
0x8f: {  	s4 =	simm.s32 $0x100  }
0x90: {  	s8 =	simm.s32 $0x280;
	s1 =	simm.s32 $0x200;
	s11 =	simm.s32 $0x400  }
.LBB2_5:
0x91: {  	p0 =	sne.s32 s8, $0x2900;
	s11 =	sand.u32 $0xF800, s11;
	s14 =	sand.u32 $0x380, s1  }
0x92: {  	s11 =	sor.u32 s14, s11;
	[tilespmem:s0+$0x10470] =	vst v0  }
0x93: {  	v0 =	vld [tilespmem:s11+$0x0];
	_ =	sdelay $0x1  }
0x94: {  	s0 =	sadd.s32 $0xFFFFFE80, s1;
	s1 =	smov.u32 s8  }
0x95: {  	s14 =	sand.u32 $0x7800, s4;
	s0 =	sand.u32 $0x380, s0  }
0x96: {  	s0 =	sor.u32 s0, s14  }
0x97: {  	[tilespmem:s0+$0x10000] =	vst v0  }
0x98: {  	v0 =	vld [tilespmem:s11+$0x10];
	_ =	sdelay $0x4  }
0x99: {  	[tilespmem:s0+$0x10010] =	vst v0  }
0x9a: {  	v0 =	vld [tilespmem:s11+$0x20];
	_ =	sdelay $0x4  }
0x9b: {  	[tilespmem:s0+$0x10020] =	vst v0  }
0x9c: {  	v0 =	vld [tilespmem:s11+$0x30];
	_ =	sdelay $0x4  }
0x9d: {  	[tilespmem:s0+$0x10030] =	vst v0  }
0x9e: {  	v0 =	vld [tilespmem:s11+$0x40];
	_ =	sdelay $0x4  }
0x9f: {  	[tilespmem:s0+$0x10040] =	vst v0  }
0xa0: {  	v0 =	vld [tilespmem:s11+$0x50];
	_ =	sdelay $0x4  }
0xa1: {  	[tilespmem:s0+$0x10050] =	vst v0  }
0xa2: {  	v0 =	vld [tilespmem:s11+$0x60];
	_ =	sdelay $0x4  }
0xa3: {  	[tilespmem:s0+$0x10060] =	vst v0  }
0xa4: {  	v0 =	vld [tilespmem:s11+$0x70];
	_ =	sdelay $0x4  }
0xa5: {  	[tilespmem:s0+$0x10070] =	vst v0  }
0xa6: {  	v0 =	vld [tilespmem:s11+$0x400];
	_ =	sdelay $0x4  }
0xa7: {  	[tilespmem:s0+$0x10400] =	vst v0  }
0xa8: {  	v0 =	vld [tilespmem:s11+$0x410];
	_ =	sdelay $0x4  }
0xa9: {  	[tilespmem:s0+$0x10410] =	vst v0  }
0xaa: {  	v0 =	vld [tilespmem:s11+$0x420];
	_ =	sdelay $0x4  }
0xab: {  	[tilespmem:s0+$0x10420] =	vst v0  }
0xac: {  	v0 =	vld [tilespmem:s11+$0x430];
	_ =	sdelay $0x4  }
0xad: {  	[tilespmem:s0+$0x10430] =	vst v0  }
0xae: {  	v0 =	vld [tilespmem:s11+$0x440];
	_ =	sdelay $0x4  }
0xaf: {  	[tilespmem:s0+$0x10440] =	vst v0  }
0xb0: {  	v0 =	vld [tilespmem:s11+$0x450];
	_ =	sdelay $0x4  }
0xb1: {  	[tilespmem:s0+$0x10450] =	vst v0  }
0xb2: {  	v0 =	vld [tilespmem:s11+$0x460];
	_ =	sdelay $0x4  }
.Ltmp1:
0xb3: {  	[tilespmem:s0+$0x10460] =	vst v0;
	(pc) =	sbr.rel @p0 .LBB2_5-.Ltmp1, $3  }
0xb4: {  	v0 =	vld [tilespmem:s11+$0x470];
	_ =	sdelay $0x1  }
0xb5: {  	s4 =	sadd.s32 $0x100, s4  }
0xb6: {  	s8 =	sadd.s32 $0x80, s8;
	s11 =	sadd.s32 $0x300, s4  }
0xb7: {  	s8 =	sand.u32 $0xF800, s11;
	s31 =	sand.u32 $0x380, s1  }
0xb8: {  	s8 =	sor.u32 s31, s8;
	[tilespmem:s0+$0x10470] =	vst v0  }
0xb9: {  	v0 =	vld [tilespmem:s8+$0x0];
	_ =	sdelay $0x1  }
0xba: {  	s11 =	sadd.s32 $0xFFFFFE80, s1  }
0xbb: {  	s14 =	sand.u32 $0x7800, s4;
	s0 =	sand.u32 $0x380, s11  }
0xbc: {  	s0 =	sor.u32 s0, s14  }
0xbd: {  	[tilespmem:s0+$0x10000] =	vst v0  }
0xbe: {  	v0 =	vld [tilespmem:s8+$0x10];
	_ =	sdelay $0x4  }
0xbf: {  	[tilespmem:s0+$0x10010] =	vst v0  }
0xc0: {  	v0 =	vld [tilespmem:s8+$0x20];
	_ =	sdelay $0x4  }
0xc1: {  	[tilespmem:s0+$0x10020] =	vst v0  }
0xc2: {  	v0 =	vld [tilespmem:s8+$0x30];
	_ =	sdelay $0x4  }
0xc3: {  	[tilespmem:s0+$0x10030] =	vst v0  }
0xc4: {  	v0 =	vld [tilespmem:s8+$0x40];
	_ =	sdelay $0x4  }
0xc5: {  	[tilespmem:s0+$0x10040] =	vst v0  }
0xc6: {  	v0 =	vld [tilespmem:s8+$0x50];
	_ =	sdelay $0x4  }
0xc7: {  	[tilespmem:s0+$0x10050] =	vst v0  }
0xc8: {  	v0 =	vld [tilespmem:s8+$0x60];
	_ =	sdelay $0x4  }
0xc9: {  	[tilespmem:s0+$0x10060] =	vst v0  }
0xca: {  	v0 =	vld [tilespmem:s8+$0x70];
	_ =	sdelay $0x4  }
0xcb: {  	[tilespmem:s0+$0x10070] =	vst v0  }
0xcc: {  	v0 =	vld [tilespmem:s8+$0x400];
	_ =	sdelay $0x4  }
0xcd: {  	[tilespmem:s0+$0x10400] =	vst v0  }
0xce: {  	v0 =	vld [tilespmem:s8+$0x410];
	_ =	sdelay $0x4  }
0xcf: {  	[tilespmem:s0+$0x10410] =	vst v0  }
0xd0: {  	v0 =	vld [tilespmem:s8+$0x420];
	_ =	sdelay $0x4  }
0xd1: {  	[tilespmem:s0+$0x10420] =	vst v0  }
0xd2: {  	v0 =	vld [tilespmem:s8+$0x430];
	_ =	sdelay $0x4  }
0xd3: {  	[tilespmem:s0+$0x10430] =	vst v0  }
0xd4: {  	v0 =	vld [tilespmem:s8+$0x440];
	_ =	sdelay $0x4  }
0xd5: {  	[tilespmem:s0+$0x10440] =	vst v0  }
0xd6: {  	v0 =	vld [tilespmem:s8+$0x450];
	_ =	sdelay $0x4  }
0xd7: {  	[tilespmem:s0+$0x10450] =	vst v0  }
0xd8: {  	v0 =	vld [tilespmem:s8+$0x460];
	_ =	sdelay $0x4  }
0xd9: {  	[tilespmem:s0+$0x10460] =	vst v0  }
0xda: {  	v0 =	vld [tilespmem:s8+$0x470];
	_ =	sdelay $0x3  }
0xdb: {  	s1 =	sshll.u32 s29, $0xE  }
0xdc: {  	s31 =	sadd.s32 $0x640000, s30;
	s8 =	sadd.s32 $0xA0, s26;
	[tilespmem:s0+$0x10470] =	vst v0;
	s0 =	sor.u32 s5, s1  }
0xdd: {  	[hbm4b:s31+s9] =	stream.strided.scatter [tilespmem:s17], [sflag:$0x5], $0x5000, s10, s9, $0x38;
	[tilespmem:$0x1F000] =	vst v63  }
0xde: {  	p0 =	seq.s32 s8, $0x640;
	s1 =	sshll.u32 s8, $0xB;
	s0 =	sshrl.u32 s0, $0x3  }
0xdf: {  	s1 =	simm.s32 @p0 $0x0;
	s4 =	sadd.s32 s2, s0  }
0xe0: {  	[tilespmem:s16], [sflag:$0x1] =	stream.strided.gather [hbm4b:s4+s9], $0x5000, s10, s9, $0x38;
	[tilespmem:$0x1F000] =	vst v63  }
0xe1: {  	s11 =	simm.s32 $0xA800;
	s1 =	sadd.s32 s1, s6;
	s4 =	simm.s32 $0x0  }
0xe2: {  	[tilespmem:s11], [sflag:$0x2] =	stream.linear.gather [hbm4b:s1+s4], $0x800, $0x38;
	[tilespmem:$0x1F000] =	vst v63  }
0xe3: {  	_ =	swait.ge [sflag:s12], $0x5000  }
0xe4: {  	[sflag:s12] =	ssyncset.done $0x0  }
0xe5: {  	s29 =	simm.s32 $0x80;
	[sflag:s12] =	ssyncadd.s32 $0xFFFFB000  }
0xe6: {  	s26 =	sadd.s32 s3, s0;
	s0 =	simm.s32 $0x100;
	_ =	swait.ge [sflag:s13], $0x800  }
0xe7: {  	s30 =	sand.u32 $0x380, s29;
	s14 =	sand.u32 $0xF800, s0;
	[sflag:s13] =	ssyncset.done $0x0  }
0xe8: {  	s8 =	sor.u32 s30, s14;
	[sflag:s13] =	ssyncadd.s32 $0xFFFFF800  }
0xe9: {  	[hbm4b:s26+s9] =	stream.strided.scatter [tilespmem:s16], [sflag:$0x6], $0x5000, s10, s9, $0x38;
	[tilespmem:$0x1F000] =	vst v63  }
0xea: {  	v0 =	vld [tilespmem:s8+$0x5800];
	_ =	sdelay $0x2  }
0xeb: {  	s31 =	sand.u32 $0x7800, s4;
	s4 =	sand.u32 $0x380, s4  }
0xec: {  	s1 =	sor.u32 s4, s31  }
0xed: {  	[tilespmem:s1+$0x15000] =	vst v0  }
0xee: {  	v0 =	vld [tilespmem:s8+$0x5810];
	_ =	sdelay $0x3  }
0xef: {  	s1 =	sadd.s32 $0x15000, s1  }
0xf0: {  	[tilespmem:s1+$0x10] =	vst v0  }
0xf1: {  	v0 =	vld [tilespmem:s8+$0x5820];
	_ =	sdelay $0x4  }
0xf2: {  	[tilespmem:s1+$0x20] =	vst v0  }
0xf3: {  	v0 =	vld [tilespmem:s8+$0x5830];
	_ =	sdelay $0x4  }
0xf4: {  	[tilespmem:s1+$0x30] =	vst v0  }
0xf5: {  	v0 =	vld [tilespmem:s8+$0x5840];
	_ =	sdelay $0x4  }
0xf6: {  	[tilespmem:s1+$0x40] =	vst v0  }
0xf7: {  	v0 =	vld [tilespmem:s8+$0x5850];
	_ =	sdelay $0x4  }
0xf8: {  	[tilespmem:s1+$0x50] =	vst v0  }
0xf9: {  	v0 =	vld [tilespmem:s8+$0x5860];
	_ =	sdelay $0x4  }
0xfa: {  	[tilespmem:s1+$0x60] =	vst v0  }
0xfb: {  	v0 =	vld [tilespmem:s8+$0x5870];
	_ =	sdelay $0x4  }
0xfc: {  	[tilespmem:s1+$0x70] =	vst v0  }
0xfd: {  	v0 =	vld [tilespmem:s8+$0x5C00];
	_ =	sdelay $0x4  }
0xfe: {  	[tilespmem:s1+$0x400] =	vst v0  }
0xff: {  	v0 =	vld [tilespmem:s8+$0x5C10];
	_ =	sdelay $0x4  }
0x100: {  	[tilespmem:s1+$0x410] =	vst v0  }
0x101: {  	v0 =	vld [tilespmem:s8+$0x5C20];
	_ =	sdelay $0x4  }
0x102: {  	[tilespmem:s1+$0x420] =	vst v0  }
0x103: {  	v0 =	vld [tilespmem:s8+$0x5C30];
	_ =	sdelay $0x4  }
0x104: {  	[tilespmem:s1+$0x430] =	vst v0  }
0x105: {  	v0 =	vld [tilespmem:s8+$0x5C40];
	_ =	sdelay $0x4  }
0x106: {  	[tilespmem:s1+$0x440] =	vst v0  }
0x107: {  	v0 =	vld [tilespmem:s8+$0x5C50];
	_ =	sdelay $0x4  }
0x108: {  	[tilespmem:s1+$0x450] =	vst v0  }
0x109: {  	v0 =	vld [tilespmem:s8+$0x5C60];
	_ =	sdelay $0x4  }
0x10a: {  	[tilespmem:s1+$0x460] =	vst v0  }
0x10b: {  	v0 =	vld [tilespmem:s8+$0x5C70]  }
.LBB2_7:
0x10c: {  	_ = 	snop  }
0x10d: {  	p0 =	sne.s32 s29, $0x2780;
	s8 =	smov.u32 s0  }
0x10e: {  	s0 =	sadd.s32 $0x100, s0;
	s11 =	smov.u32 s29;
	s29 =	sadd.s32 $0x80, s29  }
0x10f: {  	s4 =	sand.u32 $0xF800, s0;
	s14 =	sand.u32 $0x380, s29  }
0x110: {  	s4 =	sor.u32 s14, s4;
	[tilespmem:s1+$0x470] =	vst v0  }
0x111: {  	v0 =	vld [tilespmem:s4+$0x5800];
	_ =	sdelay $0x2  }
0x112: {  	s1 =	sand.u32 $0x7800, s8;
	s8 =	sand.u32 $0x380, s11  }
0x113: {  	s1 =	sor.u32 s8, s1  }
0x114: {  	[tilespmem:s1+$0x15000] =	vst v0  }
0x115: {  	v0 =	vld [tilespmem:s4+$0x5810];
	_ =	sdelay $0x3  }
0x116: {  	s1 =	sadd.s32 $0x15000, s1  }
0x117: {  	[tilespmem:s1+$0x10] =	vst v0  }
0x118: {  	v0 =	vld [tilespmem:s4+$0x5820];
	_ =	sdelay $0x4  }
0x119: {  	[tilespmem:s1+$0x20] =	vst v0  }
0x11a: {  	v0 =	vld [tilespmem:s4+$0x5830];
	_ =	sdelay $0x4  }
0x11b: {  	[tilespmem:s1+$0x30] =	vst v0  }
0x11c: {  	v0 =	vld [tilespmem:s4+$0x5840];
	_ =	sdelay $0x4  }
0x11d: {  	[tilespmem:s1+$0x40] =	vst v0  }
0x11e: {  	v0 =	vld [tilespmem:s4+$0x5850];
	_ =	sdelay $0x4  }
0x11f: {  	[tilespmem:s1+$0x50] =	vst v0  }
0x120: {  	v0 =	vld [tilespmem:s4+$0x5860];
	_ =	sdelay $0x4  }
0x121: {  	[tilespmem:s1+$0x60] =	vst v0  }
0x122: {  	v0 =	vld [tilespmem:s4+$0x5870];
	_ =	sdelay $0x4  }
0x123: {  	[tilespmem:s1+$0x70] =	vst v0  }
0x124: {  	v0 =	vld [tilespmem:s4+$0x5C00];
	_ =	sdelay $0x4  }
0x125: {  	[tilespmem:s1+$0x400] =	vst v0  }
0x126: {  	v0 =	vld [tilespmem:s4+$0x5C10];
	_ =	sdelay $0x4  }
0x127: {  	[tilespmem:s1+$0x410] =	vst v0  }
0x128: {  	v0 =	vld [tilespmem:s4+$0x5C20];
	_ =	sdelay $0x4  }
0x129: {  	[tilespmem:s1+$0x420] =	vst v0  }
0x12a: {  	v0 =	vld [tilespmem:s4+$0x5C30];
	_ =	sdelay $0x4  }
0x12b: {  	[tilespmem:s1+$0x430] =	vst v0  }
0x12c: {  	v0 =	vld [tilespmem:s4+$0x5C40];
	_ =	sdelay $0x4  }
0x12d: {  	[tilespmem:s1+$0x440] =	vst v0  }
0x12e: {  	v0 =	vld [tilespmem:s4+$0x5C50];
	_ =	sdelay $0x4  }
0x12f: {  	[tilespmem:s1+$0x450] =	vst v0  }
0x130: {  	v0 =	vld [tilespmem:s4+$0x5C60];
	_ =	sdelay $0x1  }
.Ltmp2:
0x131: {  	(pc) =	sbr.rel @p0 .LBB2_7-.Ltmp2, $3  }
0x132: {  	_ =	sdelay $0x1  }
0x133: {  	[tilespmem:s1+$0x460] =	vst v0  }
0x134: {  	v0 =	vld [tilespmem:s4+$0x5C70]  }
0x135: {  	_ =	sdelay $0x3  }
0x136: {  	s0 =	sadd.s32 $0x320000, s26;
	s14 =	simm.s32 $0x180;
	s29 =	simm.s32 $0x300;
	[tilespmem:s1+$0x470] =	vst v0  }
0x137: {  	[hbm4b:s0+s9] =	stream.strided.scatter [tilespmem:s18], [sflag:$0x7], $0x5000, s10, s9, $0x38;
	[tilespmem:$0x1F000] =	vst v63  }
0x138: {  	s1 =	sand.u32 $0xF800, s29;
	s0 =	sand.u32 $0x380, s14  }
0x139: {  	s4 =	sor.u32 s0, s1  }
0x13a: {  	v0 =	vld [tilespmem:s4+$0x5800];
	_ =	sdelay $0x1  }
0x13b: {  	s30 =	simm.s32 $0x0;
	s31 =	simm.s32 $0x0  }
0x13c: {  	s0 =	sand.u32 $0x7800, s30;
	s1 =	sand.u32 $0x380, s31  }
0x13d: {  	s0 =	sor.u32 s1, s0  }
0x13e: {  	[tilespmem:s0+$0x1A000] =	vst v0  }
0x13f: {  	v0 =	vld [tilespmem:s4+$0x5810];
	_ =	sdelay $0x3  }
0x140: {  	s0 =	sadd.s32 $0x1A000, s0  }
0x141: {  	[tilespmem:s0+$0x10] =	vst v0  }
0x142: {  	v0 =	vld [tilespmem:s4+$0x5820];
	_ =	sdelay $0x4  }
0x143: {  	[tilespmem:s0+$0x20] =	vst v0  }
0x144: {  	v0 =	vld [tilespmem:s4+$0x5830];
	_ =	sdelay $0x4  }
0x145: {  	[tilespmem:s0+$0x30] =	vst v0  }
0x146: {  	v0 =	vld [tilespmem:s4+$0x5840];
	_ =	sdelay $0x4  }
0x147: {  	[tilespmem:s0+$0x40] =	vst v0  }
0x148: {  	v0 =	vld [tilespmem:s4+$0x5850];
	_ =	sdelay $0x4  }
0x149: {  	[tilespmem:s0+$0x50] =	vst v0  }
0x14a: {  	v0 =	vld [tilespmem:s4+$0x5860];
	_ =	sdelay $0x4  }
0x14b: {  	[tilespmem:s0+$0x60] =	vst v0  }
0x14c: {  	v0 =	vld [tilespmem:s4+$0x5870];
	_ =	sdelay $0x4  }
0x14d: {  	[tilespmem:s0+$0x70] =	vst v0  }
0x14e: {  	v0 =	vld [tilespmem:s4+$0x5C00];
	_ =	sdelay $0x4  }
0x14f: {  	[tilespmem:s0+$0x400] =	vst v0  }
0x150: {  	v0 =	vld [tilespmem:s4+$0x5C10];
	_ =	sdelay $0x4  }
0x151: {  	[tilespmem:s0+$0x410] =	vst v0  }
0x152: {  	v0 =	vld [tilespmem:s4+$0x5C20];
	_ =	sdelay $0x4  }
0x153: {  	[tilespmem:s0+$0x420] =	vst v0  }
0x154: {  	v0 =	vld [tilespmem:s4+$0x5C30];
	_ =	sdelay $0x4  }
0x155: {  	[tilespmem:s0+$0x430] =	vst v0  }
0x156: {  	v0 =	vld [tilespmem:s4+$0x5C40];
	_ =	sdelay $0x4  }
0x157: {  	[tilespmem:s0+$0x440] =	vst v0  }
0x158: {  	v0 =	vld [tilespmem:s4+$0x5C50];
	_ =	sdelay $0x4  }
0x159: {  	[tilespmem:s0+$0x450] =	vst v0  }
0x15a: {  	v0 =	vld [tilespmem:s4+$0x5C60];
	_ =	sdelay $0x4  }
0x15b: {  	[tilespmem:s0+$0x460] =	vst v0  }
0x15c: {  	v0 =	vld [tilespmem:s4+$0x5C70];
	_ =	sdelay $0x1  }
0x15d: {  	s11 =	simm.s32 $0x400  }
0x15e: {  	s8 =	simm.s32 $0x280;
	s1 =	simm.s32 $0x200;
	s4 =	simm.s32 $0x100  }
.LBB2_9:
0x15f: {  	p0 =	sne.s32 s8, $0x2900;
	s11 =	sand.u32 $0xF800, s11;
	s14 =	sand.u32 $0x380, s1  }
0x160: {  	s11 =	sor.u32 s14, s11;
	[tilespmem:s0+$0x470] =	vst v0  }
0x161: {  	v0 =	vld [tilespmem:s11+$0x5800];
	_ =	sdelay $0x1  }
0x162: {  	s0 =	sadd.s32 $0xFFFFFE80, s1;
	s1 =	smov.u32 s8  }
0x163: {  	s14 =	sand.u32 $0x7800, s4;
	s0 =	sand.u32 $0x380, s0  }
0x164: {  	s0 =	sor.u32 s0, s14  }
0x165: {  	[tilespmem:s0+$0x1A000] =	vst v0  }
0x166: {  	v0 =	vld [tilespmem:s11+$0x5810];
	_ =	sdelay $0x3  }
0x167: {  	s0 =	sadd.s32 $0x1A000, s0  }
0x168: {  	[tilespmem:s0+$0x10] =	vst v0  }
0x169: {  	v0 =	vld [tilespmem:s11+$0x5820];
	_ =	sdelay $0x4  }
0x16a: {  	[tilespmem:s0+$0x20] =	vst v0  }
0x16b: {  	v0 =	vld [tilespmem:s11+$0x5830];
	_ =	sdelay $0x4  }
0x16c: {  	[tilespmem:s0+$0x30] =	vst v0  }
0x16d: {  	v0 =	vld [tilespmem:s11+$0x5840];
	_ =	sdelay $0x4  }
0x16e: {  	[tilespmem:s0+$0x40] =	vst v0  }
0x16f: {  	v0 =	vld [tilespmem:s11+$0x5850];
	_ =	sdelay $0x4  }
0x170: {  	[tilespmem:s0+$0x50] =	vst v0  }
0x171: {  	v0 =	vld [tilespmem:s11+$0x5860];
	_ =	sdelay $0x4  }
0x172: {  	[tilespmem:s0+$0x60] =	vst v0  }
0x173: {  	v0 =	vld [tilespmem:s11+$0x5870];
	_ =	sdelay $0x4  }
0x174: {  	[tilespmem:s0+$0x70] =	vst v0  }
0x175: {  	v0 =	vld [tilespmem:s11+$0x5C00];
	_ =	sdelay $0x4  }
0x176: {  	[tilespmem:s0+$0x400] =	vst v0  }
0x177: {  	v0 =	vld [tilespmem:s11+$0x5C10];
	_ =	sdelay $0x4  }
0x178: {  	[tilespmem:s0+$0x410] =	vst v0  }
0x179: {  	v0 =	vld [tilespmem:s11+$0x5C20];
	_ =	sdelay $0x4  }
0x17a: {  	[tilespmem:s0+$0x420] =	vst v0  }
0x17b: {  	v0 =	vld [tilespmem:s11+$0x5C30];
	_ =	sdelay $0x4  }
0x17c: {  	[tilespmem:s0+$0x430] =	vst v0  }
0x17d: {  	v0 =	vld [tilespmem:s11+$0x5C40];
	_ =	sdelay $0x4  }
0x17e: {  	[tilespmem:s0+$0x440] =	vst v0  }
0x17f: {  	v0 =	vld [tilespmem:s11+$0x5C50];
	_ =	sdelay $0x4  }
0x180: {  	[tilespmem:s0+$0x450] =	vst v0  }
0x181: {  	v0 =	vld [tilespmem:s11+$0x5C60];
	_ =	sdelay $0x4  }
.Ltmp3:
0x182: {  	[tilespmem:s0+$0x460] =	vst v0;
	(pc) =	sbr.rel @p0 .LBB2_9-.Ltmp3, $3  }
0x183: {  	v0 =	vld [tilespmem:s11+$0x5C70];
	_ =	sdelay $0x1  }
0x184: {  	s4 =	sadd.s32 $0x100, s4  }
0x185: {  	s8 =	sadd.s32 $0x80, s8;
	s11 =	sadd.s32 $0x300, s4  }
0x186: {  	s8 =	sand.u32 $0xF800, s11;
	s14 =	sand.u32 $0x380, s1  }
0x187: {  	s8 =	sor.u32 s14, s8;
	[tilespmem:s0+$0x470] =	vst v0  }
0x188: {  	v0 =	vld [tilespmem:s8+$0x5800];
	_ =	sdelay $0x1  }
0x189: {  	s29 =	sadd.s32 $0xFFFFFE80, s1  }
0x18a: {  	s30 =	sand.u32 $0x7800, s4;
	s0 =	sand.u32 $0x380, s29  }
0x18b: {  	s0 =	sor.u32 s0, s30  }
0x18c: {  	[tilespmem:s0+$0x1A000] =	vst v0  }
0x18d: {  	v0 =	vld [tilespmem:s8+$0x5810];
	_ =	sdelay $0x3  }
0x18e: {  	s0 =	sadd.s32 $0x1A000, s0  }
0x18f: {  	[tilespmem:s0+$0x10] =	vst v0  }
0x190: {  	v0 =	vld [tilespmem:s8+$0x5820];
	_ =	sdelay $0x4  }
0x191: {  	[tilespmem:s0+$0x20] =	vst v0  }
0x192: {  	v0 =	vld [tilespmem:s8+$0x5830];
	_ =	sdelay $0x4  }
0x193: {  	[tilespmem:s0+$0x30] =	vst v0  }
0x194: {  	v0 =	vld [tilespmem:s8+$0x5840];
	_ =	sdelay $0x4  }
0x195: {  	[tilespmem:s0+$0x40] =	vst v0  }
0x196: {  	v0 =	vld [tilespmem:s8+$0x5850];
	_ =	sdelay $0x4  }
0x197: {  	[tilespmem:s0+$0x50] =	vst v0  }
0x198: {  	v0 =	vld [tilespmem:s8+$0x5860];
	_ =	sdelay $0x4  }
0x199: {  	[tilespmem:s0+$0x60] =	vst v0  }
0x19a: {  	v0 =	vld [tilespmem:s8+$0x5870];
	_ =	sdelay $0x4  }
0x19b: {  	[tilespmem:s0+$0x70] =	vst v0  }
0x19c: {  	v0 =	vld [tilespmem:s8+$0x5C00];
	_ =	sdelay $0x4  }
0x19d: {  	[tilespmem:s0+$0x400] =	vst v0  }
0x19e: {  	v0 =	vld [tilespmem:s8+$0x5C10];
	_ =	sdelay $0x4  }
0x19f: {  	[tilespmem:s0+$0x410] =	vst v0  }
0x1a0: {  	v0 =	vld [tilespmem:s8+$0x5C20];
	_ =	sdelay $0x4  }
0x1a1: {  	[tilespmem:s0+$0x420] =	vst v0  }
0x1a2: {  	v0 =	vld [tilespmem:s8+$0x5C30];
	_ =	sdelay $0x4  }
0x1a3: {  	[tilespmem:s0+$0x430] =	vst v0  }
0x1a4: {  	v0 =	vld [tilespmem:s8+$0x5C40];
	_ =	sdelay $0x4  }
0x1a5: {  	[tilespmem:s0+$0x440] =	vst v0  }
0x1a6: {  	v0 =	vld [tilespmem:s8+$0x5C50];
	_ =	sdelay $0x4  }
0x1a7: {  	[tilespmem:s0+$0x450] =	vst v0  }
0x1a8: {  	v0 =	vld [tilespmem:s8+$0x5C60];
	_ =	sdelay $0x4  }
0x1a9: {  	[tilespmem:s0+$0x460] =	vst v0  }
0x1aa: {  	v0 =	vld [tilespmem:s8+$0x5C70];
	_ =	sdelay $0x4  }
0x1ab: {  	s31 =	sadd.s32 $0x640000, s26;
	[tilespmem:s0+$0x470] =	vst v0  }
0x1ac: {  	[hbm4b:s31+s9] =	stream.strided.scatter [tilespmem:s19], [sflag:$0x8], $0x5000, s10, s9, $0x38;
	[tilespmem:$0x1F000] =	vst v63  }
0x1ad: {  	_ =	swait.ge [sflag:s20], $0x5000  }
0x1ae: {  	[sflag:s20] =	ssyncset.done $0x0  }
0x1af: {  	[sflag:s20] =	ssyncadd.s32 $0xFFFFB000  }
0x1b0: {  	_ =	swait.ge [sflag:s21], $0x5000  }
0x1b1: {  	[sflag:s21] =	ssyncset.done $0x0  }
0x1b2: {  	[sflag:s21] =	ssyncadd.s32 $0xFFFFB000  }
0x1b3: {  	_ =	swait.ge [sflag:s22], $0x5000  }
0x1b4: {  	[sflag:s22] =	ssyncset.done $0x0  }
0x1b5: {  	[sflag:s22] =	ssyncadd.s32 $0xFFFFB000  }
0x1b6: {  	_ =	swait.ge [sflag:s23], $0x5000  }
0x1b7: {  	[sflag:s23] =	ssyncset.done $0x0  }
0x1b8: {  	s28 =	sadd.s32 $0x1, s28;
	[sflag:s23] =	ssyncadd.s32 $0xFFFFB000  }
0x1b9: {  	p0 =	sne.s32 s28, $0xA;
	_ =	swait.ge [sflag:s24], $0x5000  }
.Ltmp4:
0x1ba: {  	[sflag:s24] =	ssyncset.done $0x0;
	(pc) =	sbr.rel @p0 .LBB2_2-.Ltmp4, $4  }
0x1bb: {  	[sflag:s24] =	ssyncadd.s32 $0xFFFFB000  }
0x1bc: {  	_ =	swait.ge [sflag:s25], $0x5000  }
0x1bd: {  	[sflag:s25] =	ssyncset.done $0x0  }
0x1be: {  	s26 =	simm.s32 $0x0;
	[sflag:s25] =	ssyncadd.s32 $0xFFFFB000  }
0x1bf: {  	s28 =	simm.s32 $0x0  }
.LBB2_12:
0x1c0: {  	s0 =	smul.u32 $0x280000, s28;
	_ =	sdelay $0x1  }
0x1c1: {  	s0 =	sor.u32 s7, s0  }
0x1c2: {  	s1 =	sshrl.u32 s0, $0x3;
	s0 =	sadd.s32 $0x140000, s0  }
0x1c3: {  	s4 =	sadd.s32 s2, s1;
	s29 =	sshrl.u32 s0, $0x3  }
0x1c4: {  	[tilespmem:s26], [sflag:$0x1] =	stream.strided.gather [hbm4b:s4+s9], $0x5000, s10, s9, $0x38;
	[tilespmem:$0x1F000] =	vst v63  }
0x1c5: {  	s30 =	sadd.s32 s2, s29  }
0x1c6: {  	[tilespmem:s15], [sflag:$0x2] =	stream.linear.gather [hbm4b:s30+s26], $0x800, $0x38;
	[tilespmem:$0x1F000] =	vst v63  }
0x1c7: {  	_ =	swait.ge [sflag:s12], $0x5000  }
0x1c8: {  	[sflag:s12] =	ssyncset.done $0x0  }
0x1c9: {  	s8 =	simm.s32 $0x80;
	[sflag:s12] =	ssyncadd.s32 $0xFFFFB000  }
0x1ca: {  	s31 =	sadd.s32 s3, s1;
	s1 =	simm.s32 $0x100;
	_ =	swait.ge [sflag:s13], $0x800  }
0x1cb: {  	s14 =	sand.u32 $0x380, s8;
	s11 =	sand.u32 $0xF800, s1;
	[sflag:s13] =	ssyncset.done $0x0  }
0x1cc: {  	s11 =	sor.u32 s14, s11;
	[sflag:s13] =	ssyncadd.s32 $0xFFFFF800  }
0x1cd: {  	[hbm4b:s31+s9] =	stream.strided.scatter [tilespmem:s26], [sflag:$0x3], $0x5000, s10, s9, $0x38;
	[tilespmem:$0x1F000] =	vst v63  }
0x1ce: {  	v0 =	vld [tilespmem:s11+$0x0];
	_ =	sdelay $0x2  }
0x1cf: {  	s17 =	sand.u32 $0x380, s26;
	s15 =	sand.u32 $0x7800, s26  }
0x1d0: {  	s4 =	sor.u32 s17, s15  }
0x1d1: {  	[tilespmem:s4+$0xB000] =	vst v0  }
0x1d2: {  	v0 =	vld [tilespmem:s11+$0x10];
	_ =	sdelay $0x4  }
0x1d3: {  	[tilespmem:s4+$0xB010] =	vst v0  }
0x1d4: {  	v0 =	vld [tilespmem:s11+$0x20];
	_ =	sdelay $0x4  }
0x1d5: {  	[tilespmem:s4+$0xB020] =	vst v0  }
0x1d6: {  	v0 =	vld [tilespmem:s11+$0x30];
	_ =	sdelay $0x4  }
0x1d7: {  	[tilespmem:s4+$0xB030] =	vst v0  }
0x1d8: {  	v0 =	vld [tilespmem:s11+$0x40];
	_ =	sdelay $0x4  }
0x1d9: {  	[tilespmem:s4+$0xB040] =	vst v0  }
0x1da: {  	v0 =	vld [tilespmem:s11+$0x50];
	_ =	sdelay $0x4  }
0x1db: {  	[tilespmem:s4+$0xB050] =	vst v0  }
0x1dc: {  	v0 =	vld [tilespmem:s11+$0x60];
	_ =	sdelay $0x4  }
0x1dd: {  	[tilespmem:s4+$0xB060] =	vst v0  }
0x1de: {  	v0 =	vld [tilespmem:s11+$0x70];
	_ =	sdelay $0x4  }
0x1df: {  	[tilespmem:s4+$0xB070] =	vst v0  }
0x1e0: {  	v0 =	vld [tilespmem:s11+$0x400];
	_ =	sdelay $0x4  }
0x1e1: {  	[tilespmem:s4+$0xB400] =	vst v0  }
0x1e2: {  	v0 =	vld [tilespmem:s11+$0x410];
	_ =	sdelay $0x4  }
0x1e3: {  	[tilespmem:s4+$0xB410] =	vst v0  }
0x1e4: {  	v0 =	vld [tilespmem:s11+$0x420];
	_ =	sdelay $0x4  }
0x1e5: {  	[tilespmem:s4+$0xB420] =	vst v0  }
0x1e6: {  	v0 =	vld [tilespmem:s11+$0x430];
	_ =	sdelay $0x4  }
0x1e7: {  	[tilespmem:s4+$0xB430] =	vst v0  }
0x1e8: {  	v0 =	vld [tilespmem:s11+$0x440];
	_ =	sdelay $0x4  }
0x1e9: {  	[tilespmem:s4+$0xB440] =	vst v0  }
0x1ea: {  	v0 =	vld [tilespmem:s11+$0x450];
	_ =	sdelay $0x4  }
0x1eb: {  	[tilespmem:s4+$0xB450] =	vst v0  }
0x1ec: {  	v0 =	vld [tilespmem:s11+$0x460];
	_ =	sdelay $0x4  }
0x1ed: {  	[tilespmem:s4+$0xB460] =	vst v0  }
0x1ee: {  	s0 =	smul.u32 $0xA0, s28;
	v0 =	vld [tilespmem:s11+$0x470]  }
.LBB2_13:
0x1ef: {  	_ = 	snop  }
0x1f0: {  	p0 =	sne.s32 s8, $0x2780;
	s14 =	smov.u32 s1  }
0x1f1: {  	s1 =	sadd.s32 $0x100, s1;
	s15 =	smov.u32 s8;
	s8 =	sadd.s32 $0x80, s8  }
0x1f2: {  	s11 =	sand.u32 $0xF800, s1;
	s17 =	sand.u32 $0x380, s8  }
0x1f3: {  	s11 =	sor.u32 s17, s11;
	[tilespmem:s4+$0xB470] =	vst v0  }
0x1f4: {  	v0 =	vld [tilespmem:s11+$0x0];
	_ =	sdelay $0x2  }
0x1f5: {  	s4 =	sand.u32 $0x7800, s14;
	s14 =	sand.u32 $0x380, s15  }
0x1f6: {  	s4 =	sor.u32 s14, s4  }
0x1f7: {  	[tilespmem:s4+$0xB000] =	vst v0  }
0x1f8: {  	v0 =	vld [tilespmem:s11+$0x10];
	_ =	sdelay $0x4  }
0x1f9: {  	[tilespmem:s4+$0xB010] =	vst v0  }
0x1fa: {  	v0 =	vld [tilespmem:s11+$0x20];
	_ =	sdelay $0x4  }
0x1fb: {  	[tilespmem:s4+$0xB020] =	vst v0  }
0x1fc: {  	v0 =	vld [tilespmem:s11+$0x30];
	_ =	sdelay $0x4  }
0x1fd: {  	[tilespmem:s4+$0xB030] =	vst v0  }
0x1fe: {  	v0 =	vld [tilespmem:s11+$0x40];
	_ =	sdelay $0x4  }
0x1ff: {  	[tilespmem:s4+$0xB040] =	vst v0  }
0x200: {  	v0 =	vld [tilespmem:s11+$0x50];
	_ =	sdelay $0x4  }
0x201: {  	[tilespmem:s4+$0xB050] =	vst v0  }
0x202: {  	v0 =	vld [tilespmem:s11+$0x60];
	_ =	sdelay $0x4  }
0x203: {  	[tilespmem:s4+$0xB060] =	vst v0  }
0x204: {  	v0 =	vld [tilespmem:s11+$0x70];
	_ =	sdelay $0x4  }
0x205: {  	[tilespmem:s4+$0xB070] =	vst v0  }
0x206: {  	v0 =	vld [tilespmem:s11+$0x400];
	_ =	sdelay $0x4  }
0x207: {  	[tilespmem:s4+$0xB400] =	vst v0  }
0x208: {  	v0 =	vld [tilespmem:s11+$0x410];
	_ =	sdelay $0x4  }
0x209: {  	[tilespmem:s4+$0xB410] =	vst v0  }
0x20a: {  	v0 =	vld [tilespmem:s11+$0x420];
	_ =	sdelay $0x4  }
0x20b: {  	[tilespmem:s4+$0xB420] =	vst v0  }
0x20c: {  	v0 =	vld [tilespmem:s11+$0x430];
	_ =	sdelay $0x4  }
0x20d: {  	[tilespmem:s4+$0xB430] =	vst v0  }
0x20e: {  	v0 =	vld [tilespmem:s11+$0x440];
	_ =	sdelay $0x4  }
0x20f: {  	[tilespmem:s4+$0xB440] =	vst v0  }
0x210: {  	v0 =	vld [tilespmem:s11+$0x450];
	_ =	sdelay $0x4  }
0x211: {  	[tilespmem:s4+$0xB450] =	vst v0  }
0x212: {  	v0 =	vld [tilespmem:s11+$0x460];
	_ =	sdelay $0x1  }
.Ltmp5:
0x213: {  	(pc) =	sbr.rel @p0 .LBB2_13-.Ltmp5, $3  }
0x214: {  	_ =	sdelay $0x1  }
0x215: {  	[tilespmem:s4+$0xB460] =	vst v0  }
0x216: {  	v0 =	vld [tilespmem:s11+$0x470]  }
0x217: {  	_ =	sdelay $0x2  }
0x218: {  	s1 =	sadd.s32 $0x320000, s31  }
0x219: {  	s8 =	simm.s32 $0xB000;
	s11 =	simm.s32 $0x180;
	s14 =	simm.s32 $0x300;
	[tilespmem:s4+$0xB470] =	vst v0  }
0x21a: {  	[hbm4b:s1+s9] =	stream.strided.scatter [tilespmem:s8], [sflag:$0x4], $0x5000, s10, s9, $0x38;
	[tilespmem:$0x1F000] =	vst v63  }
0x21b: {  	s4 =	sand.u32 $0xF800, s14;
	s1 =	sand.u32 $0x380, s11  }
0x21c: {  	s8 =	sor.u32 s1, s4  }
0x21d: {  	v0 =	vld [tilespmem:s8+$0x0];
	_ =	sdelay $0x1  }
0x21e: {  	s15 =	simm.s32 $0x0;
	s17 =	simm.s32 $0x0  }
0x21f: {  	s1 =	sand.u32 $0x7800, s15;
	s4 =	sand.u32 $0x380, s17  }
0x220: {  	s1 =	sor.u32 s4, s1  }
0x221: {  	[tilespmem:s1+$0x10000] =	vst v0  }
0x222: {  	v0 =	vld [tilespmem:s8+$0x10];
	_ =	sdelay $0x4  }
0x223: {  	[tilespmem:s1+$0x10010] =	vst v0  }
0x224: {  	v0 =	vld [tilespmem:s8+$0x20];
	_ =	sdelay $0x4  }
0x225: {  	[tilespmem:s1+$0x10020] =	vst v0  }
0x226: {  	v0 =	vld [tilespmem:s8+$0x30];
	_ =	sdelay $0x4  }
0x227: {  	[tilespmem:s1+$0x10030] =	vst v0  }
0x228: {  	v0 =	vld [tilespmem:s8+$0x40];
	_ =	sdelay $0x4  }
0x229: {  	[tilespmem:s1+$0x10040] =	vst v0  }
0x22a: {  	v0 =	vld [tilespmem:s8+$0x50];
	_ =	sdelay $0x4  }
0x22b: {  	[tilespmem:s1+$0x10050] =	vst v0  }
0x22c: {  	v0 =	vld [tilespmem:s8+$0x60];
	_ =	sdelay $0x4  }
0x22d: {  	[tilespmem:s1+$0x10060] =	vst v0  }
0x22e: {  	v0 =	vld [tilespmem:s8+$0x70];
	_ =	sdelay $0x4  }
0x22f: {  	[tilespmem:s1+$0x10070] =	vst v0  }
0x230: {  	v0 =	vld [tilespmem:s8+$0x400];
	_ =	sdelay $0x4  }
0x231: {  	[tilespmem:s1+$0x10400] =	vst v0  }
0x232: {  	v0 =	vld [tilespmem:s8+$0x410];
	_ =	sdelay $0x4  }
0x233: {  	[tilespmem:s1+$0x10410] =	vst v0  }
0x234: {  	v0 =	vld [tilespmem:s8+$0x420];
	_ =	sdelay $0x4  }
0x235: {  	[tilespmem:s1+$0x10420] =	vst v0  }
0x236: {  	v0 =	vld [tilespmem:s8+$0x430];
	_ =	sdelay $0x4  }
0x237: {  	[tilespmem:s1+$0x10430] =	vst v0  }
0x238: {  	v0 =	vld [tilespmem:s8+$0x440];
	_ =	sdelay $0x4  }
0x239: {  	[tilespmem:s1+$0x10440] =	vst v0  }
0x23a: {  	v0 =	vld [tilespmem:s8+$0x450];
	_ =	sdelay $0x4  }
0x23b: {  	[tilespmem:s1+$0x10450] =	vst v0  }
0x23c: {  	v0 =	vld [tilespmem:s8+$0x460];
	_ =	sdelay $0x4  }
0x23d: {  	[tilespmem:s1+$0x10460] =	vst v0  }
0x23e: {  	v0 =	vld [tilespmem:s8+$0x470];
	_ =	sdelay $0x1  }
0x23f: {  	s14 =	simm.s32 $0x400  }
0x240: {  	s11 =	simm.s32 $0x280;
	s4 =	simm.s32 $0x200;
	s8 =	simm.s32 $0x100  }
.LBB2_15:
0x241: {  	p0 =	sne.s32 s11, $0x2900;
	s14 =	sand.u32 $0xF800, s14;
	s15 =	sand.u32 $0x380, s4  }
0x242: {  	s14 =	sor.u32 s15, s14;
	[tilespmem:s1+$0x10470] =	vst v0  }
0x243: {  	v0 =	vld [tilespmem:s14+$0x0];
	_ =	sdelay $0x1  }
0x244: {  	s1 =	sadd.s32 $0xFFFFFE80, s4;
	s4 =	smov.u32 s11  }
0x245: {  	s15 =	sand.u32 $0x7800, s8;
	s1 =	sand.u32 $0x380, s1  }
0x246: {  	s1 =	sor.u32 s1, s15  }
0x247: {  	[tilespmem:s1+$0x10000] =	vst v0  }
0x248: {  	v0 =	vld [tilespmem:s14+$0x10];
	_ =	sdelay $0x4  }
0x249: {  	[tilespmem:s1+$0x10010] =	vst v0  }
0x24a: {  	v0 =	vld [tilespmem:s14+$0x20];
	_ =	sdelay $0x4  }
0x24b: {  	[tilespmem:s1+$0x10020] =	vst v0  }
0x24c: {  	v0 =	vld [tilespmem:s14+$0x30];
	_ =	sdelay $0x4  }
0x24d: {  	[tilespmem:s1+$0x10030] =	vst v0  }
0x24e: {  	v0 =	vld [tilespmem:s14+$0x40];
	_ =	sdelay $0x4  }
0x24f: {  	[tilespmem:s1+$0x10040] =	vst v0  }
0x250: {  	v0 =	vld [tilespmem:s14+$0x50];
	_ =	sdelay $0x4  }
0x251: {  	[tilespmem:s1+$0x10050] =	vst v0  }
0x252: {  	v0 =	vld [tilespmem:s14+$0x60];
	_ =	sdelay $0x4  }
0x253: {  	[tilespmem:s1+$0x10060] =	vst v0  }
0x254: {  	v0 =	vld [tilespmem:s14+$0x70];
	_ =	sdelay $0x4  }
0x255: {  	[tilespmem:s1+$0x10070] =	vst v0  }
0x256: {  	v0 =	vld [tilespmem:s14+$0x400];
	_ =	sdelay $0x4  }
0x257: {  	[tilespmem:s1+$0x10400] =	vst v0  }
0x258: {  	v0 =	vld [tilespmem:s14+$0x410];
	_ =	sdelay $0x4  }
0x259: {  	[tilespmem:s1+$0x10410] =	vst v0  }
0x25a: {  	v0 =	vld [tilespmem:s14+$0x420];
	_ =	sdelay $0x4  }
0x25b: {  	[tilespmem:s1+$0x10420] =	vst v0  }
0x25c: {  	v0 =	vld [tilespmem:s14+$0x430];
	_ =	sdelay $0x4  }
0x25d: {  	[tilespmem:s1+$0x10430] =	vst v0  }
0x25e: {  	v0 =	vld [tilespmem:s14+$0x440];
	_ =	sdelay $0x4  }
0x25f: {  	[tilespmem:s1+$0x10440] =	vst v0  }
0x260: {  	v0 =	vld [tilespmem:s14+$0x450];
	_ =	sdelay $0x4  }
0x261: {  	[tilespmem:s1+$0x10450] =	vst v0  }
0x262: {  	v0 =	vld [tilespmem:s14+$0x460];
	_ =	sdelay $0x4  }
.Ltmp6:
0x263: {  	[tilespmem:s1+$0x10460] =	vst v0;
	(pc) =	sbr.rel @p0 .LBB2_15-.Ltmp6, $3  }
0x264: {  	v0 =	vld [tilespmem:s14+$0x470];
	_ =	sdelay $0x1  }
0x265: {  	s8 =	sadd.s32 $0x100, s8  }
0x266: {  	s11 =	sadd.s32 $0x80, s11;
	s14 =	sadd.s32 $0x300, s8  }
0x267: {  	s11 =	sand.u32 $0xF800, s14;
	s17 =	sand.u32 $0x380, s4  }
0x268: {  	s11 =	sor.u32 s17, s11;
	[tilespmem:s1+$0x10470] =	vst v0  }
0x269: {  	v0 =	vld [tilespmem:s11+$0x0];
	_ =	sdelay $0x1  }
0x26a: {  	s4 =	sadd.s32 $0xFFFFFE80, s4  }
0x26b: {  	s8 =	sand.u32 $0x7800, s8;
	s1 =	sand.u32 $0x380, s4  }
0x26c: {  	s1 =	sor.u32 s1, s8  }
0x26d: {  	[tilespmem:s1+$0x10000] =	vst v0  }
0x26e: {  	v0 =	vld [tilespmem:s11+$0x10];
	_ =	sdelay $0x4  }
0x26f: {  	[tilespmem:s1+$0x10010] =	vst v0  }
0x270: {  	v0 =	vld [tilespmem:s11+$0x20];
	_ =	sdelay $0x4  }
0x271: {  	[tilespmem:s1+$0x10020] =	vst v0  }
0x272: {  	v0 =	vld [tilespmem:s11+$0x30];
	_ =	sdelay $0x4  }
0x273: {  	[tilespmem:s1+$0x10030] =	vst v0  }
0x274: {  	v0 =	vld [tilespmem:s11+$0x40];
	_ =	sdelay $0x4  }
0x275: {  	[tilespmem:s1+$0x10040] =	vst v0  }
0x276: {  	v0 =	vld [tilespmem:s11+$0x50];
	_ =	sdelay $0x4  }
0x277: {  	[tilespmem:s1+$0x10050] =	vst v0  }
0x278: {  	v0 =	vld [tilespmem:s11+$0x60];
	_ =	sdelay $0x4  }
0x279: {  	[tilespmem:s1+$0x10060] =	vst v0  }
0x27a: {  	v0 =	vld [tilespmem:s11+$0x70];
	_ =	sdelay $0x4  }
0x27b: {  	[tilespmem:s1+$0x10070] =	vst v0  }
0x27c: {  	v0 =	vld [tilespmem:s11+$0x400];
	_ =	sdelay $0x4  }
0x27d: {  	[tilespmem:s1+$0x10400] =	vst v0  }
0x27e: {  	v0 =	vld [tilespmem:s11+$0x410];
	_ =	sdelay $0x4  }
0x27f: {  	[tilespmem:s1+$0x10410] =	vst v0  }
0x280: {  	v0 =	vld [tilespmem:s11+$0x420];
	_ =	sdelay $0x4  }
0x281: {  	[tilespmem:s1+$0x10420] =	vst v0  }
0x282: {  	v0 =	vld [tilespmem:s11+$0x430];
	_ =	sdelay $0x4  }
0x283: {  	[tilespmem:s1+$0x10430] =	vst v0  }
0x284: {  	v0 =	vld [tilespmem:s11+$0x440];
	_ =	sdelay $0x4  }
0x285: {  	[tilespmem:s1+$0x10440] =	vst v0  }
0x286: {  	v0 =	vld [tilespmem:s11+$0x450];
	_ =	sdelay $0x4  }
0x287: {  	[tilespmem:s1+$0x10450] =	vst v0  }
0x288: {  	v0 =	vld [tilespmem:s11+$0x460];
	_ =	sdelay $0x4  }
0x289: {  	[tilespmem:s1+$0x10460] =	vst v0  }
0x28a: {  	v0 =	vld [tilespmem:s11+$0x470];
	_ =	sdelay $0x1  }
0x28b: {  	s0 =	sadd.s32 $0xA0, s0  }
0x28c: {  	p0 =	seq.s32 s0, $0x640;
	s0 =	sshll.u32 s0, $0xE  }
0x28d: {  	s0 =	simm.s32 @p0 $0x0  }
0x28e: {  	s17 =	simm.s32 $0x10000;
	s0 =	sor.u32 s7, s0;
	s11 =	sadd.s32 $0x640000, s31;
	[tilespmem:s1+$0x10470] =	vst v0  }
0x28f: {  	[hbm4b:s11+s9] =	stream.strided.scatter [tilespmem:s17], [sflag:$0x5], $0x5000, s10, s9, $0x38;
	[tilespmem:$0x1F000] =	vst v63  }
0x290: {  	s0 =	sshrl.u32 s0, $0x3  }
0x291: {  	[tilespmem:s16], [sflag:$0x1] =	stream.strided.gather [hbm4b:s30+s9], $0x5000, s10, s9, $0x38;
	[tilespmem:$0x1F000] =	vst v63  }
0x292: {  	s14 =	simm.s32 $0xA800;
	s4 =	simm.s32 $0x0;
	s0 =	sadd.s32 s2, s0  }
0x293: {  	[tilespmem:s14], [sflag:$0x2] =	stream.linear.gather [hbm4b:s0+s4], $0x800, $0x38;
	[tilespmem:$0x1F000] =	vst v63  }
0x294: {  	_ =	swait.ge [sflag:s12], $0x5000  }
0x295: {  	[sflag:s12] =	ssyncset.done $0x0  }
0x296: {  	[sflag:s12] =	ssyncadd.s32 $0xFFFFB000  }
0x297: {  	s1 =	simm.s32 $0x80;
	s0 =	simm.s32 $0x100;
	_ =	swait.ge [sflag:s13], $0x800  }
0x298: {  	s30 =	sand.u32 $0x380, s1;
	s15 =	sand.u32 $0xF800, s0;
	[sflag:s13] =	ssyncset.done $0x0  }
0x299: {  	s29 =	sadd.s32 s3, s29;
	s8 =	sor.u32 s30, s15;
	[sflag:s13] =	ssyncadd.s32 $0xFFFFF800  }
0x29a: {  	[hbm4b:s29+s9] =	stream.strided.scatter [tilespmem:s16], [sflag:$0x6], $0x5000, s10, s9, $0x38;
	[tilespmem:$0x1F000] =	vst v63  }
0x29b: {  	v0 =	vld [tilespmem:s8+$0x5800];
	_ =	sdelay $0x2  }
0x29c: {  	s31 =	sand.u32 $0x7800, s4;
	s4 =	sand.u32 $0x380, s4  }
0x29d: {  	s4 =	sor.u32 s4, s31  }
0x29e: {  	[tilespmem:s4+$0x15000] =	vst v0  }
0x29f: {  	v0 =	vld [tilespmem:s8+$0x5810];
	_ =	sdelay $0x3  }
0x2a0: {  	s4 =	sadd.s32 $0x15000, s4  }
0x2a1: {  	[tilespmem:s4+$0x10] =	vst v0  }
0x2a2: {  	v0 =	vld [tilespmem:s8+$0x5820];
	_ =	sdelay $0x4  }
0x2a3: {  	[tilespmem:s4+$0x20] =	vst v0  }
0x2a4: {  	v0 =	vld [tilespmem:s8+$0x5830];
	_ =	sdelay $0x4  }
0x2a5: {  	[tilespmem:s4+$0x30] =	vst v0  }
0x2a6: {  	v0 =	vld [tilespmem:s8+$0x5840];
	_ =	sdelay $0x4  }
0x2a7: {  	[tilespmem:s4+$0x40] =	vst v0  }
0x2a8: {  	v0 =	vld [tilespmem:s8+$0x5850];
	_ =	sdelay $0x4  }
0x2a9: {  	[tilespmem:s4+$0x50] =	vst v0  }
0x2aa: {  	v0 =	vld [tilespmem:s8+$0x5860];
	_ =	sdelay $0x4  }
0x2ab: {  	[tilespmem:s4+$0x60] =	vst v0  }
0x2ac: {  	v0 =	vld [tilespmem:s8+$0x5870];
	_ =	sdelay $0x4  }
0x2ad: {  	[tilespmem:s4+$0x70] =	vst v0  }
0x2ae: {  	v0 =	vld [tilespmem:s8+$0x5C00];
	_ =	sdelay $0x4  }
0x2af: {  	[tilespmem:s4+$0x400] =	vst v0  }
0x2b0: {  	v0 =	vld [tilespmem:s8+$0x5C10];
	_ =	sdelay $0x4  }
0x2b1: {  	[tilespmem:s4+$0x410] =	vst v0  }
0x2b2: {  	v0 =	vld [tilespmem:s8+$0x5C20];
	_ =	sdelay $0x4  }
0x2b3: {  	[tilespmem:s4+$0x420] =	vst v0  }
0x2b4: {  	v0 =	vld [tilespmem:s8+$0x5C30];
	_ =	sdelay $0x4  }
0x2b5: {  	[tilespmem:s4+$0x430] =	vst v0  }
0x2b6: {  	v0 =	vld [tilespmem:s8+$0x5C40];
	_ =	sdelay $0x4  }
0x2b7: {  	[tilespmem:s4+$0x440] =	vst v0  }
0x2b8: {  	v0 =	vld [tilespmem:s8+$0x5C50];
	_ =	sdelay $0x4  }
0x2b9: {  	[tilespmem:s4+$0x450] =	vst v0  }
0x2ba: {  	v0 =	vld [tilespmem:s8+$0x5C60];
	_ =	sdelay $0x4  }
0x2bb: {  	[tilespmem:s4+$0x460] =	vst v0  }
0x2bc: {  	v0 =	vld [tilespmem:s8+$0x5C70]  }
.LBB2_17:
0x2bd: {  	_ = 	snop  }
0x2be: {  	p0 =	sne.s32 s1, $0x2780;
	s11 =	smov.u32 s0  }
0x2bf: {  	s0 =	sadd.s32 $0x100, s0;
	s14 =	smov.u32 s1;
	s1 =	sadd.s32 $0x80, s1  }
0x2c0: {  	s8 =	sand.u32 $0xF800, s0;
	s15 =	sand.u32 $0x380, s1  }
0x2c1: {  	s8 =	sor.u32 s15, s8;
	[tilespmem:s4+$0x470] =	vst v0  }
0x2c2: {  	v0 =	vld [tilespmem:s8+$0x5800];
	_ =	sdelay $0x2  }
0x2c3: {  	s4 =	sand.u32 $0x7800, s11;
	s11 =	sand.u32 $0x380, s14  }
0x2c4: {  	s4 =	sor.u32 s11, s4  }
0x2c5: {  	[tilespmem:s4+$0x15000] =	vst v0  }
0x2c6: {  	v0 =	vld [tilespmem:s8+$0x5810];
	_ =	sdelay $0x3  }
0x2c7: {  	s4 =	sadd.s32 $0x15000, s4  }
0x2c8: {  	[tilespmem:s4+$0x10] =	vst v0  }
0x2c9: {  	v0 =	vld [tilespmem:s8+$0x5820];
	_ =	sdelay $0x4  }
0x2ca: {  	[tilespmem:s4+$0x20] =	vst v0  }
0x2cb: {  	v0 =	vld [tilespmem:s8+$0x5830];
	_ =	sdelay $0x4  }
0x2cc: {  	[tilespmem:s4+$0x30] =	vst v0  }
0x2cd: {  	v0 =	vld [tilespmem:s8+$0x5840];
	_ =	sdelay $0x4  }
0x2ce: {  	[tilespmem:s4+$0x40] =	vst v0  }
0x2cf: {  	v0 =	vld [tilespmem:s8+$0x5850];
	_ =	sdelay $0x4  }
0x2d0: {  	[tilespmem:s4+$0x50] =	vst v0  }
0x2d1: {  	v0 =	vld [tilespmem:s8+$0x5860];
	_ =	sdelay $0x4  }
0x2d2: {  	[tilespmem:s4+$0x60] =	vst v0  }
0x2d3: {  	v0 =	vld [tilespmem:s8+$0x5870];
	_ =	sdelay $0x4  }
0x2d4: {  	[tilespmem:s4+$0x70] =	vst v0  }
0x2d5: {  	v0 =	vld [tilespmem:s8+$0x5C00];
	_ =	sdelay $0x4  }
0x2d6: {  	[tilespmem:s4+$0x400] =	vst v0  }
0x2d7: {  	v0 =	vld [tilespmem:s8+$0x5C10];
	_ =	sdelay $0x4  }
0x2d8: {  	[tilespmem:s4+$0x410] =	vst v0  }
0x2d9: {  	v0 =	vld [tilespmem:s8+$0x5C20];
	_ =	sdelay $0x4  }
0x2da: {  	[tilespmem:s4+$0x420] =	vst v0  }
0x2db: {  	v0 =	vld [tilespmem:s8+$0x5C30];
	_ =	sdelay $0x4  }
0x2dc: {  	[tilespmem:s4+$0x430] =	vst v0  }
0x2dd: {  	v0 =	vld [tilespmem:s8+$0x5C40];
	_ =	sdelay $0x4  }
0x2de: {  	[tilespmem:s4+$0x440] =	vst v0  }
0x2df: {  	v0 =	vld [tilespmem:s8+$0x5C50];
	_ =	sdelay $0x4  }
0x2e0: {  	[tilespmem:s4+$0x450] =	vst v0  }
0x2e1: {  	v0 =	vld [tilespmem:s8+$0x5C60];
	_ =	sdelay $0x1  }
.Ltmp7:
0x2e2: {  	(pc) =	sbr.rel @p0 .LBB2_17-.Ltmp7, $3  }
0x2e3: {  	_ =	sdelay $0x1  }
0x2e4: {  	[tilespmem:s4+$0x460] =	vst v0  }
0x2e5: {  	v0 =	vld [tilespmem:s8+$0x5C70]  }
0x2e6: {  	_ =	sdelay $0x3  }
0x2e7: {  	s0 =	sadd.s32 $0x320000, s29;
	s14 =	simm.s32 $0x180;
	s1 =	simm.s32 $0x300;
	[tilespmem:s4+$0x470] =	vst v0  }
0x2e8: {  	[hbm4b:s0+s9] =	stream.strided.scatter [tilespmem:s18], [sflag:$0x7], $0x5000, s10, s9, $0x38;
	[tilespmem:$0x1F000] =	vst v63  }
0x2e9: {  	s1 =	sand.u32 $0xF800, s1;
	s0 =	sand.u32 $0x380, s14  }
0x2ea: {  	s15 =	sor.u32 s0, s1  }
0x2eb: {  	v0 =	vld [tilespmem:s15+$0x5800];
	_ =	sdelay $0x1  }
0x2ec: {  	s30 =	simm.s32 $0x0;
	s31 =	simm.s32 $0x0  }
0x2ed: {  	s0 =	sand.u32 $0x7800, s30;
	s1 =	sand.u32 $0x380, s31  }
0x2ee: {  	s0 =	sor.u32 s1, s0  }
0x2ef: {  	[tilespmem:s0+$0x1A000] =	vst v0  }
0x2f0: {  	v0 =	vld [tilespmem:s15+$0x5810];
	_ =	sdelay $0x3  }
0x2f1: {  	s0 =	sadd.s32 $0x1A000, s0  }
0x2f2: {  	[tilespmem:s0+$0x10] =	vst v0  }
0x2f3: {  	v0 =	vld [tilespmem:s15+$0x5820];
	_ =	sdelay $0x4  }
0x2f4: {  	[tilespmem:s0+$0x20] =	vst v0  }
0x2f5: {  	v0 =	vld [tilespmem:s15+$0x5830];
	_ =	sdelay $0x4  }
0x2f6: {  	[tilespmem:s0+$0x30] =	vst v0  }
0x2f7: {  	v0 =	vld [tilespmem:s15+$0x5840];
	_ =	sdelay $0x4  }
0x2f8: {  	[tilespmem:s0+$0x40] =	vst v0  }
0x2f9: {  	v0 =	vld [tilespmem:s15+$0x5850];
	_ =	sdelay $0x4  }
0x2fa: {  	[tilespmem:s0+$0x50] =	vst v0  }
0x2fb: {  	v0 =	vld [tilespmem:s15+$0x5860];
	_ =	sdelay $0x4  }
0x2fc: {  	[tilespmem:s0+$0x60] =	vst v0  }
0x2fd: {  	v0 =	vld [tilespmem:s15+$0x5870];
	_ =	sdelay $0x4  }
0x2fe: {  	[tilespmem:s0+$0x70] =	vst v0  }
0x2ff: {  	v0 =	vld [tilespmem:s15+$0x5C00];
	_ =	sdelay $0x4  }
0x300: {  	[tilespmem:s0+$0x400] =	vst v0  }
0x301: {  	v0 =	vld [tilespmem:s15+$0x5C10];
	_ =	sdelay $0x4  }
0x302: {  	[tilespmem:s0+$0x410] =	vst v0  }
0x303: {  	v0 =	vld [tilespmem:s15+$0x5C20];
	_ =	sdelay $0x4  }
0x304: {  	[tilespmem:s0+$0x420] =	vst v0  }
0x305: {  	v0 =	vld [tilespmem:s15+$0x5C30];
	_ =	sdelay $0x4  }
0x306: {  	[tilespmem:s0+$0x430] =	vst v0  }
0x307: {  	v0 =	vld [tilespmem:s15+$0x5C40];
	_ =	sdelay $0x4  }
0x308: {  	[tilespmem:s0+$0x440] =	vst v0  }
0x309: {  	v0 =	vld [tilespmem:s15+$0x5C50];
	_ =	sdelay $0x4  }
0x30a: {  	[tilespmem:s0+$0x450] =	vst v0  }
0x30b: {  	v0 =	vld [tilespmem:s15+$0x5C60];
	_ =	sdelay $0x4  }
0x30c: {  	[tilespmem:s0+$0x460] =	vst v0  }
0x30d: {  	v0 =	vld [tilespmem:s15+$0x5C70];
	_ =	sdelay $0x1  }
0x30e: {  	s11 =	simm.s32 $0x400;
	s8 =	simm.s32 $0x280  }
0x30f: {  	s4 =	simm.s32 $0x100;
	s1 =	simm.s32 $0x200;
	s15 =	simm.s32 $0x5000  }
.LBB2_19:
0x310: {  	p0 =	sne.s32 s8, $0x2900;
	s11 =	sand.u32 $0xF800, s11;
	s14 =	sand.u32 $0x380, s1  }
0x311: {  	s11 =	sor.u32 s14, s11;
	[tilespmem:s0+$0x470] =	vst v0  }
0x312: {  	v0 =	vld [tilespmem:s11+$0x5800];
	_ =	sdelay $0x1  }
0x313: {  	s0 =	sadd.s32 $0xFFFFFE80, s1;
	s1 =	smov.u32 s8  }
0x314: {  	s14 =	sand.u32 $0x7800, s4;
	s0 =	sand.u32 $0x380, s0  }
0x315: {  	s0 =	sor.u32 s0, s14  }
0x316: {  	[tilespmem:s0+$0x1A000] =	vst v0  }
0x317: {  	v0 =	vld [tilespmem:s11+$0x5810];
	_ =	sdelay $0x3  }
0x318: {  	s0 =	sadd.s32 $0x1A000, s0  }
0x319: {  	[tilespmem:s0+$0x10] =	vst v0  }
0x31a: {  	v0 =	vld [tilespmem:s11+$0x5820];
	_ =	sdelay $0x4  }
0x31b: {  	[tilespmem:s0+$0x20] =	vst v0  }
0x31c: {  	v0 =	vld [tilespmem:s11+$0x5830];
	_ =	sdelay $0x4  }
0x31d: {  	[tilespmem:s0+$0x30] =	vst v0  }
0x31e: {  	v0 =	vld [tilespmem:s11+$0x5840];
	_ =	sdelay $0x4  }
0x31f: {  	[tilespmem:s0+$0x40] =	vst v0  }
0x320: {  	v0 =	vld [tilespmem:s11+$0x5850];
	_ =	sdelay $0x4  }
0x321: {  	[tilespmem:s0+$0x50] =	vst v0  }
0x322: {  	v0 =	vld [tilespmem:s11+$0x5860];
	_ =	sdelay $0x4  }
0x323: {  	[tilespmem:s0+$0x60] =	vst v0  }
0x324: {  	v0 =	vld [tilespmem:s11+$0x5870];
	_ =	sdelay $0x4  }
0x325: {  	[tilespmem:s0+$0x70] =	vst v0  }
0x326: {  	v0 =	vld [tilespmem:s11+$0x5C00];
	_ =	sdelay $0x4  }
0x327: {  	[tilespmem:s0+$0x400] =	vst v0  }
0x328: {  	v0 =	vld [tilespmem:s11+$0x5C10];
	_ =	sdelay $0x4  }
0x329: {  	[tilespmem:s0+$0x410] =	vst v0  }
0x32a: {  	v0 =	vld [tilespmem:s11+$0x5C20];
	_ =	sdelay $0x4  }
0x32b: {  	[tilespmem:s0+$0x420] =	vst v0  }
0x32c: {  	v0 =	vld [tilespmem:s11+$0x5C30];
	_ =	sdelay $0x4  }
0x32d: {  	[tilespmem:s0+$0x430] =	vst v0  }
0x32e: {  	v0 =	vld [tilespmem:s11+$0x5C40];
	_ =	sdelay $0x4  }
0x32f: {  	[tilespmem:s0+$0x440] =	vst v0  }
0x330: {  	v0 =	vld [tilespmem:s11+$0x5C50];
	_ =	sdelay $0x4  }
0x331: {  	[tilespmem:s0+$0x450] =	vst v0  }
0x332: {  	v0 =	vld [tilespmem:s11+$0x5C60];
	_ =	sdelay $0x4  }
.Ltmp8:
0x333: {  	[tilespmem:s0+$0x460] =	vst v0;
	(pc) =	sbr.rel @p0 .LBB2_19-.Ltmp8, $3  }
0x334: {  	v0 =	vld [tilespmem:s11+$0x5C70];
	_ =	sdelay $0x1  }
0x335: {  	s4 =	sadd.s32 $0x100, s4  }
0x336: {  	s8 =	sadd.s32 $0x80, s8;
	s11 =	sadd.s32 $0x300, s4  }
0x337: {  	s8 =	sand.u32 $0xF800, s11;
	s31 =	sand.u32 $0x380, s1  }
0x338: {  	s8 =	sor.u32 s31, s8;
	[tilespmem:s0+$0x470] =	vst v0  }
0x339: {  	v0 =	vld [tilespmem:s8+$0x5800];
	_ =	sdelay $0x1  }
0x33a: {  	s14 =	sadd.s32 $0xFFFFFE80, s1  }
0x33b: {  	s30 =	sand.u32 $0x7800, s4;
	s0 =	sand.u32 $0x380, s14  }
0x33c: {  	s0 =	sor.u32 s0, s30  }
0x33d: {  	[tilespmem:s0+$0x1A000] =	vst v0  }
0x33e: {  	v0 =	vld [tilespmem:s8+$0x5810];
	_ =	sdelay $0x3  }
0x33f: {  	s0 =	sadd.s32 $0x1A000, s0  }
0x340: {  	[tilespmem:s0+$0x10] =	vst v0  }
0x341: {  	v0 =	vld [tilespmem:s8+$0x5820];
	_ =	sdelay $0x4  }
0x342: {  	[tilespmem:s0+$0x20] =	vst v0  }
0x343: {  	v0 =	vld [tilespmem:s8+$0x5830];
	_ =	sdelay $0x4  }
0x344: {  	[tilespmem:s0+$0x30] =	vst v0  }
0x345: {  	v0 =	vld [tilespmem:s8+$0x5840];
	_ =	sdelay $0x4  }
0x346: {  	[tilespmem:s0+$0x40] =	vst v0  }
0x347: {  	v0 =	vld [tilespmem:s8+$0x5850];
	_ =	sdelay $0x4  }
0x348: {  	[tilespmem:s0+$0x50] =	vst v0  }
0x349: {  	v0 =	vld [tilespmem:s8+$0x5860];
	_ =	sdelay $0x4  }
0x34a: {  	[tilespmem:s0+$0x60] =	vst v0  }
0x34b: {  	v0 =	vld [tilespmem:s8+$0x5870];
	_ =	sdelay $0x4  }
0x34c: {  	[tilespmem:s0+$0x70] =	vst v0  }
0x34d: {  	v0 =	vld [tilespmem:s8+$0x5C00];
	_ =	sdelay $0x4  }
0x34e: {  	[tilespmem:s0+$0x400] =	vst v0  }
0x34f: {  	v0 =	vld [tilespmem:s8+$0x5C10];
	_ =	sdelay $0x4  }
0x350: {  	[tilespmem:s0+$0x410] =	vst v0  }
0x351: {  	v0 =	vld [tilespmem:s8+$0x5C20];
	_ =	sdelay $0x4  }
0x352: {  	[tilespmem:s0+$0x420] =	vst v0  }
0x353: {  	v0 =	vld [tilespmem:s8+$0x5C30];
	_ =	sdelay $0x4  }
0x354: {  	[tilespmem:s0+$0x430] =	vst v0  }
0x355: {  	v0 =	vld [tilespmem:s8+$0x5C40];
	_ =	sdelay $0x4  }
0x356: {  	[tilespmem:s0+$0x440] =	vst v0  }
0x357: {  	v0 =	vld [tilespmem:s8+$0x5C50];
	_ =	sdelay $0x4  }
0x358: {  	[tilespmem:s0+$0x450] =	vst v0  }
0x359: {  	v0 =	vld [tilespmem:s8+$0x5C60];
	_ =	sdelay $0x4  }
0x35a: {  	[tilespmem:s0+$0x460] =	vst v0  }
0x35b: {  	v0 =	vld [tilespmem:s8+$0x5C70];
	_ =	sdelay $0x4  }
0x35c: {  	s31 =	sadd.s32 $0x640000, s29;
	[tilespmem:s0+$0x470] =	vst v0  }
0x35d: {  	[hbm4b:s31+s9] =	stream.strided.scatter [tilespmem:s19], [sflag:$0x8], $0x5000, s10, s9, $0x38;
	[tilespmem:$0x1F000] =	vst v63  }
0x35e: {  	_ =	swait.ge [sflag:s20], $0x5000  }
0x35f: {  	[sflag:s20] =	ssyncset.done $0x0  }
0x360: {  	[sflag:s20] =	ssyncadd.s32 $0xFFFFB000  }
0x361: {  	_ =	swait.ge [sflag:s21], $0x5000  }
0x362: {  	[sflag:s21] =	ssyncset.done $0x0  }
0x363: {  	[sflag:s21] =	ssyncadd.s32 $0xFFFFB000  }
0x364: {  	_ =	swait.ge [sflag:s22], $0x5000  }
0x365: {  	[sflag:s22] =	ssyncset.done $0x0  }
0x366: {  	[sflag:s22] =	ssyncadd.s32 $0xFFFFB000  }
0x367: {  	_ =	swait.ge [sflag:s23], $0x5000  }
0x368: {  	[sflag:s23] =	ssyncset.done $0x0  }
0x369: {  	s28 =	sadd.s32 $0x1, s28;
	[sflag:s23] =	ssyncadd.s32 $0xFFFFB000  }
0x36a: {  	p0 =	sne.s32 s28, $0xA;
	_ =	swait.ge [sflag:s24], $0x5000  }
.Ltmp9:
0x36b: {  	[sflag:s24] =	ssyncset.done $0x0;
	(pc) =	sbr.rel @p0 .LBB2_12-.Ltmp9, $4  }
0x36c: {  	[sflag:s24] =	ssyncadd.s32 $0xFFFFB000  }
0x36d: {  	_ =	swait.ge [sflag:s25], $0x5000  }
0x36e: {  	[sflag:s25] =	ssyncset.done $0x0  }
0x36f: {  	[sflag:s25] =	ssyncadd.s32 $0xFFFFB000  }
0x370: {  	s8 =	rddreg [dreg:$0x3]  }
0x371: {  	s0 =	rddreg [dreg:$0x4];
	s8 =	sadd.s32 $0x1, s8  }
0x372: {  	p0 =	sne.s32 s8, s0  }
.Ltmp10:
0x373: {  	_ = 	snop;
	(pc) =	sbr.rel @p0 .LBB2_1-.Ltmp10, $1  }
0x374: {  	_ =	sdelay $0x3  }
0x375: {  	_ =	sfence.sel $0x180000  }
0x376: {  	[bflag:$0x0] =	sbarrier.arrive $0xFFFF  }
0x377: {  	_ =	strace $0x90000047  }
0x378: {  	s0 =	stileid.u32;
	[bflag:$0x2] =	sbarrier.arrive $0xFFFF  }
0x379: {  	p0 =	sne.s32 s0, $0x0;
	s0 =	rddreg [dreg:$0x2]  }
0x37a: {  	s0 =	sadd.s32 @!p0 $0x100000, s0  }
0x37b: {  	[sflag:s0] =	ssyncadd.tile.s32 @!p0 $0x1;
	_ =	shalt  }
.Lfunc_end2:
_tile_overlayer_lowered:
.L_overlay_start_2:
0x37c: {  	(tag) =	ssettag $0x2  }
0x37d: {  	s0 =	rddreg [dreg:$0x0];
	s2 =	stileid.u32  }
0x37e: {  	s1 =	rddreg [dreg:$0x1];
	p0 =	sne.s32 s2, $0x0  }
0x37f: {  	s3 =	rddreg [dreg:$0x2];
	[bflag:$0x3] =	sbarrier.arrive $0xFFFF;
	s2 =	simm.s32 @!p0 $0x1C09  }
0x380: {  	[timem:s3], [sflag:s2] =	dma.local @!p0 [hbm:s0], s1  }
0x381: {  	s0 =	simm.s32 @!p0 $0x9  }
0x382: {  	_ =	swait.ge @!p0 [sflag:s0], s1  }
0x383: {  	s1 =	ssub.s32 @!p0 $0x0, s1;
	[sflag:s0] =	ssyncset.done @!p0 $0x0  }
0x384: {  	[sflag:s0] =	ssyncadd.s32 @!p0 s1  }
0x385: {  	[bflag:$0x3] =	sbarrier.arrive $0xFFFF  }
0x386: {  	_ =	shalt  }

</sc_bundles>
